<compile_context>
chip_gen: v7x
topology: tpu7x:2x2x1
jax: 0.10.2.dev20260603
libtpu: 0.0.44.dev20260713+nightly
codegen_flags: <defaults>
</compile_context>

<pallas_src>
import functools

import jax
import jax.numpy as jnp
from jax import lax
from jax.experimental import pallas as pl
from jax.experimental.pallas import tpu as pltpu
from jax.experimental.pallas import tpu_sc as plsc

N = 10000
H = 128
NP = 10240
E = 320000
LANES = 128
BPT = 80
NW = 32
EPAD = NW * BPT * LANES
NBLK = NW * BPT
NTILES = 16
STRIPE = NP // NTILES
RB = 512
GRID = NP // RB
_mesh = plsc.VectorSubcoreMesh(core_axis_name="c", subcore_axis_name="s")
_f32 = jnp.float32




@functools.partial(
    pl.kernel,
    mesh=_mesh,
    out_type=jax.ShapeDtypeStruct((2, NP, H), _f32),
    scratch_types=[
        pltpu.VMEM((BPT, LANES), jnp.int32),
        pltpu.VMEM((LANES, H), _f32),
        pltpu.VMEM_SHARED((NP, H), _f32),
    ],
)
def _sc_degree(dst_hbm, ones_hbm, zeros_hbm, out_hbm, dst_v, ones_v, acc):
    c = lax.axis_index("c")
    s = lax.axis_index("s")
    tid = c * NTILES + s
    pltpu.sync_copy(zeros_hbm, acc.at[pl.ds(s * STRIPE, STRIPE)])
    plsc.subcore_barrier()
    pltpu.sync_copy(dst_hbm.at[pl.ds(tid * BPT, BPT)], dst_v)
    pltpu.sync_copy(ones_hbm, ones_v)

    def body(j, carry):
        pltpu.sync_copy(ones_v, acc.at[dst_v.at[j]], add=True)
        return carry

    lax.fori_loop(0, BPT, body, 0)
    plsc.subcore_barrier()
    pltpu.sync_copy(acc.at[pl.ds(s * STRIPE, STRIPE)],
                    out_hbm.at[c].at[pl.ds(s * STRIPE, STRIPE)])

NBUF = 2
CB = 40
NCF = 3
NCS = 1
FB = NCF * CB
SB = NCS * CB


@functools.partial(
    pl.kernel,
    mesh=_mesh,
    out_type=jax.ShapeDtypeStruct((2, NP, H), _f32),
    scratch_types=[
        pltpu.VMEM((CB, LANES), jnp.int32),
        pltpu.VMEM((CB, LANES), jnp.int32),
        pltpu.VMEM((LANES, H), _f32),
        pltpu.VMEM((LANES, H), _f32),
        pltpu.VMEM_SHARED((NP, H), _f32),
        pltpu.SemaphoreType.DMA,
        pltpu.SemaphoreType.DMA,
    ],
)
def _sc_propagate(y_hbm, src_hbm, dst_hbm, zeros_hbm, out_hbm,
                  src_v, dst_v, b0, b1, acc, s0, s1):
    bufs = (b0, b1)
    sems = (s0, s1)
    c = lax.axis_index("c")
    s = lax.axis_index("s")
    pltpu.sync_copy(zeros_hbm, acc.at[pl.ds(s * STRIPE, STRIPE)])
    plsc.subcore_barrier()
    nc = jnp.where(c == 0, NCF, NCS)
    base = jnp.where(c == 0, s * FB, 16 * FB + s * SB)

    def chunk_body(k, carry):
        off = pl.multiple_of(base + k * CB, 8)
        pltpu.sync_copy(src_hbm.at[pl.ds(off, CB)], src_v)
        pltpu.sync_copy(dst_hbm.at[pl.ds(off, CB)], dst_v)

        def body(jj, carry2):
            for b in range(NBUF):
                pltpu.async_copy(y_hbm.at[src_v.at[jj * NBUF + b]],
                                 bufs[b], sems[b])
            for b in range(NBUF):
                pltpu.make_async_copy(y_hbm.at[pl.ds(0, LANES)],
                                      bufs[b], sems[b]).wait()
                pltpu.sync_copy(bufs[b], acc.at[dst_v.at[jj * NBUF + b]],
                                add=True)
            return carry2

        lax.fori_loop(0, CB // NBUF, body, 0)
        return carry

    lax.fori_loop(0, nc, chunk_body, 0)
    plsc.subcore_barrier()
    pltpu.sync_copy(acc.at[pl.ds(s * STRIPE, STRIPE)],
                    out_hbm.at[c].at[pl.ds(s * STRIPE, STRIPE)])



def _dot(a, b):
    return jnp.dot(a, b, preferred_element_type=_f32,
                   precision=lax.Precision.HIGHEST)


def _tc_first_body(deg_ref, x_ref, w_ref, y_ref, dinv_ref):
    i = pl.program_id(0)
    deg = deg_ref[0, :, 0:1] + deg_ref[1, :, 0:1] + 1.0
    rows = i * RB + lax.broadcasted_iota(jnp.int32, (RB, 1), 0)
    dinv = jnp.where(rows < N, lax.rsqrt(deg), 0.0)
    y_ref[:] = dinv * _dot(x_ref[:], w_ref[:])
    dinv_ref[:] = dinv


_tc_first = pl.pallas_call(
    _tc_first_body,
    grid=(GRID,),
    in_specs=[pl.BlockSpec((2, RB, H), lambda i: (0, i, 0)),
              pl.BlockSpec((RB, H), lambda i: (i, 0)),
              pl.BlockSpec((H, H), lambda i: (0, 0))],
    out_specs=[pl.BlockSpec((RB, H), lambda i: (i, 0)),
               pl.BlockSpec((RB, 1), lambda i: (i, 0))],
    out_shape=[jax.ShapeDtypeStruct((NP, H), _f32),
               jax.ShapeDtypeStruct((NP, 1), _f32)],
)


def _tc_mid_body(p_ref, y_ref, dinv_ref, b_ref, w_ref, h_ref, y2_ref):
    d = dinv_ref[:]
    h = jnp.maximum(d * (p_ref[0] + p_ref[1] + y_ref[:]) + b_ref[:], 0.0)
    h_ref[:] = h
    y2_ref[:] = d * _dot(h, w_ref[:])


_tc_mid = pl.pallas_call(
    _tc_mid_body,
    grid=(GRID,),
    in_specs=[pl.BlockSpec((2, RB, H), lambda i: (0, i, 0)),
              pl.BlockSpec((RB, H), lambda i: (i, 0)),
              pl.BlockSpec((RB, 1), lambda i: (i, 0)),
              pl.BlockSpec((1, H), lambda i: (0, 0)),
              pl.BlockSpec((H, H), lambda i: (0, 0))],
    out_specs=[pl.BlockSpec((RB, H), lambda i: (i, 0)),
               pl.BlockSpec((RB, H), lambda i: (i, 0))],
    out_shape=[jax.ShapeDtypeStruct((NP, H), _f32),
               jax.ShapeDtypeStruct((NP, H), _f32)],
)


def _tc_last_body(p_ref, y_ref, dinv_ref, b_ref, h_ref):
    d = dinv_ref[:]
    h_ref[:] = jnp.maximum(
        d * (p_ref[0] + p_ref[1] + y_ref[:]) + b_ref[:], 0.0)


_tc_last = pl.pallas_call(
    _tc_last_body,
    grid=(GRID,),
    in_specs=[pl.BlockSpec((2, RB, H), lambda i: (0, i, 0)),
              pl.BlockSpec((RB, H), lambda i: (i, 0)),
              pl.BlockSpec((RB, 1), lambda i: (i, 0)),
              pl.BlockSpec((1, H), lambda i: (0, 0))],
    out_specs=pl.BlockSpec((RB, H), lambda i: (i, 0)),
    out_shape=jax.ShapeDtypeStruct((NP, H), _f32),
)


def _tc_final_body(h0_ref, h1_ref, h2_ref, h3_ref, wl_ref, bl_ref, o_ref):
    z = (bl_ref[:]
         + _dot(h0_ref[:], wl_ref[0:H])
         + _dot(h1_ref[:], wl_ref[H:2 * H])
         + _dot(h2_ref[:], wl_ref[2 * H:3 * H])
         + _dot(h3_ref[:], wl_ref[3 * H:4 * H]))
    z = z - jnp.max(z, axis=-1, keepdims=True)
    o_ref[:] = z - jnp.log(jnp.sum(jnp.exp(z), axis=-1, keepdims=True))


_tc_final = pl.pallas_call(
    _tc_final_body,
    grid=(GRID,),
    in_specs=[pl.BlockSpec((RB, H), lambda i: (i, 0)),
              pl.BlockSpec((RB, H), lambda i: (i, 0)),
              pl.BlockSpec((RB, H), lambda i: (i, 0)),
              pl.BlockSpec((RB, H), lambda i: (i, 0)),
              pl.BlockSpec((4 * H, H), lambda i: (0, 0)),
              pl.BlockSpec((1, H), lambda i: (0, 0))],
    out_specs=pl.BlockSpec((RB, H), lambda i: (i, 0)),
    out_shape=jax.ShapeDtypeStruct((NP, H), _f32),
)



def kernel(x, edge_index, W0, b0, W1, b1, W2, b2, W3, b3, Wl, bl):
    x_pad = jnp.zeros((NP, H), _f32).at[:N, :].set(x)
    fill = jnp.full((EPAD - E,), N, jnp.int32)
    src2 = jnp.concatenate([edge_index[0], fill]).reshape(NBLK, LANES)
    dst2 = jnp.concatenate([edge_index[1], fill]).reshape(NBLK, LANES)
    zeros_p = jnp.zeros((STRIPE, H), _f32)
    ones_d = jnp.ones((LANES, H), _f32)

    degp = _sc_degree(dst2, ones_d, zeros_p)
    y, dinv = _tc_first(degp, x_pad, W0)

    hs = []
    for (b_cur, w_next) in ((b0, W1), (b1, W2), (b2, W3)):
        p = _sc_propagate(y, src2, dst2, zeros_p)
        h, y = _tc_mid(p, y, dinv, b_cur.reshape(1, H), w_next)
        hs.append(h)
    p = _sc_propagate(y, src2, dst2, zeros_p)
    hs.append(_tc_last(p, y, dinv, b3.reshape(1, H)))

    out = _tc_final(hs[0], hs[1], hs[2], hs[3], Wl, bl.reshape(1, H))
    return out[:N]

# --- scband reference (transcript-rebuilt; emitter-appended) ---
"""Pipeline reference for scband-jk-net-20469814133286 (READ-ONLY COPY).

The authoritative reference and input builder live on the scoring server;
editing this copy changes nothing except your own understanding.
"""

import jax, jax.numpy as jnp
import numpy as np

N = 10000
E = 320000
D_IN = 128
H = 128
OUT = 128
L = 4


def setup_inputs(seed: int = 0) -> dict:
    key = jax.random.key(seed)
    ks = jax.random.split(key, 16)
    x = jax.random.normal(ks[0], (N, D_IN), dtype=jnp.float32)
    edge_index = jax.random.randint(ks[1], (2, E), 0, N, dtype=jnp.int32)
    s0 = 1.0 / np.sqrt(D_IN)
    sh = 1.0 / np.sqrt(H)
    W0 = jax.random.uniform(ks[2], (D_IN, H), jnp.float32, -s0, s0)
    b0 = jax.random.uniform(ks[3], (H,), jnp.float32, -s0, s0)
    W1 = jax.random.uniform(ks[4], (H, H), jnp.float32, -sh, sh)
    b1 = jax.random.uniform(ks[5], (H,), jnp.float32, -sh, sh)
    W2 = jax.random.uniform(ks[6], (H, H), jnp.float32, -sh, sh)
    b2 = jax.random.uniform(ks[7], (H,), jnp.float32, -sh, sh)
    W3 = jax.random.uniform(ks[8], (H, H), jnp.float32, -sh, sh)
    b3 = jax.random.uniform(ks[9], (H,), jnp.float32, -sh, sh)
    sl = 1.0 / np.sqrt(L * H)
    Wl = jax.random.uniform(ks[10], (L * H, OUT), jnp.float32, -sl, sl)
    bl = jax.random.uniform(ks[11], (OUT,), jnp.float32, -sl, sl)
    return {"x": x, "edge_index": edge_index, "W0": W0, "b0": b0, "W1": W1, "b1": b1,
            "W2": W2, "b2": b2, "W3": W3, "b3": b3, "Wl": Wl, "bl": bl}


def _gcn_conv(x, src, dst, W, b):
    # GCNConv with self-loops already appended to (src, dst):
    # out_i = sum_j norm_ij * (x_j @ W) + b, norm_ij = d_i^{-1/2} d_j^{-1/2}
    xw = x @ W
    ones = jnp.ones((src.shape[0],), x.dtype)
    deg = jnp.zeros((N,), x.dtype).at[dst].add(ones)
    dinv = jnp.where(deg > 0, jax.lax.rsqrt(jnp.maximum(deg, 1e-12)), 0.0)
    norm = dinv[src] * dinv[dst]
    msg = xw[src] * norm[:, None]
    out = jnp.zeros((N, W.shape[1]), x.dtype).at[dst].add(msg)
    return out + b


def reference(x, edge_index, W0, b0, W1, b1, W2, b2, W3, b3, Wl, bl):
    loop = jnp.arange(N, dtype=edge_index.dtype)
    src = jnp.concatenate([edge_index[0], loop])
    dst = jnp.concatenate([edge_index[1], loop])
    h = x
    xs = []
    for (W, b) in ((W0, b0), (W1, b1), (W2, b2), (W3, b3)):
        h = _gcn_conv(h, src, dst, W, b)
        h = jax.nn.relu(h)
        # dropout p=0.0 -> identity
        xs.append(h)
    h = jnp.concatenate(xs, axis=-1)  # JumpingKnowledge 'cat'
    h = h @ Wl + bl
    return jax.nn.log_softmax(h, axis=-1)

if __name__ == "__main__":
    import jax
    _d = setup_inputs()
    print(jax.jit(kernel)(*tuple(_d.values())))

</pallas_src>

<mosaic_0001>
#map = affine_map<(d0, d1) -> (0, 0)>
#map1 = affine_map<(d0, d1) -> (0, 0, 0)>
module attributes {stable_mosaic.version = 14 : i64} {
  func.func @_sc_propagate(%arg0: i32, %arg1: i32, %arg2: memref<10240x128xf32, #tpu.memory_space<hbm>>, %arg3: memref<2560x128xi32, #tpu.memory_space<hbm>>, %arg4: memref<2560x128xi32, #tpu.memory_space<hbm>>, %arg5: memref<640x128xf32, #tpu.memory_space<hbm>>, %arg6: memref<2x10240x128xf32, #tpu.memory_space<hbm>>, %arg7: memref<40x128xi32, #tpu.memory_space<vmem>>, %arg8: memref<40x128xi32, #tpu.memory_space<vmem>>, %arg9: memref<128x128xf32, #tpu.memory_space<vmem>>, %arg10: memref<128x128xf32, #tpu.memory_space<vmem>>, %arg11: memref<10240x128xf32, #tpu.memory_space<vmem_shared>>, %arg12: memref<!tpu.dma_semaphore, #tpu.memory_space<semaphore_mem>>, %arg13: memref<!tpu.dma_semaphore, #tpu.memory_space<semaphore_mem>>) attributes {dimension_semantics = [#tpu.dimension_semantics<core_parallel>, #tpu.dimension_semantics<subcore_parallel>], iteration_bounds = array<i64: 2, 16>, scalar_prefetch = 0 : i64, scratch_operands = 7 : i64, tpu.core_type = #tpu.core_type<sc_vector_subcore>, window_params = [{transform_indices = #map}, {transform_indices = #map}, {transform_indices = #map}, {transform_indices = #map}, {transform_indices = #map1}]} {
    %mul3A = arith.constant 640 : i32
    %mul3A_0 = arith.muli %arg1, %mul3A : i32
    "tpu.region"() ({
      %run_scoped3A = tpu.sem_alloc : memref<!tpu.dma_semaphore, #tpu.memory_space<semaphore_mem>>
      %dma_start3A = arith.constant 0 : i32
      %dma_start3A_25 = tpu.memref_slice %arg11[%mul3A_0, %dma_start3A] : memref<10240x128xf32, #tpu.memory_space<vmem_shared>> -> memref<640x128xf32, #tpu.memory_space<vmem_shared>>
      tpu.enqueue_dma source(%arg5 : memref<640x128xf32, #tpu.memory_space<hbm>>) target(%dma_start3A_25 : memref<640x128xf32, #tpu.memory_space<vmem_shared>>) target_semaphore(%run_scoped3A : memref<!tpu.dma_semaphore, #tpu.memory_space<semaphore_mem>>)
      %dma_wait3A = arith.constant 0 : i32
      %dma_wait3A_26 = tpu.memref_slice %arg11[%mul3A_0, %dma_wait3A] : memref<10240x128xf32, #tpu.memory_space<vmem_shared>> -> memref<640x128xf32, #tpu.memory_space<vmem_shared>>
      tpu.wait_dma2 semaphore(%run_scoped3A : memref<!tpu.dma_semaphore, #tpu.memory_space<semaphore_mem>>) src(%arg5 : memref<640x128xf32, #tpu.memory_space<hbm>>) dst(%dma_wait3A_26 : memref<640x128xf32, #tpu.memory_space<vmem_shared>>)
      tpu.yield
    }) : () -> ()
    %barrier3A = arith.constant 0 : index
    tpu.barrier barrier_id(%barrier3A)
    %eq3A = arith.constant 0 : i32
    %eq3A_1 = arith.cmpi eq, %arg0, %eq3A : i32
    %jit3A = arith.constant 3 : i32
    %jit3A_2 = arith.constant 1 : i32
    %select_n3A = arith.select %eq3A_1, %jit3A, %jit3A_2 : i32
    %eq3A_3 = arith.constant 0 : i32
    %eq3A_4 = arith.cmpi eq, %arg0, %eq3A_3 : i32
    %mul3A_5 = arith.constant 120 : i32
    %mul3A_6 = arith.muli %arg1, %mul3A_5 : i32
    %mul3A_7 = arith.constant 40 : i32
    %mul3A_8 = arith.muli %arg1, %mul3A_7 : i32
    %add3A = arith.constant 1920 : i32
    %add3A_9 = arith.addi %add3A, %mul3A_8 : i32
    %select_n3A_10 = arith.select %eq3A_4, %mul3A_6, %add3A_9 : i32
    %while3A = arith.constant 0 : i32
    %while3A_11 = arith.constant 0 : i32
    %while3A_12 = arith.subi %select_n3A, %while3A_11 : i32
    %while3A_13 = arith.addi %while3A_11, %while3A_12 : i32
    %while3A_14 = arith.constant 1 : i32
    %while3A_15 = arith.divsi %while3A_12, %while3A_14 : i32
    %while3A_16 = arith.muli %while3A_15, %while3A_14 : i32
    %while3A_17 = arith.addi %while3A_11, %while3A_16 : i32
    %while3A_18 = arith.constant 1 : i32
    scf.for %while3A_25 = %while3A_11 to %while3A_17 step %while3A_18  : i32 {
      %mul3A_26 = arith.constant 40 : i32
      %mul3A_27 = arith.muli %while3A_25, %mul3A_26 : i32
      %add3A_28 = arith.addi %select_n3A_10, %mul3A_27 : i32
      %multiple_of3A = tpu.assume_multiple %add3A_28, 8 : i32
      "tpu.region"() ({
        %run_scoped3A = tpu.sem_alloc : memref<!tpu.dma_semaphore, #tpu.memory_space<semaphore_mem>>
        %dma_start3A = arith.constant 0 : i32
        %dma_start3A_34 = tpu.memref_slice %arg3[%multiple_of3A, %dma_start3A] : memref<2560x128xi32, #tpu.memory_space<hbm>> -> memref<40x128xi32, #tpu.memory_space<hbm>>
        %dma_start3A_35 = arith.constant 0 : i32
        %dma_start3A_36 = tpu.memref_slice %arg3[%multiple_of3A, %dma_start3A_35] : memref<2560x128xi32, #tpu.memory_space<hbm>> -> memref<40x128xi32, #tpu.memory_space<hbm>>
        tpu.enqueue_dma source(%dma_start3A_36 : memref<40x128xi32, #tpu.memory_space<hbm>>) target(%arg7 : memref<40x128xi32, #tpu.memory_space<vmem>>) target_semaphore(%run_scoped3A : memref<!tpu.dma_semaphore, #tpu.memory_space<semaphore_mem>>)
        %dma_wait3A = arith.constant 0 : i32
        %dma_wait3A_37 = tpu.memref_slice %arg3[%multiple_of3A, %dma_wait3A] : memref<2560x128xi32, #tpu.memory_space<hbm>> -> memref<40x128xi32, #tpu.memory_space<hbm>>
        %dma_wait3A_38 = arith.constant 0 : i32
        %dma_wait3A_39 = tpu.memref_slice %arg3[%multiple_of3A, %dma_wait3A_38] : memref<2560x128xi32, #tpu.memory_space<hbm>> -> memref<40x128xi32, #tpu.memory_space<hbm>>
        tpu.wait_dma2 semaphore(%run_scoped3A : memref<!tpu.dma_semaphore, #tpu.memory_space<semaphore_mem>>) src(%dma_wait3A_39 : memref<40x128xi32, #tpu.memory_space<hbm>>) dst(%arg7 : memref<40x128xi32, #tpu.memory_space<vmem>>)
        tpu.yield
      }) : () -> ()
      "tpu.region"() ({
        %run_scoped3A = tpu.sem_alloc : memref<!tpu.dma_semaphore, #tpu.memory_space<semaphore_mem>>
        %dma_start3A = arith.constant 0 : i32
        %dma_start3A_34 = tpu.memref_slice %arg4[%multiple_of3A, %dma_start3A] : memref<2560x128xi32, #tpu.memory_space<hbm>> -> memref<40x128xi32, #tpu.memory_space<hbm>>
        %dma_start3A_35 = arith.constant 0 : i32
        %dma_start3A_36 = tpu.memref_slice %arg4[%multiple_of3A, %dma_start3A_35] : memref<2560x128xi32, #tpu.memory_space<hbm>> -> memref<40x128xi32, #tpu.memory_space<hbm>>
        tpu.enqueue_dma source(%dma_start3A_36 : memref<40x128xi32, #tpu.memory_space<hbm>>) target(%arg8 : memref<40x128xi32, #tpu.memory_space<vmem>>) target_semaphore(%run_scoped3A : memref<!tpu.dma_semaphore, #tpu.memory_space<semaphore_mem>>)
        %dma_wait3A = arith.constant 0 : i32
        %dma_wait3A_37 = tpu.memref_slice %arg4[%multiple_of3A, %dma_wait3A] : memref<2560x128xi32, #tpu.memory_space<hbm>> -> memref<40x128xi32, #tpu.memory_space<hbm>>
        %dma_wait3A_38 = arith.constant 0 : i32
        %dma_wait3A_39 = tpu.memref_slice %arg4[%multiple_of3A, %dma_wait3A_38] : memref<2560x128xi32, #tpu.memory_space<hbm>> -> memref<40x128xi32, #tpu.memory_space<hbm>>
        tpu.wait_dma2 semaphore(%run_scoped3A : memref<!tpu.dma_semaphore, #tpu.memory_space<semaphore_mem>>) src(%dma_wait3A_39 : memref<40x128xi32, #tpu.memory_space<hbm>>) dst(%arg8 : memref<40x128xi32, #tpu.memory_space<vmem>>)
        tpu.yield
      }) : () -> ()
      %scan3A = arith.constant 0 : i32
      %scan3A_29 = arith.constant 0 : i32
      %scan3A_30 = arith.constant 20 : i32
      %scan3A_31 = arith.addi %scan3A_29, %scan3A_30 : i32
      %scan3A_32 = arith.constant 1 : i32
      scf.for %scan3A_34 = %scan3A_29 to %scan3A_31 step %scan3A_32  : i32 {
        %mul3A_35 = arith.constant 2 : i32
        %mul3A_36 = arith.muli %scan3A_34, %mul3A_35 : i32
        %add3A_37 = arith.constant 0 : i32
        %add3A_38 = arith.addi %mul3A_36, %add3A_37 : i32
        %dma_start3A = arith.constant 0 : i32
        %dma_start3A_39 = tpu.memref_slice %arg7[%add3A_38, %dma_start3A] : memref<40x128xi32, #tpu.memory_space<vmem>> -> memref<1x128xi32, #tpu.memory_space<vmem>>
        %dma_start3A_40 = tpu.memref_squeeze %dma_start3A_39 : memref<1x128xi32, #tpu.memory_space<vmem>> -> memref<128xi32, #tpu.memory_space<vmem>>
        %dma_start3A_41 = arith.constant 0 : i32
        %dma_start3A_42 = arith.constant 0 : i32
        %dma_start3A_43 = tpu.memref_slice %arg2[%dma_start3A_41, %dma_start3A_42] : memref<10240x128xf32, #tpu.memory_space<hbm>> -> memref<10240x128xf32, #tpu.memory_space<hbm>>
        tpu.enqueue_indirect_dma source(%dma_start3A_43 : memref<10240x128xf32, #tpu.memory_space<hbm>>) target(%arg9 : memref<128x128xf32, #tpu.memory_space<vmem>>) offsets(%dma_start3A_40 : memref<128xi32, #tpu.memory_space<vmem>>) semaphore(%arg12 : memref<!tpu.dma_semaphore, #tpu.memory_space<semaphore_mem>>)
        %mul3A_44 = arith.constant 2 : i32
        %mul3A_45 = arith.muli %scan3A_34, %mul3A_44 : i32
        %add3A_46 = arith.constant 1 : i32
        %add3A_47 = arith.addi %mul3A_45, %add3A_46 : i32
        %dma_start3A_48 = arith.constant 0 : i32
        %dma_start3A_49 = tpu.memref_slice %arg7[%add3A_47, %dma_start3A_48] : memref<40x128xi32, #tpu.memory_space<vmem>> -> memref<1x128xi32, #tpu.memory_space<vmem>>
        %dma_start3A_50 = tpu.memref_squeeze %dma_start3A_49 : memref<1x128xi32, #tpu.memory_space<vmem>> -> memref<128xi32, #tpu.memory_space<vmem>>
        %dma_start3A_51 = arith.constant 0 : i32
        %dma_start3A_52 = arith.constant 0 : i32
        %dma_start3A_53 = tpu.memref_slice %arg2[%dma_start3A_51, %dma_start3A_52] : memref<10240x128xf32, #tpu.memory_space<hbm>> -> memref<10240x128xf32, #tpu.memory_space<hbm>>
        tpu.enqueue_indirect_dma source(%dma_start3A_53 : memref<10240x128xf32, #tpu.memory_space<hbm>>) target(%arg10 : memref<128x128xf32, #tpu.memory_space<vmem>>) offsets(%dma_start3A_50 : memref<128xi32, #tpu.memory_space<vmem>>) semaphore(%arg13 : memref<!tpu.dma_semaphore, #tpu.memory_space<semaphore_mem>>)
        %dma_wait3A = arith.constant 0 : i32
        %dma_wait3A_54 = arith.constant 0 : i32
        %dma_wait3A_55 = tpu.memref_slice %arg2[%dma_wait3A, %dma_wait3A_54] : memref<10240x128xf32, #tpu.memory_space<hbm>> -> memref<128x128xf32, #tpu.memory_space<hbm>>
        %dma_wait3A_56 = arith.constant 0 : i32
        %dma_wait3A_57 = arith.constant 0 : i32
        %dma_wait3A_58 = tpu.memref_slice %arg2[%dma_wait3A_56, %dma_wait3A_57] : memref<10240x128xf32, #tpu.memory_space<hbm>> -> memref<128x128xf32, #tpu.memory_space<hbm>>
        tpu.wait_dma2 semaphore(%arg12 : memref<!tpu.dma_semaphore, #tpu.memory_space<semaphore_mem>>) src(%dma_wait3A_58 : memref<128x128xf32, #tpu.memory_space<hbm>>) dst(%arg9 : memref<128x128xf32, #tpu.memory_space<vmem>>)
        %mul3A_59 = arith.constant 2 : i32
        %mul3A_60 = arith.muli %scan3A_34, %mul3A_59 : i32
        %add3A_61 = arith.constant 0 : i32
        %add3A_62 = arith.addi %mul3A_60, %add3A_61 : i32
        "tpu.region"() ({
          %run_scoped3A = tpu.sem_alloc : memref<!tpu.dma_semaphore, #tpu.memory_space<semaphore_mem>>
          %dma_start3A_73 = arith.constant 0 : i32
          %dma_start3A_74 = tpu.memref_slice %arg8[%add3A_62, %dma_start3A_73] : memref<40x128xi32, #tpu.memory_space<vmem>> -> memref<1x128xi32, #tpu.memory_space<vmem>>
          %dma_start3A_75 = tpu.memref_squeeze %dma_start3A_74 : memref<1x128xi32, #tpu.memory_space<vmem>> -> memref<128xi32, #tpu.memory_space<vmem>>
          %dma_start3A_76 = arith.constant 0 : i32
          %dma_start3A_77 = arith.constant 0 : i32
          %dma_start3A_78 = tpu.memref_slice %arg11[%dma_start3A_76, %dma_start3A_77] : memref<10240x128xf32, #tpu.memory_space<vmem_shared>> -> memref<10240x128xf32, #tpu.memory_space<vmem_shared>>
          tpu.enqueue_indirect_dma source(%arg9 : memref<128x128xf32, #tpu.memory_space<vmem>>) target(%dma_start3A_78 : memref<10240x128xf32, #tpu.memory_space<vmem_shared>>) offsets(%dma_start3A_75 : memref<128xi32, #tpu.memory_space<vmem>>) semaphore(%run_scoped3A : memref<!tpu.dma_semaphore, #tpu.memory_space<semaphore_mem>>) {add = true}
          %dma_wait3A_79 = arith.constant 0 : i32
          %dma_wait3A_80 = tpu.memref_slice %arg8[%add3A_62, %dma_wait3A_79] : memref<40x128xi32, #tpu.memory_space<vmem>> -> memref<1x128xi32, #tpu.memory_space<vmem>>
          %dma_wait3A_81 = tpu.memref_squeeze %dma_wait3A_80 : memref<1x128xi32, #tpu.memory_space<vmem>> -> memref<128xi32, #tpu.memory_space<vmem>>
          %dma_wait3A_82 = arith.constant 0 : i32
          %dma_wait3A_83 = arith.constant 0 : i32
          %dma_wait3A_84 = tpu.memref_slice %arg11[%dma_wait3A_82, %dma_wait3A_83] : memref<10240x128xf32, #tpu.memory_space<vmem_shared>> -> memref<10240x128xf32, #tpu.memory_space<vmem_shared>>
          tpu.wait_indirect_dma semaphore(%run_scoped3A : memref<!tpu.dma_semaphore, #tpu.memory_space<semaphore_mem>>) src(%arg9 : memref<128x128xf32, #tpu.memory_space<vmem>>) dst(%dma_wait3A_84 : memref<10240x128xf32, #tpu.memory_space<vmem_shared>>)
          tpu.yield
        }) : () -> ()
        %dma_wait3A_63 = arith.constant 0 : i32
        %dma_wait3A_64 = arith.constant 0 : i32
        %dma_wait3A_65 = tpu.memref_slice %arg2[%dma_wait3A_63, %dma_wait3A_64] : memref<10240x128xf32, #tpu.memory_space<hbm>> -> memref<128x128xf32, #tpu.memory_space<hbm>>
        %dma_wait3A_66 = arith.constant 0 : i32
        %dma_wait3A_67 = arith.constant 0 : i32
        %dma_wait3A_68 = tpu.memref_slice %arg2[%dma_wait3A_66, %dma_wait3A_67] : memref<10240x128xf32, #tpu.memory_space<hbm>> -> memref<128x128xf32, #tpu.memory_space<hbm>>
        tpu.wait_dma2 semaphore(%arg13 : memref<!tpu.dma_semaphore, #tpu.memory_space<semaphore_mem>>) src(%dma_wait3A_68 : memref<128x128xf32, #tpu.memory_space<hbm>>) dst(%arg10 : memref<128x128xf32, #tpu.memory_space<vmem>>)
        %mul3A_69 = arith.constant 2 : i32
        %mul3A_70 = arith.muli %scan3A_34, %mul3A_69 : i32
        %add3A_71 = arith.constant 1 : i32
        %add3A_72 = arith.addi %mul3A_70, %add3A_71 : i32
        "tpu.region"() ({
          %run_scoped3A = tpu.sem_alloc : memref<!tpu.dma_semaphore, #tpu.memory_space<semaphore_mem>>
          %dma_start3A_73 = arith.constant 0 : i32
          %dma_start3A_74 = tpu.memref_slice %arg8[%add3A_72, %dma_start3A_73] : memref<40x128xi32, #tpu.memory_space<vmem>> -> memref<1x128xi32, #tpu.memory_space<vmem>>
          %dma_start3A_75 = tpu.memref_squeeze %dma_start3A_74 : memref<1x128xi32, #tpu.memory_space<vmem>> -> memref<128xi32, #tpu.memory_space<vmem>>
          %dma_start3A_76 = arith.constant 0 : i32
          %dma_start3A_77 = arith.constant 0 : i32
          %dma_start3A_78 = tpu.memref_slice %arg11[%dma_start3A_76, %dma_start3A_77] : memref<10240x128xf32, #tpu.memory_space<vmem_shared>> -> memref<10240x128xf32, #tpu.memory_space<vmem_shared>>
          tpu.enqueue_indirect_dma source(%arg10 : memref<128x128xf32, #tpu.memory_space<vmem>>) target(%dma_start3A_78 : memref<10240x128xf32, #tpu.memory_space<vmem_shared>>) offsets(%dma_start3A_75 : memref<128xi32, #tpu.memory_space<vmem>>) semaphore(%run_scoped3A : memref<!tpu.dma_semaphore, #tpu.memory_space<semaphore_mem>>) {add = true}
          %dma_wait3A_79 = arith.constant 0 : i32
          %dma_wait3A_80 = tpu.memref_slice %arg8[%add3A_72, %dma_wait3A_79] : memref<40x128xi32, #tpu.memory_space<vmem>> -> memref<1x128xi32, #tpu.memory_space<vmem>>
          %dma_wait3A_81 = tpu.memref_squeeze %dma_wait3A_80 : memref<1x128xi32, #tpu.memory_space<vmem>> -> memref<128xi32, #tpu.memory_space<vmem>>
          %dma_wait3A_82 = arith.constant 0 : i32
          %dma_wait3A_83 = arith.constant 0 : i32
          %dma_wait3A_84 = tpu.memref_slice %arg11[%dma_wait3A_82, %dma_wait3A_83] : memref<10240x128xf32, #tpu.memory_space<vmem_shared>> -> memref<10240x128xf32, #tpu.memory_space<vmem_shared>>
          tpu.wait_indirect_dma semaphore(%run_scoped3A : memref<!tpu.dma_semaphore, #tpu.memory_space<semaphore_mem>>) src(%arg10 : memref<128x128xf32, #tpu.memory_space<vmem>>) dst(%dma_wait3A_84 : memref<10240x128xf32, #tpu.memory_space<vmem_shared>>)
          tpu.yield
        }) : () -> ()
      }
      %scan3A_33 = arith.constant 20 : i32
    }
    %while3A_19 = arith.constant 1 : i32
    scf.for %while3A_25 = %while3A_17 to %while3A_13 step %while3A_19  : i32 {
      %mul3A_26 = arith.constant 40 : i32
      %mul3A_27 = arith.muli %while3A_25, %mul3A_26 : i32
      %add3A_28 = arith.addi %select_n3A_10, %mul3A_27 : i32
      %multiple_of3A = tpu.assume_multiple %add3A_28, 8 : i32
      "tpu.region"() ({
        %run_scoped3A = tpu.sem_alloc : memref<!tpu.dma_semaphore, #tpu.memory_space<semaphore_mem>>
        %dma_start3A = arith.constant 0 : i32
        %dma_start3A_34 = tpu.memref_slice %arg3[%multiple_of3A, %dma_start3A] : memref<2560x128xi32, #tpu.memory_space<hbm>> -> memref<40x128xi32, #tpu.memory_space<hbm>>
        %dma_start3A_35 = arith.constant 0 : i32
        %dma_start3A_36 = tpu.memref_slice %arg3[%multiple_of3A, %dma_start3A_35] : memref<2560x128xi32, #tpu.memory_space<hbm>> -> memref<40x128xi32, #tpu.memory_space<hbm>>
        tpu.enqueue_dma source(%dma_start3A_36 : memref<40x128xi32, #tpu.memory_space<hbm>>) target(%arg7 : memref<40x128xi32, #tpu.memory_space<vmem>>) target_semaphore(%run_scoped3A : memref<!tpu.dma_semaphore, #tpu.memory_space<semaphore_mem>>)
        %dma_wait3A = arith.constant 0 : i32
        %dma_wait3A_37 = tpu.memref_slice %arg3[%multiple_of3A, %dma_wait3A] : memref<2560x128xi32, #tpu.memory_space<hbm>> -> memref<40x128xi32, #tpu.memory_space<hbm>>
        %dma_wait3A_38 = arith.constant 0 : i32
        %dma_wait3A_39 = tpu.memref_slice %arg3[%multiple_of3A, %dma_wait3A_38] : memref<2560x128xi32, #tpu.memory_space<hbm>> -> memref<40x128xi32, #tpu.memory_space<hbm>>
        tpu.wait_dma2 semaphore(%run_scoped3A : memref<!tpu.dma_semaphore, #tpu.memory_space<semaphore_mem>>) src(%dma_wait3A_39 : memref<40x128xi32, #tpu.memory_space<hbm>>) dst(%arg7 : memref<40x128xi32, #tpu.memory_space<vmem>>)
        tpu.yield
      }) : () -> ()
      "tpu.region"() ({
        %run_scoped3A = tpu.sem_alloc : memref<!tpu.dma_semaphore, #tpu.memory_space<semaphore_mem>>
        %dma_start3A = arith.constant 0 : i32
        %dma_start3A_34 = tpu.memref_slice %arg4[%multiple_of3A, %dma_start3A] : memref<2560x128xi32, #tpu.memory_space<hbm>> -> memref<40x128xi32, #tpu.memory_space<hbm>>
        %dma_start3A_35 = arith.constant 0 : i32
        %dma_start3A_36 = tpu.memref_slice %arg4[%multiple_of3A, %dma_start3A_35] : memref<2560x128xi32, #tpu.memory_space<hbm>> -> memref<40x128xi32, #tpu.memory_space<hbm>>
        tpu.enqueue_dma source(%dma_start3A_36 : memref<40x128xi32, #tpu.memory_space<hbm>>) target(%arg8 : memref<40x128xi32, #tpu.memory_space<vmem>>) target_semaphore(%run_scoped3A : memref<!tpu.dma_semaphore, #tpu.memory_space<semaphore_mem>>)
        %dma_wait3A = arith.constant 0 : i32
        %dma_wait3A_37 = tpu.memref_slice %arg4[%multiple_of3A, %dma_wait3A] : memref<2560x128xi32, #tpu.memory_space<hbm>> -> memref<40x128xi32, #tpu.memory_space<hbm>>
        %dma_wait3A_38 = arith.constant 0 : i32
        %dma_wait3A_39 = tpu.memref_slice %arg4[%multiple_of3A, %dma_wait3A_38] : memref<2560x128xi32, #tpu.memory_space<hbm>> -> memref<40x128xi32, #tpu.memory_space<hbm>>
        tpu.wait_dma2 semaphore(%run_scoped3A : memref<!tpu.dma_semaphore, #tpu.memory_space<semaphore_mem>>) src(%dma_wait3A_39 : memref<40x128xi32, #tpu.memory_space<hbm>>) dst(%arg8 : memref<40x128xi32, #tpu.memory_space<vmem>>)
        tpu.yield
      }) : () -> ()
      %scan3A = arith.constant 0 : i32
      %scan3A_29 = arith.constant 0 : i32
      %scan3A_30 = arith.constant 20 : i32
      %scan3A_31 = arith.addi %scan3A_29, %scan3A_30 : i32
      %scan3A_32 = arith.constant 1 : i32
      scf.for %scan3A_34 = %scan3A_29 to %scan3A_31 step %scan3A_32  : i32 {
        %mul3A_35 = arith.constant 2 : i32
        %mul3A_36 = arith.muli %scan3A_34, %mul3A_35 : i32
        %add3A_37 = arith.constant 0 : i32
        %add3A_38 = arith.addi %mul3A_36, %add3A_37 : i32
        %dma_start3A = arith.constant 0 : i32
        %dma_start3A_39 = tpu.memref_slice %arg7[%add3A_38, %dma_start3A] : memref<40x128xi32, #tpu.memory_space<vmem>> -> memref<1x128xi32, #tpu.memory_space<vmem>>
        %dma_start3A_40 = tpu.memref_squeeze %dma_start3A_39 : memref<1x128xi32, #tpu.memory_space<vmem>> -> memref<128xi32, #tpu.memory_space<vmem>>
        %dma_start3A_41 = arith.constant 0 : i32
        %dma_start3A_42 = arith.constant 0 : i32
        %dma_start3A_43 = tpu.memref_slice %arg2[%dma_start3A_41, %dma_start3A_42] : memref<10240x128xf32, #tpu.memory_space<hbm>> -> memref<10240x128xf32, #tpu.memory_space<hbm>>
        tpu.enqueue_indirect_dma source(%dma_start3A_43 : memref<10240x128xf32, #tpu.memory_space<hbm>>) target(%arg9 : memref<128x128xf32, #tpu.memory_space<vmem>>) offsets(%dma_start3A_40 : memref<128xi32, #tpu.memory_space<vmem>>) semaphore(%arg12 : memref<!tpu.dma_semaphore, #tpu.memory_space<semaphore_mem>>)
        %mul3A_44 = arith.constant 2 : i32
        %mul3A_45 = arith.muli %scan3A_34, %mul3A_44 : i32
        %add3A_46 = arith.constant 1 : i32
        %add3A_47 = arith.addi %mul3A_45, %add3A_46 : i32
        %dma_start3A_48 = arith.constant 0 : i32
        %dma_start3A_49 = tpu.memref_slice %arg7[%add3A_47, %dma_start3A_48] : memref<40x128xi32, #tpu.memory_space<vmem>> -> memref<1x128xi32, #tpu.memory_space<vmem>>
        %dma_start3A_50 = tpu.memref_squeeze %dma_start3A_49 : memref<1x128xi32, #tpu.memory_space<vmem>> -> memref<128xi32, #tpu.memory_space<vmem>>
        %dma_start3A_51 = arith.constant 0 : i32
        %dma_start3A_52 = arith.constant 0 : i32
        %dma_start3A_53 = tpu.memref_slice %arg2[%dma_start3A_51, %dma_start3A_52] : memref<10240x128xf32, #tpu.memory_space<hbm>> -> memref<10240x128xf32, #tpu.memory_space<hbm>>
        tpu.enqueue_indirect_dma source(%dma_start3A_53 : memref<10240x128xf32, #tpu.memory_space<hbm>>) target(%arg10 : memref<128x128xf32, #tpu.memory_space<vmem>>) offsets(%dma_start3A_50 : memref<128xi32, #tpu.memory_space<vmem>>) semaphore(%arg13 : memref<!tpu.dma_semaphore, #tpu.memory_space<semaphore_mem>>)
        %dma_wait3A = arith.constant 0 : i32
        %dma_wait3A_54 = arith.constant 0 : i32
        %dma_wait3A_55 = tpu.memref_slice %arg2[%dma_wait3A, %dma_wait3A_54] : memref<10240x128xf32, #tpu.memory_space<hbm>> -> memref<128x128xf32, #tpu.memory_space<hbm>>
        %dma_wait3A_56 = arith.constant 0 : i32
        %dma_wait3A_57 = arith.constant 0 : i32
        %dma_wait3A_58 = tpu.memref_slice %arg2[%dma_wait3A_56, %dma_wait3A_57] : memref<10240x128xf32, #tpu.memory_space<hbm>> -> memref<128x128xf32, #tpu.memory_space<hbm>>
        tpu.wait_dma2 semaphore(%arg12 : memref<!tpu.dma_semaphore, #tpu.memory_space<semaphore_mem>>) src(%dma_wait3A_58 : memref<128x128xf32, #tpu.memory_space<hbm>>) dst(%arg9 : memref<128x128xf32, #tpu.memory_space<vmem>>)
        %mul3A_59 = arith.constant 2 : i32
        %mul3A_60 = arith.muli %scan3A_34, %mul3A_59 : i32
        %add3A_61 = arith.constant 0 : i32
        %add3A_62 = arith.addi %mul3A_60, %add3A_61 : i32
        "tpu.region"() ({
          %run_scoped3A = tpu.sem_alloc : memref<!tpu.dma_semaphore, #tpu.memory_space<semaphore_mem>>
          %dma_start3A_73 = arith.constant 0 : i32
          %dma_start3A_74 = tpu.memref_slice %arg8[%add3A_62, %dma_start3A_73] : memref<40x128xi32, #tpu.memory_space<vmem>> -> memref<1x128xi32, #tpu.memory_space<vmem>>
          %dma_start3A_75 = tpu.memref_squeeze %dma_start3A_74 : memref<1x128xi32, #tpu.memory_space<vmem>> -> memref<128xi32, #tpu.memory_space<vmem>>
          %dma_start3A_76 = arith.constant 0 : i32
          %dma_start3A_77 = arith.constant 0 : i32
          %dma_start3A_78 = tpu.memref_slice %arg11[%dma_start3A_76, %dma_start3A_77] : memref<10240x128xf32, #tpu.memory_space<vmem_shared>> -> memref<10240x128xf32, #tpu.memory_space<vmem_shared>>
          tpu.enqueue_indirect_dma source(%arg9 : memref<128x128xf32, #tpu.memory_space<vmem>>) target(%dma_start3A_78 : memref<10240x128xf32, #tpu.memory_space<vmem_shared>>) offsets(%dma_start3A_75 : memref<128xi32, #tpu.memory_space<vmem>>) semaphore(%run_scoped3A : memref<!tpu.dma_semaphore, #tpu.memory_space<semaphore_mem>>) {add = true}
          %dma_wait3A_79 = arith.constant 0 : i32
          %dma_wait3A_80 = tpu.memref_slice %arg8[%add3A_62, %dma_wait3A_79] : memref<40x128xi32, #tpu.memory_space<vmem>> -> memref<1x128xi32, #tpu.memory_space<vmem>>
          %dma_wait3A_81 = tpu.memref_squeeze %dma_wait3A_80 : memref<1x128xi32, #tpu.memory_space<vmem>> -> memref<128xi32, #tpu.memory_space<vmem>>
          %dma_wait3A_82 = arith.constant 0 : i32
          %dma_wait3A_83 = arith.constant 0 : i32
          %dma_wait3A_84 = tpu.memref_slice %arg11[%dma_wait3A_82, %dma_wait3A_83] : memref<10240x128xf32, #tpu.memory_space<vmem_shared>> -> memref<10240x128xf32, #tpu.memory_space<vmem_shared>>
          tpu.wait_indirect_dma semaphore(%run_scoped3A : memref<!tpu.dma_semaphore, #tpu.memory_space<semaphore_mem>>) src(%arg9 : memref<128x128xf32, #tpu.memory_space<vmem>>) dst(%dma_wait3A_84 : memref<10240x128xf32, #tpu.memory_space<vmem_shared>>)
          tpu.yield
        }) : () -> ()
        %dma_wait3A_63 = arith.constant 0 : i32
        %dma_wait3A_64 = arith.constant 0 : i32
        %dma_wait3A_65 = tpu.memref_slice %arg2[%dma_wait3A_63, %dma_wait3A_64] : memref<10240x128xf32, #tpu.memory_space<hbm>> -> memref<128x128xf32, #tpu.memory_space<hbm>>
        %dma_wait3A_66 = arith.constant 0 : i32
        %dma_wait3A_67 = arith.constant 0 : i32
        %dma_wait3A_68 = tpu.memref_slice %arg2[%dma_wait3A_66, %dma_wait3A_67] : memref<10240x128xf32, #tpu.memory_space<hbm>> -> memref<128x128xf32, #tpu.memory_space<hbm>>
        tpu.wait_dma2 semaphore(%arg13 : memref<!tpu.dma_semaphore, #tpu.memory_space<semaphore_mem>>) src(%dma_wait3A_68 : memref<128x128xf32, #tpu.memory_space<hbm>>) dst(%arg10 : memref<128x128xf32, #tpu.memory_space<vmem>>)
        %mul3A_69 = arith.constant 2 : i32
        %mul3A_70 = arith.muli %scan3A_34, %mul3A_69 : i32
        %add3A_71 = arith.constant 1 : i32
        %add3A_72 = arith.addi %mul3A_70, %add3A_71 : i32
        "tpu.region"() ({
          %run_scoped3A = tpu.sem_alloc : memref<!tpu.dma_semaphore, #tpu.memory_space<semaphore_mem>>
          %dma_start3A_73 = arith.constant 0 : i32
          %dma_start3A_74 = tpu.memref_slice %arg8[%add3A_72, %dma_start3A_73] : memref<40x128xi32, #tpu.memory_space<vmem>> -> memref<1x128xi32, #tpu.memory_space<vmem>>
          %dma_start3A_75 = tpu.memref_squeeze %dma_start3A_74 : memref<1x128xi32, #tpu.memory_space<vmem>> -> memref<128xi32, #tpu.memory_space<vmem>>
          %dma_start3A_76 = arith.constant 0 : i32
          %dma_start3A_77 = arith.constant 0 : i32
          %dma_start3A_78 = tpu.memref_slice %arg11[%dma_start3A_76, %dma_start3A_77] : memref<10240x128xf32, #tpu.memory_space<vmem_shared>> -> memref<10240x128xf32, #tpu.memory_space<vmem_shared>>
          tpu.enqueue_indirect_dma source(%arg10 : memref<128x128xf32, #tpu.memory_space<vmem>>) target(%dma_start3A_78 : memref<10240x128xf32, #tpu.memory_space<vmem_shared>>) offsets(%dma_start3A_75 : memref<128xi32, #tpu.memory_space<vmem>>) semaphore(%run_scoped3A : memref<!tpu.dma_semaphore, #tpu.memory_space<semaphore_mem>>) {add = true}
          %dma_wait3A_79 = arith.constant 0 : i32
          %dma_wait3A_80 = tpu.memref_slice %arg8[%add3A_72, %dma_wait3A_79] : memref<40x128xi32, #tpu.memory_space<vmem>> -> memref<1x128xi32, #tpu.memory_space<vmem>>
          %dma_wait3A_81 = tpu.memref_squeeze %dma_wait3A_80 : memref<1x128xi32, #tpu.memory_space<vmem>> -> memref<128xi32, #tpu.memory_space<vmem>>
          %dma_wait3A_82 = arith.constant 0 : i32
          %dma_wait3A_83 = arith.constant 0 : i32
          %dma_wait3A_84 = tpu.memref_slice %arg11[%dma_wait3A_82, %dma_wait3A_83] : memref<10240x128xf32, #tpu.memory_space<vmem_shared>> -> memref<10240x128xf32, #tpu.memory_space<vmem_shared>>
          tpu.wait_indirect_dma semaphore(%run_scoped3A : memref<!tpu.dma_semaphore, #tpu.memory_space<semaphore_mem>>) src(%arg10 : memref<128x128xf32, #tpu.memory_space<vmem>>) dst(%dma_wait3A_84 : memref<10240x128xf32, #tpu.memory_space<vmem_shared>>)
          tpu.yield
        }) : () -> ()
      }
      %scan3A_33 = arith.constant 20 : i32
    }
    %barrier3A_20 = arith.constant 0 : index
    tpu.barrier barrier_id(%barrier3A_20)
    %mul3A_21 = arith.constant 640 : i32
    %mul3A_22 = arith.muli %arg1, %mul3A_21 : i32
    %mul3A_23 = arith.constant 640 : i32
    %mul3A_24 = arith.muli %arg1, %mul3A_23 : i32
    "tpu.region"() ({
      %run_scoped3A = tpu.sem_alloc : memref<!tpu.dma_semaphore, #tpu.memory_space<semaphore_mem>>
      %dma_start3A = arith.constant 0 : i32
      %dma_start3A_25 = arith.constant 0 : i32
      %dma_start3A_26 = tpu.memref_slice %arg6[%arg0, %dma_start3A, %dma_start3A_25] : memref<2x10240x128xf32, #tpu.memory_space<hbm>> -> memref<1x10240x128xf32, #tpu.memory_space<hbm>>
      %dma_start3A_27 = tpu.memref_squeeze %dma_start3A_26 : memref<1x10240x128xf32, #tpu.memory_space<hbm>> -> memref<10240x128xf32, #tpu.memory_space<hbm>>
      %dma_start3A_28 = arith.constant 0 : i32
      %dma_start3A_29 = tpu.memref_slice %dma_start3A_27[%mul3A_24, %dma_start3A_28] : memref<10240x128xf32, #tpu.memory_space<hbm>> -> memref<640x128xf32, #tpu.memory_space<hbm>>
      %dma_start3A_30 = arith.constant 0 : i32
      %dma_start3A_31 = tpu.memref_slice %arg11[%mul3A_22, %dma_start3A_30] : memref<10240x128xf32, #tpu.memory_space<vmem_shared>> -> memref<640x128xf32, #tpu.memory_space<vmem_shared>>
      tpu.enqueue_dma source(%dma_start3A_31 : memref<640x128xf32, #tpu.memory_space<vmem_shared>>) target(%dma_start3A_29 : memref<640x128xf32, #tpu.memory_space<hbm>>) target_semaphore(%run_scoped3A : memref<!tpu.dma_semaphore, #tpu.memory_space<semaphore_mem>>)
      %dma_wait3A = arith.constant 0 : i32
      %dma_wait3A_32 = arith.constant 0 : i32
      %dma_wait3A_33 = tpu.memref_slice %arg6[%arg0, %dma_wait3A, %dma_wait3A_32] : memref<2x10240x128xf32, #tpu.memory_space<hbm>> -> memref<1x10240x128xf32, #tpu.memory_space<hbm>>
      %dma_wait3A_34 = tpu.memref_squeeze %dma_wait3A_33 : memref<1x10240x128xf32, #tpu.memory_space<hbm>> -> memref<10240x128xf32, #tpu.memory_space<hbm>>
      %dma_wait3A_35 = arith.constant 0 : i32
      %dma_wait3A_36 = tpu.memref_slice %dma_wait3A_34[%mul3A_24, %dma_wait3A_35] : memref<10240x128xf32, #tpu.memory_space<hbm>> -> memref<640x128xf32, #tpu.memory_space<hbm>>
      %dma_wait3A_37 = arith.constant 0 : i32
      %dma_wait3A_38 = tpu.memref_slice %arg11[%mul3A_22, %dma_wait3A_37] : memref<10240x128xf32, #tpu.memory_space<vmem_shared>> -> memref<640x128xf32, #tpu.memory_space<vmem_shared>>
      tpu.wait_dma2 semaphore(%run_scoped3A : memref<!tpu.dma_semaphore, #tpu.memory_space<semaphore_mem>>) src(%dma_wait3A_38 : memref<640x128xf32, #tpu.memory_space<vmem_shared>>) dst(%dma_wait3A_36 : memref<640x128xf32, #tpu.memory_space<hbm>>)
      tpu.yield
    }) : () -> ()
    return
  }
}

#map = affine_map<(d0, d1) -> (0, 0)>
#map1 = affine_map<(d0, d1) -> (0, 0, 0)>
module attributes {stable_mosaic.version = 14 : i64} {
  func.func @_sc_degree(%arg0: i32, %arg1: i32, %arg2: memref<2560x128xi32, #tpu.memory_space<hbm>>, %arg3: memref<128x128xf32, #tpu.memory_space<hbm>>, %arg4: memref<640x128xf32, #tpu.memory_space<hbm>>, %arg5: memref<2x10240x128xf32, #tpu.memory_space<hbm>>, %arg6: memref<80x128xi32, #tpu.memory_space<vmem>>, %arg7: memref<128x128xf32, #tpu.memory_space<vmem>>, %arg8: memref<10240x128xf32, #tpu.memory_space<vmem_shared>>) attributes {dimension_semantics = [#tpu.dimension_semantics<core_parallel>, #tpu.dimension_semantics<subcore_parallel>], iteration_bounds = array<i64: 2, 16>, scalar_prefetch = 0 : i64, scratch_operands = 3 : i64, tpu.core_type = #tpu.core_type<sc_vector_subcore>, window_params = [{transform_indices = #map}, {transform_indices = #map}, {transform_indices = #map}, {transform_indices = #map1}]} {
    %mul3A = arith.constant 16 : i32
    %mul3A_0 = arith.muli %arg0, %mul3A : i32
    %add3A = arith.addi %mul3A_0, %arg1 : i32
    %mul3A_1 = arith.constant 640 : i32
    %mul3A_2 = arith.muli %arg1, %mul3A_1 : i32
    "tpu.region"() ({
      %run_scoped3A = tpu.sem_alloc : memref<!tpu.dma_semaphore, #tpu.memory_space<semaphore_mem>>
      %dma_start3A = arith.constant 0 : i32
      %dma_start3A_15 = tpu.memref_slice %arg8[%mul3A_2, %dma_start3A] : memref<10240x128xf32, #tpu.memory_space<vmem_shared>> -> memref<640x128xf32, #tpu.memory_space<vmem_shared>>
      tpu.enqueue_dma source(%arg4 : memref<640x128xf32, #tpu.memory_space<hbm>>) target(%dma_start3A_15 : memref<640x128xf32, #tpu.memory_space<vmem_shared>>) target_semaphore(%run_scoped3A : memref<!tpu.dma_semaphore, #tpu.memory_space<semaphore_mem>>)
      %dma_wait3A = arith.constant 0 : i32
      %dma_wait3A_16 = tpu.memref_slice %arg8[%mul3A_2, %dma_wait3A] : memref<10240x128xf32, #tpu.memory_space<vmem_shared>> -> memref<640x128xf32, #tpu.memory_space<vmem_shared>>
      tpu.wait_dma2 semaphore(%run_scoped3A : memref<!tpu.dma_semaphore, #tpu.memory_space<semaphore_mem>>) src(%arg4 : memref<640x128xf32, #tpu.memory_space<hbm>>) dst(%dma_wait3A_16 : memref<640x128xf32, #tpu.memory_space<vmem_shared>>)
      tpu.yield
    }) : () -> ()
    %barrier3A = arith.constant 0 : index
    tpu.barrier barrier_id(%barrier3A)
    %mul3A_3 = arith.constant 80 : i32
    %mul3A_4 = arith.muli %add3A, %mul3A_3 : i32
    "tpu.region"() ({
      %run_scoped3A = tpu.sem_alloc : memref<!tpu.dma_semaphore, #tpu.memory_space<semaphore_mem>>
      %dma_start3A = arith.constant 0 : i32
      %dma_start3A_15 = tpu.memref_slice %arg2[%mul3A_4, %dma_start3A] : memref<2560x128xi32, #tpu.memory_space<hbm>> -> memref<80x128xi32, #tpu.memory_space<hbm>>
      %dma_start3A_16 = arith.constant 0 : i32
      %dma_start3A_17 = tpu.memref_slice %arg2[%mul3A_4, %dma_start3A_16] : memref<2560x128xi32, #tpu.memory_space<hbm>> -> memref<80x128xi32, #tpu.memory_space<hbm>>
      tpu.enqueue_dma source(%dma_start3A_17 : memref<80x128xi32, #tpu.memory_space<hbm>>) target(%arg6 : memref<80x128xi32, #tpu.memory_space<vmem>>) target_semaphore(%run_scoped3A : memref<!tpu.dma_semaphore, #tpu.memory_space<semaphore_mem>>)
      %dma_wait3A = arith.constant 0 : i32
      %dma_wait3A_18 = tpu.memref_slice %arg2[%mul3A_4, %dma_wait3A] : memref<2560x128xi32, #tpu.memory_space<hbm>> -> memref<80x128xi32, #tpu.memory_space<hbm>>
      %dma_wait3A_19 = arith.constant 0 : i32
      %dma_wait3A_20 = tpu.memref_slice %arg2[%mul3A_4, %dma_wait3A_19] : memref<2560x128xi32, #tpu.memory_space<hbm>> -> memref<80x128xi32, #tpu.memory_space<hbm>>
      tpu.wait_dma2 semaphore(%run_scoped3A : memref<!tpu.dma_semaphore, #tpu.memory_space<semaphore_mem>>) src(%dma_wait3A_20 : memref<80x128xi32, #tpu.memory_space<hbm>>) dst(%arg6 : memref<80x128xi32, #tpu.memory_space<vmem>>)
      tpu.yield
    }) : () -> ()
    "tpu.region"() ({
      %run_scoped3A = tpu.sem_alloc : memref<!tpu.dma_semaphore, #tpu.memory_space<semaphore_mem>>
      tpu.enqueue_dma source(%arg3 : memref<128x128xf32, #tpu.memory_space<hbm>>) target(%arg7 : memref<128x128xf32, #tpu.memory_space<vmem>>) target_semaphore(%run_scoped3A : memref<!tpu.dma_semaphore, #tpu.memory_space<semaphore_mem>>)
      tpu.wait_dma2 semaphore(%run_scoped3A : memref<!tpu.dma_semaphore, #tpu.memory_space<semaphore_mem>>) src(%arg3 : memref<128x128xf32, #tpu.memory_space<hbm>>) dst(%arg7 : memref<128x128xf32, #tpu.memory_space<vmem>>)
      tpu.yield
    }) : () -> ()
    %scan3A = arith.constant 0 : i32
    %scan3A_5 = arith.constant 0 : i32
    %scan3A_6 = arith.constant 80 : i32
    %scan3A_7 = arith.addi %scan3A_5, %scan3A_6 : i32
    %scan3A_8 = arith.constant 1 : i32
    scf.for %scan3A_15 = %scan3A_5 to %scan3A_7 step %scan3A_8  : i32 {
      "tpu.region"() ({
        %run_scoped3A = tpu.sem_alloc : memref<!tpu.dma_semaphore, #tpu.memory_space<semaphore_mem>>
        %dma_start3A = arith.constant 0 : i32
        %dma_start3A_16 = tpu.memref_slice %arg6[%scan3A_15, %dma_start3A] : memref<80x128xi32, #tpu.memory_space<vmem>> -> memref<1x128xi32, #tpu.memory_space<vmem>>
        %dma_start3A_17 = tpu.memref_squeeze %dma_start3A_16 : memref<1x128xi32, #tpu.memory_space<vmem>> -> memref<128xi32, #tpu.memory_space<vmem>>
        %dma_start3A_18 = arith.constant 0 : i32
        %dma_start3A_19 = arith.constant 0 : i32
        %dma_start3A_20 = tpu.memref_slice %arg8[%dma_start3A_18, %dma_start3A_19] : memref<10240x128xf32, #tpu.memory_space<vmem_shared>> -> memref<10240x128xf32, #tpu.memory_space<vmem_shared>>
        tpu.enqueue_indirect_dma source(%arg7 : memref<128x128xf32, #tpu.memory_space<vmem>>) target(%dma_start3A_20 : memref<10240x128xf32, #tpu.memory_space<vmem_shared>>) offsets(%dma_start3A_17 : memref<128xi32, #tpu.memory_space<vmem>>) semaphore(%run_scoped3A : memref<!tpu.dma_semaphore, #tpu.memory_space<semaphore_mem>>) {add = true}
        %dma_wait3A = arith.constant 0 : i32
        %dma_wait3A_21 = tpu.memref_slice %arg6[%scan3A_15, %dma_wait3A] : memref<80x128xi32, #tpu.memory_space<vmem>> -> memref<1x128xi32, #tpu.memory_space<vmem>>
        %dma_wait3A_22 = tpu.memref_squeeze %dma_wait3A_21 : memref<1x128xi32, #tpu.memory_space<vmem>> -> memref<128xi32, #tpu.memory_space<vmem>>
        %dma_wait3A_23 = arith.constant 0 : i32
        %dma_wait3A_24 = arith.constant 0 : i32
        %dma_wait3A_25 = tpu.memref_slice %arg8[%dma_wait3A_23, %dma_wait3A_24] : memref<10240x128xf32, #tpu.memory_space<vmem_shared>> -> memref<10240x128xf32, #tpu.memory_space<vmem_shared>>
        tpu.wait_indirect_dma semaphore(%run_scoped3A : memref<!tpu.dma_semaphore, #tpu.memory_space<semaphore_mem>>) src(%arg7 : memref<128x128xf32, #tpu.memory_space<vmem>>) dst(%dma_wait3A_25 : memref<10240x128xf32, #tpu.memory_space<vmem_shared>>)
        tpu.yield
      }) : () -> ()
    }
    %scan3A_9 = arith.constant 80 : i32
    %barrier3A_10 = arith.constant 0 : index
    tpu.barrier barrier_id(%barrier3A_10)
    %mul3A_11 = arith.constant 640 : i32
    %mul3A_12 = arith.muli %arg1, %mul3A_11 : i32
    %mul3A_13 = arith.constant 640 : i32
    %mul3A_14 = arith.muli %arg1, %mul3A_13 : i32
    "tpu.region"() ({
      %run_scoped3A = tpu.sem_alloc : memref<!tpu.dma_semaphore, #tpu.memory_space<semaphore_mem>>
      %dma_start3A = arith.constant 0 : i32
      %dma_start3A_15 = arith.constant 0 : i32
      %dma_start3A_16 = tpu.memref_slice %arg5[%arg0, %dma_start3A, %dma_start3A_15] : memref<2x10240x128xf32, #tpu.memory_space<hbm>> -> memref<1x10240x128xf32, #tpu.memory_space<hbm>>
      %dma_start3A_17 = tpu.memref_squeeze %dma_start3A_16 : memref<1x10240x128xf32, #tpu.memory_space<hbm>> -> memref<10240x128xf32, #tpu.memory_space<hbm>>
      %dma_start3A_18 = arith.constant 0 : i32
      %dma_start3A_19 = tpu.memref_slice %dma_start3A_17[%mul3A_14, %dma_start3A_18] : memref<10240x128xf32, #tpu.memory_space<hbm>> -> memref<640x128xf32, #tpu.memory_space<hbm>>
      %dma_start3A_20 = arith.constant 0 : i32
      %dma_start3A_21 = tpu.memref_slice %arg8[%mul3A_12, %dma_start3A_20] : memref<10240x128xf32, #tpu.memory_space<vmem_shared>> -> memref<640x128xf32, #tpu.memory_space<vmem_shared>>
      tpu.enqueue_dma source(%dma_start3A_21 : memref<640x128xf32, #tpu.memory_space<vmem_shared>>) target(%dma_start3A_19 : memref<640x128xf32, #tpu.memory_space<hbm>>) target_semaphore(%run_scoped3A : memref<!tpu.dma_semaphore, #tpu.memory_space<semaphore_mem>>)
      %dma_wait3A = arith.constant 0 : i32
      %dma_wait3A_22 = arith.constant 0 : i32
      %dma_wait3A_23 = tpu.memref_slice %arg5[%arg0, %dma_wait3A, %dma_wait3A_22] : memref<2x10240x128xf32, #tpu.memory_space<hbm>> -> memref<1x10240x128xf32, #tpu.memory_space<hbm>>
      %dma_wait3A_24 = tpu.memref_squeeze %dma_wait3A_23 : memref<1x10240x128xf32, #tpu.memory_space<hbm>> -> memref<10240x128xf32, #tpu.memory_space<hbm>>
      %dma_wait3A_25 = arith.constant 0 : i32
      %dma_wait3A_26 = tpu.memref_slice %dma_wait3A_24[%mul3A_14, %dma_wait3A_25] : memref<10240x128xf32, #tpu.memory_space<hbm>> -> memref<640x128xf32, #tpu.memory_space<hbm>>
      %dma_wait3A_27 = arith.constant 0 : i32
      %dma_wait3A_28 = tpu.memref_slice %arg8[%mul3A_12, %dma_wait3A_27] : memref<10240x128xf32, #tpu.memory_space<vmem_shared>> -> memref<640x128xf32, #tpu.memory_space<vmem_shared>>
      tpu.wait_dma2 semaphore(%run_scoped3A : memref<!tpu.dma_semaphore, #tpu.memory_space<semaphore_mem>>) src(%dma_wait3A_28 : memref<640x128xf32, #tpu.memory_space<vmem_shared>>) dst(%dma_wait3A_26 : memref<640x128xf32, #tpu.memory_space<hbm>>)
      tpu.yield
    }) : () -> ()
    return
  }
}

#map = affine_map<(d0, d1) -> (0, 0)>
#map1 = affine_map<(d0, d1) -> (0, 0, 0)>
module attributes {stable_mosaic.version = 14 : i64} {
  func.func @_sc_propagate(%arg0: i32, %arg1: i32, %arg2: memref<10240x128xf32, #tpu.memory_space<hbm>>, %arg3: memref<2560x128xi32, #tpu.memory_space<hbm>>, %arg4: memref<2560x128xi32, #tpu.memory_space<hbm>>, %arg5: memref<640x128xf32, #tpu.memory_space<hbm>>, %arg6: memref<2x10240x128xf32, #tpu.memory_space<hbm>>, %arg7: memref<40x128xi32, #tpu.memory_space<vmem>>, %arg8: memref<40x128xi32, #tpu.memory_space<vmem>>, %arg9: memref<128x128xf32, #tpu.memory_space<vmem>>, %arg10: memref<128x128xf32, #tpu.memory_space<vmem>>, %arg11: memref<10240x128xf32, #tpu.memory_space<vmem_shared>>, %arg12: memref<!tpu.dma_semaphore, #tpu.memory_space<semaphore_mem>>, %arg13: memref<!tpu.dma_semaphore, #tpu.memory_space<semaphore_mem>>) attributes {dimension_semantics = [#tpu.dimension_semantics<core_parallel>, #tpu.dimension_semantics<subcore_parallel>], iteration_bounds = array<i64: 2, 16>, scalar_prefetch = 0 : i64, scratch_operands = 7 : i64, tpu.core_type = #tpu.core_type<sc_vector_subcore>, window_params = [{transform_indices = #map}, {transform_indices = #map}, {transform_indices = #map}, {transform_indices = #map}, {transform_indices = #map1}]} {
    %mul3A = arith.constant 640 : i32
    %mul3A_0 = arith.muli %arg1, %mul3A : i32
    "tpu.region"() ({
      %run_scoped3A = tpu.sem_alloc : memref<!tpu.dma_semaphore, #tpu.memory_space<semaphore_mem>>
      %dma_start3A = arith.constant 0 : i32
      %dma_start3A_25 = tpu.memref_slice %arg11[%mul3A_0, %dma_start3A] : memref<10240x128xf32, #tpu.memory_space<vmem_shared>> -> memref<640x128xf32, #tpu.memory_space<vmem_shared>>
      tpu.enqueue_dma source(%arg5 : memref<640x128xf32, #tpu.memory_space<hbm>>) target(%dma_start3A_25 : memref<640x128xf32, #tpu.memory_space<vmem_shared>>) target_semaphore(%run_scoped3A : memref<!tpu.dma_semaphore, #tpu.memory_space<semaphore_mem>>)
      %dma_wait3A = arith.constant 0 : i32
      %dma_wait3A_26 = tpu.memref_slice %arg11[%mul3A_0, %dma_wait3A] : memref<10240x128xf32, #tpu.memory_space<vmem_shared>> -> memref<640x128xf32, #tpu.memory_space<vmem_shared>>
      tpu.wait_dma2 semaphore(%run_scoped3A : memref<!tpu.dma_semaphore, #tpu.memory_space<semaphore_mem>>) src(%arg5 : memref<640x128xf32, #tpu.memory_space<hbm>>) dst(%dma_wait3A_26 : memref<640x128xf32, #tpu.memory_space<vmem_shared>>)
      tpu.yield
    }) : () -> ()
    %barrier3A = arith.constant 0 : index
    tpu.barrier barrier_id(%barrier3A)
    %eq3A = arith.constant 0 : i32
    %eq3A_1 = arith.cmpi eq, %arg0, %eq3A : i32
    %jit3A = arith.constant 3 : i32
    %jit3A_2 = arith.constant 1 : i32
    %select_n3A = arith.select %eq3A_1, %jit3A, %jit3A_2 : i32
    %eq3A_3 = arith.constant 0 : i32
    %eq3A_4 = arith.cmpi eq, %arg0, %eq3A_3 : i32
    %mul3A_5 = arith.constant 120 : i32
    %mul3A_6 = arith.muli %arg1, %mul3A_5 : i32
    %mul3A_7 = arith.constant 40 : i32
    %mul3A_8 = arith.muli %arg1, %mul3A_7 : i32
    %add3A = arith.constant 1920 : i32
    %add3A_9 = arith.addi %add3A, %mul3A_8 : i32
    %select_n3A_10 = arith.select %eq3A_4, %mul3A_6, %add3A_9 : i32
    %while3A = arith.constant 0 : i32
    %while3A_11 = arith.constant 0 : i32
    %while3A_12 = arith.subi %select_n3A, %while3A_11 : i32
    %while3A_13 = arith.addi %while3A_11, %while3A_12 : i32
    %while3A_14 = arith.constant 1 : i32
    %while3A_15 = arith.divsi %while3A_12, %while3A_14 : i32
    %while3A_16 = arith.muli %while3A_15, %while3A_14 : i32
    %while3A_17 = arith.addi %while3A_11, %while3A_16 : i32
    %while3A_18 = arith.constant 1 : i32
    scf.for %while3A_25 = %while3A_11 to %while3A_17 step %while3A_18  : i32 {
      %mul3A_26 = arith.constant 40 : i32
      %mul3A_27 = arith.muli %while3A_25, %mul3A_26 : i32
      %add3A_28 = arith.addi %select_n3A_10, %mul3A_27 : i32
      %multiple_of3A = tpu.assume_multiple %add3A_28, 8 : i32
      "tpu.region"() ({
        %run_scoped3A = tpu.sem_alloc : memref<!tpu.dma_semaphore, #tpu.memory_space<semaphore_mem>>
        %dma_start3A = arith.constant 0 : i32
        %dma_start3A_34 = tpu.memref_slice %arg3[%multiple_of3A, %dma_start3A] : memref<2560x128xi32, #tpu.memory_space<hbm>> -> memref<40x128xi32, #tpu.memory_space<hbm>>
        %dma_start3A_35 = arith.constant 0 : i32
        %dma_start3A_36 = tpu.memref_slice %arg3[%multiple_of3A, %dma_start3A_35] : memref<2560x128xi32, #tpu.memory_space<hbm>> -> memref<40x128xi32, #tpu.memory_space<hbm>>
        tpu.enqueue_dma source(%dma_start3A_36 : memref<40x128xi32, #tpu.memory_space<hbm>>) target(%arg7 : memref<40x128xi32, #tpu.memory_space<vmem>>) target_semaphore(%run_scoped3A : memref<!tpu.dma_semaphore, #tpu.memory_space<semaphore_mem>>)
        %dma_wait3A = arith.constant 0 : i32
        %dma_wait3A_37 = tpu.memref_slice %arg3[%multiple_of3A, %dma_wait3A] : memref<2560x128xi32, #tpu.memory_space<hbm>> -> memref<40x128xi32, #tpu.memory_space<hbm>>
        %dma_wait3A_38 = arith.constant 0 : i32
        %dma_wait3A_39 = tpu.memref_slice %arg3[%multiple_of3A, %dma_wait3A_38] : memref<2560x128xi32, #tpu.memory_space<hbm>> -> memref<40x128xi32, #tpu.memory_space<hbm>>
        tpu.wait_dma2 semaphore(%run_scoped3A : memref<!tpu.dma_semaphore, #tpu.memory_space<semaphore_mem>>) src(%dma_wait3A_39 : memref<40x128xi32, #tpu.memory_space<hbm>>) dst(%arg7 : memref<40x128xi32, #tpu.memory_space<vmem>>)
        tpu.yield
      }) : () -> ()
      "tpu.region"() ({
        %run_scoped3A = tpu.sem_alloc : memref<!tpu.dma_semaphore, #tpu.memory_space<semaphore_mem>>
        %dma_start3A = arith.constant 0 : i32
        %dma_start3A_34 = tpu.memref_slice %arg4[%multiple_of3A, %dma_start3A] : memref<2560x128xi32, #tpu.memory_space<hbm>> -> memref<40x128xi32, #tpu.memory_space<hbm>>
        %dma_start3A_35 = arith.constant 0 : i32
        %dma_start3A_36 = tpu.memref_slice %arg4[%multiple_of3A, %dma_start3A_35] : memref<2560x128xi32, #tpu.memory_space<hbm>> -> memref<40x128xi32, #tpu.memory_space<hbm>>
        tpu.enqueue_dma source(%dma_start3A_36 : memref<40x128xi32, #tpu.memory_space<hbm>>) target(%arg8 : memref<40x128xi32, #tpu.memory_space<vmem>>) target_semaphore(%run_scoped3A : memref<!tpu.dma_semaphore, #tpu.memory_space<semaphore_mem>>)
        %dma_wait3A = arith.constant 0 : i32
        %dma_wait3A_37 = tpu.memref_slice %arg4[%multiple_of3A, %dma_wait3A] : memref<2560x128xi32, #tpu.memory_space<hbm>> -> memref<40x128xi32, #tpu.memory_space<hbm>>
        %dma_wait3A_38 = arith.constant 0 : i32
        %dma_wait3A_39 = tpu.memref_slice %arg4[%multiple_of3A, %dma_wait3A_38] : memref<2560x128xi32, #tpu.memory_space<hbm>> -> memref<40x128xi32, #tpu.memory_space<hbm>>
        tpu.wait_dma2 semaphore(%run_scoped3A : memref<!tpu.dma_semaphore, #tpu.memory_space<semaphore_mem>>) src(%dma_wait3A_39 : memref<40x128xi32, #tpu.memory_space<hbm>>) dst(%arg8 : memref<40x128xi32, #tpu.memory_space<vmem>>)
        tpu.yield
      }) : () -> ()
      %scan3A = arith.constant 0 : i32
      %scan3A_29 = arith.constant 0 : i32
      %scan3A_30 = arith.constant 20 : i32
      %scan3A_31 = arith.addi %scan3A_29, %scan3A_30 : i32
      %scan3A_32 = arith.constant 1 : i32
      scf.for %scan3A_34 = %scan3A_29 to %scan3A_31 step %scan3A_32  : i32 {
        %mul3A_35 = arith.constant 2 : i32
        %mul3A_36 = arith.muli %scan3A_34, %mul3A_35 : i32
        %add3A_37 = arith.constant 0 : i32
        %add3A_38 = arith.addi %mul3A_36, %add3A_37 : i32
        %dma_start3A = arith.constant 0 : i32
        %dma_start3A_39 = tpu.memref_slice %arg7[%add3A_38, %dma_start3A] : memref<40x128xi32, #tpu.memory_space<vmem>> -> memref<1x128xi32, #tpu.memory_space<vmem>>
        %dma_start3A_40 = tpu.memref_squeeze %dma_start3A_39 : memref<1x128xi32, #tpu.memory_space<vmem>> -> memref<128xi32, #tpu.memory_space<vmem>>
        %dma_start3A_41 = arith.constant 0 : i32
        %dma_start3A_42 = arith.constant 0 : i32
        %dma_start3A_43 = tpu.memref_slice %arg2[%dma_start3A_41, %dma_start3A_42] : memref<10240x128xf32, #tpu.memory_space<hbm>> -> memref<10240x128xf32, #tpu.memory_space<hbm>>
        tpu.enqueue_indirect_dma source(%dma_start3A_43 : memref<10240x128xf32, #tpu.memory_space<hbm>>) target(%arg9 : memref<128x128xf32, #tpu.memory_space<vmem>>) offsets(%dma_start3A_40 : memref<128xi32, #tpu.memory_space<vmem>>) semaphore(%arg12 : memref<!tpu.dma_semaphore, #tpu.memory_space<semaphore_mem>>)
        %mul3A_44 = arith.constant 2 : i32
        %mul3A_45 = arith.muli %scan3A_34, %mul3A_44 : i32
        %add3A_46 = arith.constant 1 : i32
        %add3A_47 = arith.addi %mul3A_45, %add3A_46 : i32
        %dma_start3A_48 = arith.constant 0 : i32
        %dma_start3A_49 = tpu.memref_slice %arg7[%add3A_47, %dma_start3A_48] : memref<40x128xi32, #tpu.memory_space<vmem>> -> memref<1x128xi32, #tpu.memory_space<vmem>>
        %dma_start3A_50 = tpu.memref_squeeze %dma_start3A_49 : memref<1x128xi32, #tpu.memory_space<vmem>> -> memref<128xi32, #tpu.memory_space<vmem>>
        %dma_start3A_51 = arith.constant 0 : i32
        %dma_start3A_52 = arith.constant 0 : i32
        %dma_start3A_53 = tpu.memref_slice %arg2[%dma_start3A_51, %dma_start3A_52] : memref<10240x128xf32, #tpu.memory_space<hbm>> -> memref<10240x128xf32, #tpu.memory_space<hbm>>
        tpu.enqueue_indirect_dma source(%dma_start3A_53 : memref<10240x128xf32, #tpu.memory_space<hbm>>) target(%arg10 : memref<128x128xf32, #tpu.memory_space<vmem>>) offsets(%dma_start3A_50 : memref<128xi32, #tpu.memory_space<vmem>>) semaphore(%arg13 : memref<!tpu.dma_semaphore, #tpu.memory_space<semaphore_mem>>)
        %dma_wait3A = arith.constant 0 : i32
        %dma_wait3A_54 = arith.constant 0 : i32
        %dma_wait3A_55 = tpu.memref_slice %arg2[%dma_wait3A, %dma_wait3A_54] : memref<10240x128xf32, #tpu.memory_space<hbm>> -> memref<128x128xf32, #tpu.memory_space<hbm>>
        %dma_wait3A_56 = arith.constant 0 : i32
        %dma_wait3A_57 = arith.constant 0 : i32
        %dma_wait3A_58 = tpu.memref_slice %arg2[%dma_wait3A_56, %dma_wait3A_57] : memref<10240x128xf32, #tpu.memory_space<hbm>> -> memref<128x128xf32, #tpu.memory_space<hbm>>
        tpu.wait_dma2 semaphore(%arg12 : memref<!tpu.dma_semaphore, #tpu.memory_space<semaphore_mem>>) src(%dma_wait3A_58 : memref<128x128xf32, #tpu.memory_space<hbm>>) dst(%arg9 : memref<128x128xf32, #tpu.memory_space<vmem>>)
        %mul3A_59 = arith.constant 2 : i32
        %mul3A_60 = arith.muli %scan3A_34, %mul3A_59 : i32
        %add3A_61 = arith.constant 0 : i32
        %add3A_62 = arith.addi %mul3A_60, %add3A_61 : i32
        "tpu.region"() ({
          %run_scoped3A = tpu.sem_alloc : memref<!tpu.dma_semaphore, #tpu.memory_space<semaphore_mem>>
          %dma_start3A_73 = arith.constant 0 : i32
          %dma_start3A_74 = tpu.memref_slice %arg8[%add3A_62, %dma_start3A_73] : memref<40x128xi32, #tpu.memory_space<vmem>> -> memref<1x128xi32, #tpu.memory_space<vmem>>
          %dma_start3A_75 = tpu.memref_squeeze %dma_start3A_74 : memref<1x128xi32, #tpu.memory_space<vmem>> -> memref<128xi32, #tpu.memory_space<vmem>>
          %dma_start3A_76 = arith.constant 0 : i32
          %dma_start3A_77 = arith.constant 0 : i32
          %dma_start3A_78 = tpu.memref_slice %arg11[%dma_start3A_76, %dma_start3A_77] : memref<10240x128xf32, #tpu.memory_space<vmem_shared>> -> memref<10240x128xf32, #tpu.memory_space<vmem_shared>>
          tpu.enqueue_indirect_dma source(%arg9 : memref<128x128xf32, #tpu.memory_space<vmem>>) target(%dma_start3A_78 : memref<10240x128xf32, #tpu.memory_space<vmem_shared>>) offsets(%dma_start3A_75 : memref<128xi32, #tpu.memory_space<vmem>>) semaphore(%run_scoped3A : memref<!tpu.dma_semaphore, #tpu.memory_space<semaphore_mem>>) {add = true}
          %dma_wait3A_79 = arith.constant 0 : i32
          %dma_wait3A_80 = tpu.memref_slice %arg8[%add3A_62, %dma_wait3A_79] : memref<40x128xi32, #tpu.memory_space<vmem>> -> memref<1x128xi32, #tpu.memory_space<vmem>>
          %dma_wait3A_81 = tpu.memref_squeeze %dma_wait3A_80 : memref<1x128xi32, #tpu.memory_space<vmem>> -> memref<128xi32, #tpu.memory_space<vmem>>
          %dma_wait3A_82 = arith.constant 0 : i32
          %dma_wait3A_83 = arith.constant 0 : i32
          %dma_wait3A_84 = tpu.memref_slice %arg11[%dma_wait3A_82, %dma_wait3A_83] : memref<10240x128xf32, #tpu.memory_space<vmem_shared>> -> memref<10240x128xf32, #tpu.memory_space<vmem_shared>>
          tpu.wait_indirect_dma semaphore(%run_scoped3A : memref<!tpu.dma_semaphore, #tpu.memory_space<semaphore_mem>>) src(%arg9 : memref<128x128xf32, #tpu.memory_space<vmem>>) dst(%dma_wait3A_84 : memref<10240x128xf32, #tpu.memory_space<vmem_shared>>)
          tpu.yield
        }) : () -> ()
        %dma_wait3A_63 = arith.constant 0 : i32
        %dma_wait3A_64 = arith.constant 0 : i32
        %dma_wait3A_65 = tpu.memref_slice %arg2[%dma_wait3A_63, %dma_wait3A_64] : memref<10240x128xf32, #tpu.memory_space<hbm>> -> memref<128x128xf32, #tpu.memory_space<hbm>>
        %dma_wait3A_66 = arith.constant 0 : i32
        %dma_wait3A_67 = arith.constant 0 : i32
        %dma_wait3A_68 = tpu.memref_slice %arg2[%dma_wait3A_66, %dma_wait3A_67] : memref<10240x128xf32, #tpu.memory_space<hbm>> -> memref<128x128xf32, #tpu.memory_space<hbm>>
        tpu.wait_dma2 semaphore(%arg13 : memref<!tpu.dma_semaphore, #tpu.memory_space<semaphore_mem>>) src(%dma_wait3A_68 : memref<128x128xf32, #tpu.memory_space<hbm>>) dst(%arg10 : memref<128x128xf32, #tpu.memory_space<vmem>>)
        %mul3A_69 = arith.constant 2 : i32
        %mul3A_70 = arith.muli %scan3A_34, %mul3A_69 : i32
        %add3A_71 = arith.constant 1 : i32
        %add3A_72 = arith.addi %mul3A_70, %add3A_71 : i32
        "tpu.region"() ({
          %run_scoped3A = tpu.sem_alloc : memref<!tpu.dma_semaphore, #tpu.memory_space<semaphore_mem>>
          %dma_start3A_73 = arith.constant 0 : i32
          %dma_start3A_74 = tpu.memref_slice %arg8[%add3A_72, %dma_start3A_73] : memref<40x128xi32, #tpu.memory_space<vmem>> -> memref<1x128xi32, #tpu.memory_space<vmem>>
          %dma_start3A_75 = tpu.memref_squeeze %dma_start3A_74 : memref<1x128xi32, #tpu.memory_space<vmem>> -> memref<128xi32, #tpu.memory_space<vmem>>
          %dma_start3A_76 = arith.constant 0 : i32
          %dma_start3A_77 = arith.constant 0 : i32
          %dma_start3A_78 = tpu.memref_slice %arg11[%dma_start3A_76, %dma_start3A_77] : memref<10240x128xf32, #tpu.memory_space<vmem_shared>> -> memref<10240x128xf32, #tpu.memory_space<vmem_shared>>
          tpu.enqueue_indirect_dma source(%arg10 : memref<128x128xf32, #tpu.memory_space<vmem>>) target(%dma_start3A_78 : memref<10240x128xf32, #tpu.memory_space<vmem_shared>>) offsets(%dma_start3A_75 : memref<128xi32, #tpu.memory_space<vmem>>) semaphore(%run_scoped3A : memref<!tpu.dma_semaphore, #tpu.memory_space<semaphore_mem>>) {add = true}
          %dma_wait3A_79 = arith.constant 0 : i32
          %dma_wait3A_80 = tpu.memref_slice %arg8[%add3A_72, %dma_wait3A_79] : memref<40x128xi32, #tpu.memory_space<vmem>> -> memref<1x128xi32, #tpu.memory_space<vmem>>
          %dma_wait3A_81 = tpu.memref_squeeze %dma_wait3A_80 : memref<1x128xi32, #tpu.memory_space<vmem>> -> memref<128xi32, #tpu.memory_space<vmem>>
          %dma_wait3A_82 = arith.constant 0 : i32
          %dma_wait3A_83 = arith.constant 0 : i32
          %dma_wait3A_84 = tpu.memref_slice %arg11[%dma_wait3A_82, %dma_wait3A_83] : memref<10240x128xf32, #tpu.memory_space<vmem_shared>> -> memref<10240x128xf32, #tpu.memory_space<vmem_shared>>
          tpu.wait_indirect_dma semaphore(%run_scoped3A : memref<!tpu.dma_semaphore, #tpu.memory_space<semaphore_mem>>) src(%arg10 : memref<128x128xf32, #tpu.memory_space<vmem>>) dst(%dma_wait3A_84 : memref<10240x128xf32, #tpu.memory_space<vmem_shared>>)
          tpu.yield
        }) : () -> ()
      }
      %scan3A_33 = arith.constant 20 : i32
    }
    %while3A_19 = arith.constant 1 : i32
    scf.for %while3A_25 = %while3A_17 to %while3A_13 step %while3A_19  : i32 {
      %mul3A_26 = arith.constant 40 : i32
      %mul3A_27 = arith.muli %while3A_25, %mul3A_26 : i32
      %add3A_28 = arith.addi %select_n3A_10, %mul3A_27 : i32
      %multiple_of3A = tpu.assume_multiple %add3A_28, 8 : i32
      "tpu.region"() ({
        %run_scoped3A = tpu.sem_alloc : memref<!tpu.dma_semaphore, #tpu.memory_space<semaphore_mem>>
        %dma_start3A = arith.constant 0 : i32
        %dma_start3A_34 = tpu.memref_slice %arg3[%multiple_of3A, %dma_start3A] : memref<2560x128xi32, #tpu.memory_space<hbm>> -> memref<40x128xi32, #tpu.memory_space<hbm>>
        %dma_start3A_35 = arith.constant 0 : i32
        %dma_start3A_36 = tpu.memref_slice %arg3[%multiple_of3A, %dma_start3A_35] : memref<2560x128xi32, #tpu.memory_space<hbm>> -> memref<40x128xi32, #tpu.memory_space<hbm>>
        tpu.enqueue_dma source(%dma_start3A_36 : memref<40x128xi32, #tpu.memory_space<hbm>>) target(%arg7 : memref<40x128xi32, #tpu.memory_space<vmem>>) target_semaphore(%run_scoped3A : memref<!tpu.dma_semaphore, #tpu.memory_space<semaphore_mem>>)
        %dma_wait3A = arith.constant 0 : i32
        %dma_wait3A_37 = tpu.memref_slice %arg3[%multiple_of3A, %dma_wait3A] : memref<2560x128xi32, #tpu.memory_space<hbm>> -> memref<40x128xi32, #tpu.memory_space<hbm>>
        %dma_wait3A_38 = arith.constant 0 : i32
        %dma_wait3A_39 = tpu.memref_slice %arg3[%multiple_of3A, %dma_wait3A_38] : memref<2560x128xi32, #tpu.memory_space<hbm>> -> memref<40x128xi32, #tpu.memory_space<hbm>>
        tpu.wait_dma2 semaphore(%run_scoped3A : memref<!tpu.dma_semaphore, #tpu.memory_space<semaphore_mem>>) src(%dma_wait3A_39 : memref<40x128xi32, #tpu.memory_space<hbm>>) dst(%arg7 : memref<40x128xi32, #tpu.memory_space<vmem>>)
        tpu.yield
      }) : () -> ()
      "tpu.region"() ({
        %run_scoped3A = tpu.sem_alloc : memref<!tpu.dma_semaphore, #tpu.memory_space<semaphore_mem>>
        %dma_start3A = arith.constant 0 : i32
        %dma_start3A_34 = tpu.memref_slice %arg4[%multiple_of3A, %dma_start3A] : memref<2560x128xi32, #tpu.memory_space<hbm>> -> memref<40x128xi32, #tpu.memory_space<hbm>>
        %dma_start3A_35 = arith.constant 0 : i32
        %dma_start3A_36 = tpu.memref_slice %arg4[%multiple_of3A, %dma_start3A_35] : memref<2560x128xi32, #tpu.memory_space<hbm>> -> memref<40x128xi32, #tpu.memory_space<hbm>>
        tpu.enqueue_dma source(%dma_start3A_36 : memref<40x128xi32, #tpu.memory_space<hbm>>) target(%arg8 : memref<40x128xi32, #tpu.memory_space<vmem>>) target_semaphore(%run_scoped3A : memref<!tpu.dma_semaphore, #tpu.memory_space<semaphore_mem>>)
        %dma_wait3A = arith.constant 0 : i32
        %dma_wait3A_37 = tpu.memref_slice %arg4[%multiple_of3A, %dma_wait3A] : memref<2560x128xi32, #tpu.memory_space<hbm>> -> memref<40x128xi32, #tpu.memory_space<hbm>>
        %dma_wait3A_38 = arith.constant 0 : i32
        %dma_wait3A_39 = tpu.memref_slice %arg4[%multiple_of3A, %dma_wait3A_38] : memref<2560x128xi32, #tpu.memory_space<hbm>> -> memref<40x128xi32, #tpu.memory_space<hbm>>
        tpu.wait_dma2 semaphore(%run_scoped3A : memref<!tpu.dma_semaphore, #tpu.memory_space<semaphore_mem>>) src(%dma_wait3A_39 : memref<40x128xi32, #tpu.memory_space<hbm>>) dst(%arg8 : memref<40x128xi32, #tpu.memory_space<vmem>>)
        tpu.yield
      }) : () -> ()
      %scan3A = arith.constant 0 : i32
      %scan3A_29 = arith.constant 0 : i32
      %scan3A_30 = arith.constant 20 : i32
      %scan3A_31 = arith.addi %scan3A_29, %scan3A_30 : i32
      %scan3A_32 = arith.constant 1 : i32
      scf.for %scan3A_34 = %scan3A_29 to %scan3A_31 step %scan3A_32  : i32 {
        %mul3A_35 = arith.constant 2 : i32
        %mul3A_36 = arith.muli %scan3A_34, %mul3A_35 : i32
        %add3A_37 = arith.constant 0 : i32
        %add3A_38 = arith.addi %mul3A_36, %add3A_37 : i32
        %dma_start3A = arith.constant 0 : i32
        %dma_start3A_39 = tpu.memref_slice %arg7[%add3A_38, %dma_start3A] : memref<40x128xi32, #tpu.memory_space<vmem>> -> memref<1x128xi32, #tpu.memory_space<vmem>>
        %dma_start3A_40 = tpu.memref_squeeze %dma_start3A_39 : memref<1x128xi32, #tpu.memory_space<vmem>> -> memref<128xi32, #tpu.memory_space<vmem>>
        %dma_start3A_41 = arith.constant 0 : i32
        %dma_start3A_42 = arith.constant 0 : i32
        %dma_start3A_43 = tpu.memref_slice %arg2[%dma_start3A_41, %dma_start3A_42] : memref<10240x128xf32, #tpu.memory_space<hbm>> -> memref<10240x128xf32, #tpu.memory_space<hbm>>
        tpu.enqueue_indirect_dma source(%dma_start3A_43 : memref<10240x128xf32, #tpu.memory_space<hbm>>) target(%arg9 : memref<128x128xf32, #tpu.memory_space<vmem>>) offsets(%dma_start3A_40 : memref<128xi32, #tpu.memory_space<vmem>>) semaphore(%arg12 : memref<!tpu.dma_semaphore, #tpu.memory_space<semaphore_mem>>)
        %mul3A_44 = arith.constant 2 : i32
        %mul3A_45 = arith.muli %scan3A_34, %mul3A_44 : i32
        %add3A_46 = arith.constant 1 : i32
        %add3A_47 = arith.addi %mul3A_45, %add3A_46 : i32
        %dma_start3A_48 = arith.constant 0 : i32
        %dma_start3A_49 = tpu.memref_slice %arg7[%add3A_47, %dma_start3A_48] : memref<40x128xi32, #tpu.memory_space<vmem>> -> memref<1x128xi32, #tpu.memory_space<vmem>>
        %dma_start3A_50 = tpu.memref_squeeze %dma_start3A_49 : memref<1x128xi32, #tpu.memory_space<vmem>> -> memref<128xi32, #tpu.memory_space<vmem>>
        %dma_start3A_51 = arith.constant 0 : i32
        %dma_start3A_52 = arith.constant 0 : i32
        %dma_start3A_53 = tpu.memref_slice %arg2[%dma_start3A_51, %dma_start3A_52] : memref<10240x128xf32, #tpu.memory_space<hbm>> -> memref<10240x128xf32, #tpu.memory_space<hbm>>
        tpu.enqueue_indirect_dma source(%dma_start3A_53 : memref<10240x128xf32, #tpu.memory_space<hbm>>) target(%arg10 : memref<128x128xf32, #tpu.memory_space<vmem>>) offsets(%dma_start3A_50 : memref<128xi32, #tpu.memory_space<vmem>>) semaphore(%arg13 : memref<!tpu.dma_semaphore, #tpu.memory_space<semaphore_mem>>)
        %dma_wait3A = arith.constant 0 : i32
        %dma_wait3A_54 = arith.constant 0 : i32
        %dma_wait3A_55 = tpu.memref_slice %arg2[%dma_wait3A, %dma_wait3A_54] : memref<10240x128xf32, #tpu.memory_space<hbm>> -> memref<128x128xf32, #tpu.memory_space<hbm>>
        %dma_wait3A_56 = arith.constant 0 : i32
        %dma_wait3A_57 = arith.constant 0 : i32
        %dma_wait3A_58 = tpu.memref_slice %arg2[%dma_wait3A_56, %dma_wait3A_57] : memref<10240x128xf32, #tpu.memory_space<hbm>> -> memref<128x128xf32, #tpu.memory_space<hbm>>
        tpu.wait_dma2 semaphore(%arg12 : memref<!tpu.dma_semaphore, #tpu.memory_space<semaphore_mem>>) src(%dma_wait3A_58 : memref<128x128xf32, #tpu.memory_space<hbm>>) dst(%arg9 : memref<128x128xf32, #tpu.memory_space<vmem>>)
        %mul3A_59 = arith.constant 2 : i32
        %mul3A_60 = arith.muli %scan3A_34, %mul3A_59 : i32
        %add3A_61 = arith.constant 0 : i32
        %add3A_62 = arith.addi %mul3A_60, %add3A_61 : i32
        "tpu.region"() ({
          %run_scoped3A = tpu.sem_alloc : memref<!tpu.dma_semaphore, #tpu.memory_space<semaphore_mem>>
          %dma_start3A_73 = arith.constant 0 : i32
          %dma_start3A_74 = tpu.memref_slice %arg8[%add3A_62, %dma_start3A_73] : memref<40x128xi32, #tpu.memory_space<vmem>> -> memref<1x128xi32, #tpu.memory_space<vmem>>
          %dma_start3A_75 = tpu.memref_squeeze %dma_start3A_74 : memref<1x128xi32, #tpu.memory_space<vmem>> -> memref<128xi32, #tpu.memory_space<vmem>>
          %dma_start3A_76 = arith.constant 0 : i32
          %dma_start3A_77 = arith.constant 0 : i32
          %dma_start3A_78 = tpu.memref_slice %arg11[%dma_start3A_76, %dma_start3A_77] : memref<10240x128xf32, #tpu.memory_space<vmem_shared>> -> memref<10240x128xf32, #tpu.memory_space<vmem_shared>>
          tpu.enqueue_indirect_dma source(%arg9 : memref<128x128xf32, #tpu.memory_space<vmem>>) target(%dma_start3A_78 : memref<10240x128xf32, #tpu.memory_space<vmem_shared>>) offsets(%dma_start3A_75 : memref<128xi32, #tpu.memory_space<vmem>>) semaphore(%run_scoped3A : memref<!tpu.dma_semaphore, #tpu.memory_space<semaphore_mem>>) {add = true}
          %dma_wait3A_79 = arith.constant 0 : i32
          %dma_wait3A_80 = tpu.memref_slice %arg8[%add3A_62, %dma_wait3A_79] : memref<40x128xi32, #tpu.memory_space<vmem>> -> memref<1x128xi32, #tpu.memory_space<vmem>>
          %dma_wait3A_81 = tpu.memref_squeeze %dma_wait3A_80 : memref<1x128xi32, #tpu.memory_space<vmem>> -> memref<128xi32, #tpu.memory_space<vmem>>
          %dma_wait3A_82 = arith.constant 0 : i32
          %dma_wait3A_83 = arith.constant 0 : i32
          %dma_wait3A_84 = tpu.memref_slice %arg11[%dma_wait3A_82, %dma_wait3A_83] : memref<10240x128xf32, #tpu.memory_space<vmem_shared>> -> memref<10240x128xf32, #tpu.memory_space<vmem_shared>>
          tpu.wait_indirect_dma semaphore(%run_scoped3A : memref<!tpu.dma_semaphore, #tpu.memory_space<semaphore_mem>>) src(%arg9 : memref<128x128xf32, #tpu.memory_space<vmem>>) dst(%dma_wait3A_84 : memref<10240x128xf32, #tpu.memory_space<vmem_shared>>)
          tpu.yield
        }) : () -> ()
        %dma_wait3A_63 = arith.constant 0 : i32
        %dma_wait3A_64 = arith.constant 0 : i32
        %dma_wait3A_65 = tpu.memref_slice %arg2[%dma_wait3A_63, %dma_wait3A_64] : memref<10240x128xf32, #tpu.memory_space<hbm>> -> memref<128x128xf32, #tpu.memory_space<hbm>>
        %dma_wait3A_66 = arith.constant 0 : i32
        %dma_wait3A_67 = arith.constant 0 : i32
        %dma_wait3A_68 = tpu.memref_slice %arg2[%dma_wait3A_66, %dma_wait3A_67] : memref<10240x128xf32, #tpu.memory_space<hbm>> -> memref<128x128xf32, #tpu.memory_space<hbm>>
        tpu.wait_dma2 semaphore(%arg13 : memref<!tpu.dma_semaphore, #tpu.memory_space<semaphore_mem>>) src(%dma_wait3A_68 : memref<128x128xf32, #tpu.memory_space<hbm>>) dst(%arg10 : memref<128x128xf32, #tpu.memory_space<vmem>>)
        %mul3A_69 = arith.constant 2 : i32
        %mul3A_70 = arith.muli %scan3A_34, %mul3A_69 : i32
        %add3A_71 = arith.constant 1 : i32
        %add3A_72 = arith.addi %mul3A_70, %add3A_71 : i32
        "tpu.region"() ({
          %run_scoped3A = tpu.sem_alloc : memref<!tpu.dma_semaphore, #tpu.memory_space<semaphore_mem>>
          %dma_start3A_73 = arith.constant 0 : i32
          %dma_start3A_74 = tpu.memref_slice %arg8[%add3A_72, %dma_start3A_73] : memref<40x128xi32, #tpu.memory_space<vmem>> -> memref<1x128xi32, #tpu.memory_space<vmem>>
          %dma_start3A_75 = tpu.memref_squeeze %dma_start3A_74 : memref<1x128xi32, #tpu.memory_space<vmem>> -> memref<128xi32, #tpu.memory_space<vmem>>
          %dma_start3A_76 = arith.constant 0 : i32
          %dma_start3A_77 = arith.constant 0 : i32
          %dma_start3A_78 = tpu.memref_slice %arg11[%dma_start3A_76, %dma_start3A_77] : memref<10240x128xf32, #tpu.memory_space<vmem_shared>> -> memref<10240x128xf32, #tpu.memory_space<vmem_shared>>
          tpu.enqueue_indirect_dma source(%arg10 : memref<128x128xf32, #tpu.memory_space<vmem>>) target(%dma_start3A_78 : memref<10240x128xf32, #tpu.memory_space<vmem_shared>>) offsets(%dma_start3A_75 : memref<128xi32, #tpu.memory_space<vmem>>) semaphore(%run_scoped3A : memref<!tpu.dma_semaphore, #tpu.memory_space<semaphore_mem>>) {add = true}
          %dma_wait3A_79 = arith.constant 0 : i32
          %dma_wait3A_80 = tpu.memref_slice %arg8[%add3A_72, %dma_wait3A_79] : memref<40x128xi32, #tpu.memory_space<vmem>> -> memref<1x128xi32, #tpu.memory_space<vmem>>
          %dma_wait3A_81 = tpu.memref_squeeze %dma_wait3A_80 : memref<1x128xi32, #tpu.memory_space<vmem>> -> memref<128xi32, #tpu.memory_space<vmem>>
          %dma_wait3A_82 = arith.constant 0 : i32
          %dma_wait3A_83 = arith.constant 0 : i32
          %dma_wait3A_84 = tpu.memref_slice %arg11[%dma_wait3A_82, %dma_wait3A_83] : memref<10240x128xf32, #tpu.memory_space<vmem_shared>> -> memref<10240x128xf32, #tpu.memory_space<vmem_shared>>
          tpu.wait_indirect_dma semaphore(%run_scoped3A : memref<!tpu.dma_semaphore, #tpu.memory_space<semaphore_mem>>) src(%arg10 : memref<128x128xf32, #tpu.memory_space<vmem>>) dst(%dma_wait3A_84 : memref<10240x128xf32, #tpu.memory_space<vmem_shared>>)
          tpu.yield
        }) : () -> ()
      }
      %scan3A_33 = arith.constant 20 : i32
    }
    %barrier3A_20 = arith.constant 0 : index
    tpu.barrier barrier_id(%barrier3A_20)
    %mul3A_21 = arith.constant 640 : i32
    %mul3A_22 = arith.muli %arg1, %mul3A_21 : i32
    %mul3A_23 = arith.constant 640 : i32
    %mul3A_24 = arith.muli %arg1, %mul3A_23 : i32
    "tpu.region"() ({
      %run_scoped3A = tpu.sem_alloc : memref<!tpu.dma_semaphore, #tpu.memory_space<semaphore_mem>>
      %dma_start3A = arith.constant 0 : i32
      %dma_start3A_25 = arith.constant 0 : i32
      %dma_start3A_26 = tpu.memref_slice %arg6[%arg0, %dma_start3A, %dma_start3A_25] : memref<2x10240x128xf32, #tpu.memory_space<hbm>> -> memref<1x10240x128xf32, #tpu.memory_space<hbm>>
      %dma_start3A_27 = tpu.memref_squeeze %dma_start3A_26 : memref<1x10240x128xf32, #tpu.memory_space<hbm>> -> memref<10240x128xf32, #tpu.memory_space<hbm>>
      %dma_start3A_28 = arith.constant 0 : i32
      %dma_start3A_29 = tpu.memref_slice %dma_start3A_27[%mul3A_24, %dma_start3A_28] : memref<10240x128xf32, #tpu.memory_space<hbm>> -> memref<640x128xf32, #tpu.memory_space<hbm>>
      %dma_start3A_30 = arith.constant 0 : i32
      %dma_start3A_31 = tpu.memref_slice %arg11[%mul3A_22, %dma_start3A_30] : memref<10240x128xf32, #tpu.memory_space<vmem_shared>> -> memref<640x128xf32, #tpu.memory_space<vmem_shared>>
      tpu.enqueue_dma source(%dma_start3A_31 : memref<640x128xf32, #tpu.memory_space<vmem_shared>>) target(%dma_start3A_29 : memref<640x128xf32, #tpu.memory_space<hbm>>) target_semaphore(%run_scoped3A : memref<!tpu.dma_semaphore, #tpu.memory_space<semaphore_mem>>)
      %dma_wait3A = arith.constant 0 : i32
      %dma_wait3A_32 = arith.constant 0 : i32
      %dma_wait3A_33 = tpu.memref_slice %arg6[%arg0, %dma_wait3A, %dma_wait3A_32] : memref<2x10240x128xf32, #tpu.memory_space<hbm>> -> memref<1x10240x128xf32, #tpu.memory_space<hbm>>
      %dma_wait3A_34 = tpu.memref_squeeze %dma_wait3A_33 : memref<1x10240x128xf32, #tpu.memory_space<hbm>> -> memref<10240x128xf32, #tpu.memory_space<hbm>>
      %dma_wait3A_35 = arith.constant 0 : i32
      %dma_wait3A_36 = tpu.memref_slice %dma_wait3A_34[%mul3A_24, %dma_wait3A_35] : memref<10240x128xf32, #tpu.memory_space<hbm>> -> memref<640x128xf32, #tpu.memory_space<hbm>>
      %dma_wait3A_37 = arith.constant 0 : i32
      %dma_wait3A_38 = tpu.memref_slice %arg11[%mul3A_22, %dma_wait3A_37] : memref<10240x128xf32, #tpu.memory_space<vmem_shared>> -> memref<640x128xf32, #tpu.memory_space<vmem_shared>>
      tpu.wait_dma2 semaphore(%run_scoped3A : memref<!tpu.dma_semaphore, #tpu.memory_space<semaphore_mem>>) src(%dma_wait3A_38 : memref<640x128xf32, #tpu.memory_space<vmem_shared>>) dst(%dma_wait3A_36 : memref<640x128xf32, #tpu.memory_space<hbm>>)
      tpu.yield
    }) : () -> ()
    return
  }
}

#map = affine_map<(d0, d1) -> (0, 0)>
#map1 = affine_map<(d0, d1) -> (0, 0, 0)>
module attributes {stable_mosaic.version = 14 : i64} {
  func.func @_sc_propagate(%arg0: i32, %arg1: i32, %arg2: memref<10240x128xf32, #tpu.memory_space<hbm>>, %arg3: memref<2560x128xi32, #tpu.memory_space<hbm>>, %arg4: memref<2560x128xi32, #tpu.memory_space<hbm>>, %arg5: memref<640x128xf32, #tpu.memory_space<hbm>>, %arg6: memref<2x10240x128xf32, #tpu.memory_space<hbm>>, %arg7: memref<40x128xi32, #tpu.memory_space<vmem>>, %arg8: memref<40x128xi32, #tpu.memory_space<vmem>>, %arg9: memref<128x128xf32, #tpu.memory_space<vmem>>, %arg10: memref<128x128xf32, #tpu.memory_space<vmem>>, %arg11: memref<10240x128xf32, #tpu.memory_space<vmem_shared>>, %arg12: memref<!tpu.dma_semaphore, #tpu.memory_space<semaphore_mem>>, %arg13: memref<!tpu.dma_semaphore, #tpu.memory_space<semaphore_mem>>) attributes {dimension_semantics = [#tpu.dimension_semantics<core_parallel>, #tpu.dimension_semantics<subcore_parallel>], iteration_bounds = array<i64: 2, 16>, scalar_prefetch = 0 : i64, scratch_operands = 7 : i64, tpu.core_type = #tpu.core_type<sc_vector_subcore>, window_params = [{transform_indices = #map}, {transform_indices = #map}, {transform_indices = #map}, {transform_indices = #map}, {transform_indices = #map1}]} {
    %mul3A = arith.constant 640 : i32
    %mul3A_0 = arith.muli %arg1, %mul3A : i32
    "tpu.region"() ({
      %run_scoped3A = tpu.sem_alloc : memref<!tpu.dma_semaphore, #tpu.memory_space<semaphore_mem>>
      %dma_start3A = arith.constant 0 : i32
      %dma_start3A_25 = tpu.memref_slice %arg11[%mul3A_0, %dma_start3A] : memref<10240x128xf32, #tpu.memory_space<vmem_shared>> -> memref<640x128xf32, #tpu.memory_space<vmem_shared>>
      tpu.enqueue_dma source(%arg5 : memref<640x128xf32, #tpu.memory_space<hbm>>) target(%dma_start3A_25 : memref<640x128xf32, #tpu.memory_space<vmem_shared>>) target_semaphore(%run_scoped3A : memref<!tpu.dma_semaphore, #tpu.memory_space<semaphore_mem>>)
      %dma_wait3A = arith.constant 0 : i32
      %dma_wait3A_26 = tpu.memref_slice %arg11[%mul3A_0, %dma_wait3A] : memref<10240x128xf32, #tpu.memory_space<vmem_shared>> -> memref<640x128xf32, #tpu.memory_space<vmem_shared>>
      tpu.wait_dma2 semaphore(%run_scoped3A : memref<!tpu.dma_semaphore, #tpu.memory_space<semaphore_mem>>) src(%arg5 : memref<640x128xf32, #tpu.memory_space<hbm>>) dst(%dma_wait3A_26 : memref<640x128xf32, #tpu.memory_space<vmem_shared>>)
      tpu.yield
    }) : () -> ()
    %barrier3A = arith.constant 0 : index
    tpu.barrier barrier_id(%barrier3A)
    %eq3A = arith.constant 0 : i32
    %eq3A_1 = arith.cmpi eq, %arg0, %eq3A : i32
    %jit3A = arith.constant 3 : i32
    %jit3A_2 = arith.constant 1 : i32
    %select_n3A = arith.select %eq3A_1, %jit3A, %jit3A_2 : i32
    %eq3A_3 = arith.constant 0 : i32
    %eq3A_4 = arith.cmpi eq, %arg0, %eq3A_3 : i32
    %mul3A_5 = arith.constant 120 : i32
    %mul3A_6 = arith.muli %arg1, %mul3A_5 : i32
    %mul3A_7 = arith.constant 40 : i32
    %mul3A_8 = arith.muli %arg1, %mul3A_7 : i32
    %add3A = arith.constant 1920 : i32
    %add3A_9 = arith.addi %add3A, %mul3A_8 : i32
    %select_n3A_10 = arith.select %eq3A_4, %mul3A_6, %add3A_9 : i32
    %while3A = arith.constant 0 : i32
    %while3A_11 = arith.constant 0 : i32
    %while3A_12 = arith.subi %select_n3A, %while3A_11 : i32
    %while3A_13 = arith.addi %while3A_11, %while3A_12 : i32
    %while3A_14 = arith.constant 1 : i32
    %while3A_15 = arith.divsi %while3A_12, %while3A_14 : i32
    %while3A_16 = arith.muli %while3A_15, %while3A_14 : i32
    %while3A_17 = arith.addi %while3A_11, %while3A_16 : i32
    %while3A_18 = arith.constant 1 : i32
    scf.for %while3A_25 = %while3A_11 to %while3A_17 step %while3A_18  : i32 {
      %mul3A_26 = arith.constant 40 : i32
      %mul3A_27 = arith.muli %while3A_25, %mul3A_26 : i32
      %add3A_28 = arith.addi %select_n3A_10, %mul3A_27 : i32
      %multiple_of3A = tpu.assume_multiple %add3A_28, 8 : i32
      "tpu.region"() ({
        %run_scoped3A = tpu.sem_alloc : memref<!tpu.dma_semaphore, #tpu.memory_space<semaphore_mem>>
        %dma_start3A = arith.constant 0 : i32
        %dma_start3A_34 = tpu.memref_slice %arg3[%multiple_of3A, %dma_start3A] : memref<2560x128xi32, #tpu.memory_space<hbm>> -> memref<40x128xi32, #tpu.memory_space<hbm>>
        %dma_start3A_35 = arith.constant 0 : i32
        %dma_start3A_36 = tpu.memref_slice %arg3[%multiple_of3A, %dma_start3A_35] : memref<2560x128xi32, #tpu.memory_space<hbm>> -> memref<40x128xi32, #tpu.memory_space<hbm>>
        tpu.enqueue_dma source(%dma_start3A_36 : memref<40x128xi32, #tpu.memory_space<hbm>>) target(%arg7 : memref<40x128xi32, #tpu.memory_space<vmem>>) target_semaphore(%run_scoped3A : memref<!tpu.dma_semaphore, #tpu.memory_space<semaphore_mem>>)
        %dma_wait3A = arith.constant 0 : i32
        %dma_wait3A_37 = tpu.memref_slice %arg3[%multiple_of3A, %dma_wait3A] : memref<2560x128xi32, #tpu.memory_space<hbm>> -> memref<40x128xi32, #tpu.memory_space<hbm>>
        %dma_wait3A_38 = arith.constant 0 : i32
        %dma_wait3A_39 = tpu.memref_slice %arg3[%multiple_of3A, %dma_wait3A_38] : memref<2560x128xi32, #tpu.memory_space<hbm>> -> memref<40x128xi32, #tpu.memory_space<hbm>>
        tpu.wait_dma2 semaphore(%run_scoped3A : memref<!tpu.dma_semaphore, #tpu.memory_space<semaphore_mem>>) src(%dma_wait3A_39 : memref<40x128xi32, #tpu.memory_space<hbm>>) dst(%arg7 : memref<40x128xi32, #tpu.memory_space<vmem>>)
        tpu.yield
      }) : () -> ()
      "tpu.region"() ({
        %run_scoped3A = tpu.sem_alloc : memref<!tpu.dma_semaphore, #tpu.memory_space<semaphore_mem>>
        %dma_start3A = arith.constant 0 : i32
        %dma_start3A_34 = tpu.memref_slice %arg4[%multiple_of3A, %dma_start3A] : memref<2560x128xi32, #tpu.memory_space<hbm>> -> memref<40x128xi32, #tpu.memory_space<hbm>>
        %dma_start3A_35 = arith.constant 0 : i32
        %dma_start3A_36 = tpu.memref_slice %arg4[%multiple_of3A, %dma_start3A_35] : memref<2560x128xi32, #tpu.memory_space<hbm>> -> memref<40x128xi32, #tpu.memory_space<hbm>>
        tpu.enqueue_dma source(%dma_start3A_36 : memref<40x128xi32, #tpu.memory_space<hbm>>) target(%arg8 : memref<40x128xi32, #tpu.memory_space<vmem>>) target_semaphore(%run_scoped3A : memref<!tpu.dma_semaphore, #tpu.memory_space<semaphore_mem>>)
        %dma_wait3A = arith.constant 0 : i32
        %dma_wait3A_37 = tpu.memref_slice %arg4[%multiple_of3A, %dma_wait3A] : memref<2560x128xi32, #tpu.memory_space<hbm>> -> memref<40x128xi32, #tpu.memory_space<hbm>>
        %dma_wait3A_38 = arith.constant 0 : i32
        %dma_wait3A_39 = tpu.memref_slice %arg4[%multiple_of3A, %dma_wait3A_38] : memref<2560x128xi32, #tpu.memory_space<hbm>> -> memref<40x128xi32, #tpu.memory_space<hbm>>
        tpu.wait_dma2 semaphore(%run_scoped3A : memref<!tpu.dma_semaphore, #tpu.memory_space<semaphore_mem>>) src(%dma_wait3A_39 : memref<40x128xi32, #tpu.memory_space<hbm>>) dst(%arg8 : memref<40x128xi32, #tpu.memory_space<vmem>>)
        tpu.yield
      }) : () -> ()
      %scan3A = arith.constant 0 : i32
      %scan3A_29 = arith.constant 0 : i32
      %scan3A_30 = arith.constant 20 : i32
      %scan3A_31 = arith.addi %scan3A_29, %scan3A_30 : i32
      %scan3A_32 = arith.constant 1 : i32
      scf.for %scan3A_34 = %scan3A_29 to %scan3A_31 step %scan3A_32  : i32 {
        %mul3A_35 = arith.constant 2 : i32
        %mul3A_36 = arith.muli %scan3A_34, %mul3A_35 : i32
        %add3A_37 = arith.constant 0 : i32
        %add3A_38 = arith.addi %mul3A_36, %add3A_37 : i32
        %dma_start3A = arith.constant 0 : i32
        %dma_start3A_39 = tpu.memref_slice %arg7[%add3A_38, %dma_start3A] : memref<40x128xi32, #tpu.memory_space<vmem>> -> memref<1x128xi32, #tpu.memory_space<vmem>>
        %dma_start3A_40 = tpu.memref_squeeze %dma_start3A_39 : memref<1x128xi32, #tpu.memory_space<vmem>> -> memref<128xi32, #tpu.memory_space<vmem>>
        %dma_start3A_41 = arith.constant 0 : i32
        %dma_start3A_42 = arith.constant 0 : i32
        %dma_start3A_43 = tpu.memref_slice %arg2[%dma_start3A_41, %dma_start3A_42] : memref<10240x128xf32, #tpu.memory_space<hbm>> -> memref<10240x128xf32, #tpu.memory_space<hbm>>
        tpu.enqueue_indirect_dma source(%dma_start3A_43 : memref<10240x128xf32, #tpu.memory_space<hbm>>) target(%arg9 : memref<128x128xf32, #tpu.memory_space<vmem>>) offsets(%dma_start3A_40 : memref<128xi32, #tpu.memory_space<vmem>>) semaphore(%arg12 : memref<!tpu.dma_semaphore, #tpu.memory_space<semaphore_mem>>)
        %mul3A_44 = arith.constant 2 : i32
        %mul3A_45 = arith.muli %scan3A_34, %mul3A_44 : i32
        %add3A_46 = arith.constant 1 : i32
        %add3A_47 = arith.addi %mul3A_45, %add3A_46 : i32
        %dma_start3A_48 = arith.constant 0 : i32
        %dma_start3A_49 = tpu.memref_slice %arg7[%add3A_47, %dma_start3A_48] : memref<40x128xi32, #tpu.memory_space<vmem>> -> memref<1x128xi32, #tpu.memory_space<vmem>>
        %dma_start3A_50 = tpu.memref_squeeze %dma_start3A_49 : memref<1x128xi32, #tpu.memory_space<vmem>> -> memref<128xi32, #tpu.memory_space<vmem>>
        %dma_start3A_51 = arith.constant 0 : i32
        %dma_start3A_52 = arith.constant 0 : i32
        %dma_start3A_53 = tpu.memref_slice %arg2[%dma_start3A_51, %dma_start3A_52] : memref<10240x128xf32, #tpu.memory_space<hbm>> -> memref<10240x128xf32, #tpu.memory_space<hbm>>
        tpu.enqueue_indirect_dma source(%dma_start3A_53 : memref<10240x128xf32, #tpu.memory_space<hbm>>) target(%arg10 : memref<128x128xf32, #tpu.memory_space<vmem>>) offsets(%dma_start3A_50 : memref<128xi32, #tpu.memory_space<vmem>>) semaphore(%arg13 : memref<!tpu.dma_semaphore, #tpu.memory_space<semaphore_mem>>)
        %dma_wait3A = arith.constant 0 : i32
        %dma_wait3A_54 = arith.constant 0 : i32
        %dma_wait3A_55 = tpu.memref_slice %arg2[%dma_wait3A, %dma_wait3A_54] : memref<10240x128xf32, #tpu.memory_space<hbm>> -> memref<128x128xf32, #tpu.memory_space<hbm>>
        %dma_wait3A_56 = arith.constant 0 : i32
        %dma_wait3A_57 = arith.constant 0 : i32
        %dma_wait3A_58 = tpu.memref_slice %arg2[%dma_wait3A_56, %dma_wait3A_57] : memref<10240x128xf32, #tpu.memory_space<hbm>> -> memref<128x128xf32, #tpu.memory_space<hbm>>
        tpu.wait_dma2 semaphore(%arg12 : memref<!tpu.dma_semaphore, #tpu.memory_space<semaphore_mem>>) src(%dma_wait3A_58 : memref<128x128xf32, #tpu.memory_space<hbm>>) dst(%arg9 : memref<128x128xf32, #tpu.memory_space<vmem>>)
        %mul3A_59 = arith.constant 2 : i32
        %mul3A_60 = arith.muli %scan3A_34, %mul3A_59 : i32
        %add3A_61 = arith.constant 0 : i32
        %add3A_62 = arith.addi %mul3A_60, %add3A_61 : i32
        "tpu.region"() ({
          %run_scoped3A = tpu.sem_alloc : memref<!tpu.dma_semaphore, #tpu.memory_space<semaphore_mem>>
          %dma_start3A_73 = arith.constant 0 : i32
          %dma_start3A_74 = tpu.memref_slice %arg8[%add3A_62, %dma_start3A_73] : memref<40x128xi32, #tpu.memory_space<vmem>> -> memref<1x128xi32, #tpu.memory_space<vmem>>
          %dma_start3A_75 = tpu.memref_squeeze %dma_start3A_74 : memref<1x128xi32, #tpu.memory_space<vmem>> -> memref<128xi32, #tpu.memory_space<vmem>>
          %dma_start3A_76 = arith.constant 0 : i32
          %dma_start3A_77 = arith.constant 0 : i32
          %dma_start3A_78 = tpu.memref_slice %arg11[%dma_start3A_76, %dma_start3A_77] : memref<10240x128xf32, #tpu.memory_space<vmem_shared>> -> memref<10240x128xf32, #tpu.memory_space<vmem_shared>>
          tpu.enqueue_indirect_dma source(%arg9 : memref<128x128xf32, #tpu.memory_space<vmem>>) target(%dma_start3A_78 : memref<10240x128xf32, #tpu.memory_space<vmem_shared>>) offsets(%dma_start3A_75 : memref<128xi32, #tpu.memory_space<vmem>>) semaphore(%run_scoped3A : memref<!tpu.dma_semaphore, #tpu.memory_space<semaphore_mem>>) {add = true}
          %dma_wait3A_79 = arith.constant 0 : i32
          %dma_wait3A_80 = tpu.memref_slice %arg8[%add3A_62, %dma_wait3A_79] : memref<40x128xi32, #tpu.memory_space<vmem>> -> memref<1x128xi32, #tpu.memory_space<vmem>>
          %dma_wait3A_81 = tpu.memref_squeeze %dma_wait3A_80 : memref<1x128xi32, #tpu.memory_space<vmem>> -> memref<128xi32, #tpu.memory_space<vmem>>
          %dma_wait3A_82 = arith.constant 0 : i32
          %dma_wait3A_83 = arith.constant 0 : i32
          %dma_wait3A_84 = tpu.memref_slice %arg11[%dma_wait3A_82, %dma_wait3A_83] : memref<10240x128xf32, #tpu.memory_space<vmem_shared>> -> memref<10240x128xf32, #tpu.memory_space<vmem_shared>>
          tpu.wait_indirect_dma semaphore(%run_scoped3A : memref<!tpu.dma_semaphore, #tpu.memory_space<semaphore_mem>>) src(%arg9 : memref<128x128xf32, #tpu.memory_space<vmem>>) dst(%dma_wait3A_84 : memref<10240x128xf32, #tpu.memory_space<vmem_shared>>)
          tpu.yield
        }) : () -> ()
        %dma_wait3A_63 = arith.constant 0 : i32
        %dma_wait3A_64 = arith.constant 0 : i32
        %dma_wait3A_65 = tpu.memref_slice %arg2[%dma_wait3A_63, %dma_wait3A_64] : memref<10240x128xf32, #tpu.memory_space<hbm>> -> memref<128x128xf32, #tpu.memory_space<hbm>>
        %dma_wait3A_66 = arith.constant 0 : i32
        %dma_wait3A_67 = arith.constant 0 : i32
        %dma_wait3A_68 = tpu.memref_slice %arg2[%dma_wait3A_66, %dma_wait3A_67] : memref<10240x128xf32, #tpu.memory_space<hbm>> -> memref<128x128xf32, #tpu.memory_space<hbm>>
        tpu.wait_dma2 semaphore(%arg13 : memref<!tpu.dma_semaphore, #tpu.memory_space<semaphore_mem>>) src(%dma_wait3A_68 : memref<128x128xf32, #tpu.memory_space<hbm>>) dst(%arg10 : memref<128x128xf32, #tpu.memory_space<vmem>>)
        %mul3A_69 = arith.constant 2 : i32
        %mul3A_70 = arith.muli %scan3A_34, %mul3A_69 : i32
        %add3A_71 = arith.constant 1 : i32
        %add3A_72 = arith.addi %mul3A_70, %add3A_71 : i32
        "tpu.region"() ({
          %run_scoped3A = tpu.sem_alloc : memref<!tpu.dma_semaphore, #tpu.memory_space<semaphore_mem>>
          %dma_start3A_73 = arith.constant 0 : i32
          %dma_start3A_74 = tpu.memref_slice %arg8[%add3A_72, %dma_start3A_73] : memref<40x128xi32, #tpu.memory_space<vmem>> -> memref<1x128xi32, #tpu.memory_space<vmem>>
          %dma_start3A_75 = tpu.memref_squeeze %dma_start3A_74 : memref<1x128xi32, #tpu.memory_space<vmem>> -> memref<128xi32, #tpu.memory_space<vmem>>
          %dma_start3A_76 = arith.constant 0 : i32
          %dma_start3A_77 = arith.constant 0 : i32
          %dma_start3A_78 = tpu.memref_slice %arg11[%dma_start3A_76, %dma_start3A_77] : memref<10240x128xf32, #tpu.memory_space<vmem_shared>> -> memref<10240x128xf32, #tpu.memory_space<vmem_shared>>
          tpu.enqueue_indirect_dma source(%arg10 : memref<128x128xf32, #tpu.memory_space<vmem>>) target(%dma_start3A_78 : memref<10240x128xf32, #tpu.memory_space<vmem_shared>>) offsets(%dma_start3A_75 : memref<128xi32, #tpu.memory_space<vmem>>) semaphore(%run_scoped3A : memref<!tpu.dma_semaphore, #tpu.memory_space<semaphore_mem>>) {add = true}
          %dma_wait3A_79 = arith.constant 0 : i32
          %dma_wait3A_80 = tpu.memref_slice %arg8[%add3A_72, %dma_wait3A_79] : memref<40x128xi32, #tpu.memory_space<vmem>> -> memref<1x128xi32, #tpu.memory_space<vmem>>
          %dma_wait3A_81 = tpu.memref_squeeze %dma_wait3A_80 : memref<1x128xi32, #tpu.memory_space<vmem>> -> memref<128xi32, #tpu.memory_space<vmem>>
          %dma_wait3A_82 = arith.constant 0 : i32
          %dma_wait3A_83 = arith.constant 0 : i32
          %dma_wait3A_84 = tpu.memref_slice %arg11[%dma_wait3A_82, %dma_wait3A_83] : memref<10240x128xf32, #tpu.memory_space<vmem_shared>> -> memref<10240x128xf32, #tpu.memory_space<vmem_shared>>
          tpu.wait_indirect_dma semaphore(%run_scoped3A : memref<!tpu.dma_semaphore, #tpu.memory_space<semaphore_mem>>) src(%arg10 : memref<128x128xf32, #tpu.memory_space<vmem>>) dst(%dma_wait3A_84 : memref<10240x128xf32, #tpu.memory_space<vmem_shared>>)
          tpu.yield
        }) : () -> ()
      }
      %scan3A_33 = arith.constant 20 : i32
    }
    %while3A_19 = arith.constant 1 : i32
    scf.for %while3A_25 = %while3A_17 to %while3A_13 step %while3A_19  : i32 {
      %mul3A_26 = arith.constant 40 : i32
      %mul3A_27 = arith.muli %while3A_25, %mul3A_26 : i32
      %add3A_28 = arith.addi %select_n3A_10, %mul3A_27 : i32
      %multiple_of3A = tpu.assume_multiple %add3A_28, 8 : i32
      "tpu.region"() ({
        %run_scoped3A = tpu.sem_alloc : memref<!tpu.dma_semaphore, #tpu.memory_space<semaphore_mem>>
        %dma_start3A = arith.constant 0 : i32
        %dma_start3A_34 = tpu.memref_slice %arg3[%multiple_of3A, %dma_start3A] : memref<2560x128xi32, #tpu.memory_space<hbm>> -> memref<40x128xi32, #tpu.memory_space<hbm>>
        %dma_start3A_35 = arith.constant 0 : i32
        %dma_start3A_36 = tpu.memref_slice %arg3[%multiple_of3A, %dma_start3A_35] : memref<2560x128xi32, #tpu.memory_space<hbm>> -> memref<40x128xi32, #tpu.memory_space<hbm>>
        tpu.enqueue_dma source(%dma_start3A_36 : memref<40x128xi32, #tpu.memory_space<hbm>>) target(%arg7 : memref<40x128xi32, #tpu.memory_space<vmem>>) target_semaphore(%run_scoped3A : memref<!tpu.dma_semaphore, #tpu.memory_space<semaphore_mem>>)
        %dma_wait3A = arith.constant 0 : i32
        %dma_wait3A_37 = tpu.memref_slice %arg3[%multiple_of3A, %dma_wait3A] : memref<2560x128xi32, #tpu.memory_space<hbm>> -> memref<40x128xi32, #tpu.memory_space<hbm>>
        %dma_wait3A_38 = arith.constant 0 : i32
        %dma_wait3A_39 = tpu.memref_slice %arg3[%multiple_of3A, %dma_wait3A_38] : memref<2560x128xi32, #tpu.memory_space<hbm>> -> memref<40x128xi32, #tpu.memory_space<hbm>>
        tpu.wait_dma2 semaphore(%run_scoped3A : memref<!tpu.dma_semaphore, #tpu.memory_space<semaphore_mem>>) src(%dma_wait3A_39 : memref<40x128xi32, #tpu.memory_space<hbm>>) dst(%arg7 : memref<40x128xi32, #tpu.memory_space<vmem>>)
        tpu.yield
      }) : () -> ()
      "tpu.region"() ({
        %run_scoped3A = tpu.sem_alloc : memref<!tpu.dma_semaphore, #tpu.memory_space<semaphore_mem>>
        %dma_start3A = arith.constant 0 : i32
        %dma_start3A_34 = tpu.memref_slice %arg4[%multiple_of3A, %dma_start3A] : memref<2560x128xi32, #tpu.memory_space<hbm>> -> memref<40x128xi32, #tpu.memory_space<hbm>>
        %dma_start3A_35 = arith.constant 0 : i32
        %dma_start3A_36 = tpu.memref_slice %arg4[%multiple_of3A, %dma_start3A_35] : memref<2560x128xi32, #tpu.memory_space<hbm>> -> memref<40x128xi32, #tpu.memory_space<hbm>>
        tpu.enqueue_dma source(%dma_start3A_36 : memref<40x128xi32, #tpu.memory_space<hbm>>) target(%arg8 : memref<40x128xi32, #tpu.memory_space<vmem>>) target_semaphore(%run_scoped3A : memref<!tpu.dma_semaphore, #tpu.memory_space<semaphore_mem>>)
        %dma_wait3A = arith.constant 0 : i32
        %dma_wait3A_37 = tpu.memref_slice %arg4[%multiple_of3A, %dma_wait3A] : memref<2560x128xi32, #tpu.memory_space<hbm>> -> memref<40x128xi32, #tpu.memory_space<hbm>>
        %dma_wait3A_38 = arith.constant 0 : i32
        %dma_wait3A_39 = tpu.memref_slice %arg4[%multiple_of3A, %dma_wait3A_38] : memref<2560x128xi32, #tpu.memory_space<hbm>> -> memref<40x128xi32, #tpu.memory_space<hbm>>
        tpu.wait_dma2 semaphore(%run_scoped3A : memref<!tpu.dma_semaphore, #tpu.memory_space<semaphore_mem>>) src(%dma_wait3A_39 : memref<40x128xi32, #tpu.memory_space<hbm>>) dst(%arg8 : memref<40x128xi32, #tpu.memory_space<vmem>>)
        tpu.yield
      }) : () -> ()
      %scan3A = arith.constant 0 : i32
      %scan3A_29 = arith.constant 0 : i32
      %scan3A_30 = arith.constant 20 : i32
      %scan3A_31 = arith.addi %scan3A_29, %scan3A_30 : i32
      %scan3A_32 = arith.constant 1 : i32
      scf.for %scan3A_34 = %scan3A_29 to %scan3A_31 step %scan3A_32  : i32 {
        %mul3A_35 = arith.constant 2 : i32
        %mul3A_36 = arith.muli %scan3A_34, %mul3A_35 : i32
        %add3A_37 = arith.constant 0 : i32
        %add3A_38 = arith.addi %mul3A_36, %add3A_37 : i32
        %dma_start3A = arith.constant 0 : i32
        %dma_start3A_39 = tpu.memref_slice %arg7[%add3A_38, %dma_start3A] : memref<40x128xi32, #tpu.memory_space<vmem>> -> memref<1x128xi32, #tpu.memory_space<vmem>>
        %dma_start3A_40 = tpu.memref_squeeze %dma_start3A_39 : memref<1x128xi32, #tpu.memory_space<vmem>> -> memref<128xi32, #tpu.memory_space<vmem>>
        %dma_start3A_41 = arith.constant 0 : i32
        %dma_start3A_42 = arith.constant 0 : i32
        %dma_start3A_43 = tpu.memref_slice %arg2[%dma_start3A_41, %dma_start3A_42] : memref<10240x128xf32, #tpu.memory_space<hbm>> -> memref<10240x128xf32, #tpu.memory_space<hbm>>
        tpu.enqueue_indirect_dma source(%dma_start3A_43 : memref<10240x128xf32, #tpu.memory_space<hbm>>) target(%arg9 : memref<128x128xf32, #tpu.memory_space<vmem>>) offsets(%dma_start3A_40 : memref<128xi32, #tpu.memory_space<vmem>>) semaphore(%arg12 : memref<!tpu.dma_semaphore, #tpu.memory_space<semaphore_mem>>)
        %mul3A_44 = arith.constant 2 : i32
        %mul3A_45 = arith.muli %scan3A_34, %mul3A_44 : i32
        %add3A_46 = arith.constant 1 : i32
        %add3A_47 = arith.addi %mul3A_45, %add3A_46 : i32
        %dma_start3A_48 = arith.constant 0 : i32
        %dma_start3A_49 = tpu.memref_slice %arg7[%add3A_47, %dma_start3A_48] : memref<40x128xi32, #tpu.memory_space<vmem>> -> memref<1x128xi32, #tpu.memory_space<vmem>>
        %dma_start3A_50 = tpu.memref_squeeze %dma_start3A_49 : memref<1x128xi32, #tpu.memory_space<vmem>> -> memref<128xi32, #tpu.memory_space<vmem>>
        %dma_start3A_51 = arith.constant 0 : i32
        %dma_start3A_52 = arith.constant 0 : i32
        %dma_start3A_53 = tpu.memref_slice %arg2[%dma_start3A_51, %dma_start3A_52] : memref<10240x128xf32, #tpu.memory_space<hbm>> -> memref<10240x128xf32, #tpu.memory_space<hbm>>
        tpu.enqueue_indirect_dma source(%dma_start3A_53 : memref<10240x128xf32, #tpu.memory_space<hbm>>) target(%arg10 : memref<128x128xf32, #tpu.memory_space<vmem>>) offsets(%dma_start3A_50 : memref<128xi32, #tpu.memory_space<vmem>>) semaphore(%arg13 : memref<!tpu.dma_semaphore, #tpu.memory_space<semaphore_mem>>)
        %dma_wait3A = arith.constant 0 : i32
        %dma_wait3A_54 = arith.constant 0 : i32
        %dma_wait3A_55 = tpu.memref_slice %arg2[%dma_wait3A, %dma_wait3A_54] : memref<10240x128xf32, #tpu.memory_space<hbm>> -> memref<128x128xf32, #tpu.memory_space<hbm>>
        %dma_wait3A_56 = arith.constant 0 : i32
        %dma_wait3A_57 = arith.constant 0 : i32
        %dma_wait3A_58 = tpu.memref_slice %arg2[%dma_wait3A_56, %dma_wait3A_57] : memref<10240x128xf32, #tpu.memory_space<hbm>> -> memref<128x128xf32, #tpu.memory_space<hbm>>
        tpu.wait_dma2 semaphore(%arg12 : memref<!tpu.dma_semaphore, #tpu.memory_space<semaphore_mem>>) src(%dma_wait3A_58 : memref<128x128xf32, #tpu.memory_space<hbm>>) dst(%arg9 : memref<128x128xf32, #tpu.memory_space<vmem>>)
        %mul3A_59 = arith.constant 2 : i32
        %mul3A_60 = arith.muli %scan3A_34, %mul3A_59 : i32
        %add3A_61 = arith.constant 0 : i32
        %add3A_62 = arith.addi %mul3A_60, %add3A_61 : i32
        "tpu.region"() ({
          %run_scoped3A = tpu.sem_alloc : memref<!tpu.dma_semaphore, #tpu.memory_space<semaphore_mem>>
          %dma_start3A_73 = arith.constant 0 : i32
          %dma_start3A_74 = tpu.memref_slice %arg8[%add3A_62, %dma_start3A_73] : memref<40x128xi32, #tpu.memory_space<vmem>> -> memref<1x128xi32, #tpu.memory_space<vmem>>
          %dma_start3A_75 = tpu.memref_squeeze %dma_start3A_74 : memref<1x128xi32, #tpu.memory_space<vmem>> -> memref<128xi32, #tpu.memory_space<vmem>>
          %dma_start3A_76 = arith.constant 0 : i32
          %dma_start3A_77 = arith.constant 0 : i32
          %dma_start3A_78 = tpu.memref_slice %arg11[%dma_start3A_76, %dma_start3A_77] : memref<10240x128xf32, #tpu.memory_space<vmem_shared>> -> memref<10240x128xf32, #tpu.memory_space<vmem_shared>>
          tpu.enqueue_indirect_dma source(%arg9 : memref<128x128xf32, #tpu.memory_space<vmem>>) target(%dma_start3A_78 : memref<10240x128xf32, #tpu.memory_space<vmem_shared>>) offsets(%dma_start3A_75 : memref<128xi32, #tpu.memory_space<vmem>>) semaphore(%run_scoped3A : memref<!tpu.dma_semaphore, #tpu.memory_space<semaphore_mem>>) {add = true}
          %dma_wait3A_79 = arith.constant 0 : i32
          %dma_wait3A_80 = tpu.memref_slice %arg8[%add3A_62, %dma_wait3A_79] : memref<40x128xi32, #tpu.memory_space<vmem>> -> memref<1x128xi32, #tpu.memory_space<vmem>>
          %dma_wait3A_81 = tpu.memref_squeeze %dma_wait3A_80 : memref<1x128xi32, #tpu.memory_space<vmem>> -> memref<128xi32, #tpu.memory_space<vmem>>
          %dma_wait3A_82 = arith.constant 0 : i32
          %dma_wait3A_83 = arith.constant 0 : i32
          %dma_wait3A_84 = tpu.memref_slice %arg11[%dma_wait3A_82, %dma_wait3A_83] : memref<10240x128xf32, #tpu.memory_space<vmem_shared>> -> memref<10240x128xf32, #tpu.memory_space<vmem_shared>>
          tpu.wait_indirect_dma semaphore(%run_scoped3A : memref<!tpu.dma_semaphore, #tpu.memory_space<semaphore_mem>>) src(%arg9 : memref<128x128xf32, #tpu.memory_space<vmem>>) dst(%dma_wait3A_84 : memref<10240x128xf32, #tpu.memory_space<vmem_shared>>)
          tpu.yield
        }) : () -> ()
        %dma_wait3A_63 = arith.constant 0 : i32
        %dma_wait3A_64 = arith.constant 0 : i32
        %dma_wait3A_65 = tpu.memref_slice %arg2[%dma_wait3A_63, %dma_wait3A_64] : memref<10240x128xf32, #tpu.memory_space<hbm>> -> memref<128x128xf32, #tpu.memory_space<hbm>>
        %dma_wait3A_66 = arith.constant 0 : i32
        %dma_wait3A_67 = arith.constant 0 : i32
        %dma_wait3A_68 = tpu.memref_slice %arg2[%dma_wait3A_66, %dma_wait3A_67] : memref<10240x128xf32, #tpu.memory_space<hbm>> -> memref<128x128xf32, #tpu.memory_space<hbm>>
        tpu.wait_dma2 semaphore(%arg13 : memref<!tpu.dma_semaphore, #tpu.memory_space<semaphore_mem>>) src(%dma_wait3A_68 : memref<128x128xf32, #tpu.memory_space<hbm>>) dst(%arg10 : memref<128x128xf32, #tpu.memory_space<vmem>>)
        %mul3A_69 = arith.constant 2 : i32
        %mul3A_70 = arith.muli %scan3A_34, %mul3A_69 : i32
        %add3A_71 = arith.constant 1 : i32
        %add3A_72 = arith.addi %mul3A_70, %add3A_71 : i32
        "tpu.region"() ({
          %run_scoped3A = tpu.sem_alloc : memref<!tpu.dma_semaphore, #tpu.memory_space<semaphore_mem>>
          %dma_start3A_73 = arith.constant 0 : i32
          %dma_start3A_74 = tpu.memref_slice %arg8[%add3A_72, %dma_start3A_73] : memref<40x128xi32, #tpu.memory_space<vmem>> -> memref<1x128xi32, #tpu.memory_space<vmem>>
          %dma_start3A_75 = tpu.memref_squeeze %dma_start3A_74 : memref<1x128xi32, #tpu.memory_space<vmem>> -> memref<128xi32, #tpu.memory_space<vmem>>
          %dma_start3A_76 = arith.constant 0 : i32
          %dma_start3A_77 = arith.constant 0 : i32
          %dma_start3A_78 = tpu.memref_slice %arg11[%dma_start3A_76, %dma_start3A_77] : memref<10240x128xf32, #tpu.memory_space<vmem_shared>> -> memref<10240x128xf32, #tpu.memory_space<vmem_shared>>
          tpu.enqueue_indirect_dma source(%arg10 : memref<128x128xf32, #tpu.memory_space<vmem>>) target(%dma_start3A_78 : memref<10240x128xf32, #tpu.memory_space<vmem_shared>>) offsets(%dma_start3A_75 : memref<128xi32, #tpu.memory_space<vmem>>) semaphore(%run_scoped3A : memref<!tpu.dma_semaphore, #tpu.memory_space<semaphore_mem>>) {add = true}
          %dma_wait3A_79 = arith.constant 0 : i32
          %dma_wait3A_80 = tpu.memref_slice %arg8[%add3A_72, %dma_wait3A_79] : memref<40x128xi32, #tpu.memory_space<vmem>> -> memref<1x128xi32, #tpu.memory_space<vmem>>
          %dma_wait3A_81 = tpu.memref_squeeze %dma_wait3A_80 : memref<1x128xi32, #tpu.memory_space<vmem>> -> memref<128xi32, #tpu.memory_space<vmem>>
          %dma_wait3A_82 = arith.constant 0 : i32
          %dma_wait3A_83 = arith.constant 0 : i32
          %dma_wait3A_84 = tpu.memref_slice %arg11[%dma_wait3A_82, %dma_wait3A_83] : memref<10240x128xf32, #tpu.memory_space<vmem_shared>> -> memref<10240x128xf32, #tpu.memory_space<vmem_shared>>
          tpu.wait_indirect_dma semaphore(%run_scoped3A : memref<!tpu.dma_semaphore, #tpu.memory_space<semaphore_mem>>) src(%arg10 : memref<128x128xf32, #tpu.memory_space<vmem>>) dst(%dma_wait3A_84 : memref<10240x128xf32, #tpu.memory_space<vmem_shared>>)
          tpu.yield
        }) : () -> ()
      }
      %scan3A_33 = arith.constant 20 : i32
    }
    %barrier3A_20 = arith.constant 0 : index
    tpu.barrier barrier_id(%barrier3A_20)
    %mul3A_21 = arith.constant 640 : i32
    %mul3A_22 = arith.muli %arg1, %mul3A_21 : i32
    %mul3A_23 = arith.constant 640 : i32
    %mul3A_24 = arith.muli %arg1, %mul3A_23 : i32
    "tpu.region"() ({
      %run_scoped3A = tpu.sem_alloc : memref<!tpu.dma_semaphore, #tpu.memory_space<semaphore_mem>>
      %dma_start3A = arith.constant 0 : i32
      %dma_start3A_25 = arith.constant 0 : i32
      %dma_start3A_26 = tpu.memref_slice %arg6[%arg0, %dma_start3A, %dma_start3A_25] : memref<2x10240x128xf32, #tpu.memory_space<hbm>> -> memref<1x10240x128xf32, #tpu.memory_space<hbm>>
      %dma_start3A_27 = tpu.memref_squeeze %dma_start3A_26 : memref<1x10240x128xf32, #tpu.memory_space<hbm>> -> memref<10240x128xf32, #tpu.memory_space<hbm>>
      %dma_start3A_28 = arith.constant 0 : i32
      %dma_start3A_29 = tpu.memref_slice %dma_start3A_27[%mul3A_24, %dma_start3A_28] : memref<10240x128xf32, #tpu.memory_space<hbm>> -> memref<640x128xf32, #tpu.memory_space<hbm>>
      %dma_start3A_30 = arith.constant 0 : i32
      %dma_start3A_31 = tpu.memref_slice %arg11[%mul3A_22, %dma_start3A_30] : memref<10240x128xf32, #tpu.memory_space<vmem_shared>> -> memref<640x128xf32, #tpu.memory_space<vmem_shared>>
      tpu.enqueue_dma source(%dma_start3A_31 : memref<640x128xf32, #tpu.memory_space<vmem_shared>>) target(%dma_start3A_29 : memref<640x128xf32, #tpu.memory_space<hbm>>) target_semaphore(%run_scoped3A : memref<!tpu.dma_semaphore, #tpu.memory_space<semaphore_mem>>)
      %dma_wait3A = arith.constant 0 : i32
      %dma_wait3A_32 = arith.constant 0 : i32
      %dma_wait3A_33 = tpu.memref_slice %arg6[%arg0, %dma_wait3A, %dma_wait3A_32] : memref<2x10240x128xf32, #tpu.memory_space<hbm>> -> memref<1x10240x128xf32, #tpu.memory_space<hbm>>
      %dma_wait3A_34 = tpu.memref_squeeze %dma_wait3A_33 : memref<1x10240x128xf32, #tpu.memory_space<hbm>> -> memref<10240x128xf32, #tpu.memory_space<hbm>>
      %dma_wait3A_35 = arith.constant 0 : i32
      %dma_wait3A_36 = tpu.memref_slice %dma_wait3A_34[%mul3A_24, %dma_wait3A_35] : memref<10240x128xf32, #tpu.memory_space<hbm>> -> memref<640x128xf32, #tpu.memory_space<hbm>>
      %dma_wait3A_37 = arith.constant 0 : i32
      %dma_wait3A_38 = tpu.memref_slice %arg11[%mul3A_22, %dma_wait3A_37] : memref<10240x128xf32, #tpu.memory_space<vmem_shared>> -> memref<640x128xf32, #tpu.memory_space<vmem_shared>>
      tpu.wait_dma2 semaphore(%run_scoped3A : memref<!tpu.dma_semaphore, #tpu.memory_space<semaphore_mem>>) src(%dma_wait3A_38 : memref<640x128xf32, #tpu.memory_space<vmem_shared>>) dst(%dma_wait3A_36 : memref<640x128xf32, #tpu.memory_space<hbm>>)
      tpu.yield
    }) : () -> ()
    return
  }
}

#map = affine_map<(d0, d1) -> (0, 0)>
#map1 = affine_map<(d0, d1) -> (0, 0, 0)>
module attributes {stable_mosaic.version = 14 : i64} {
  func.func @_sc_propagate(%arg0: i32, %arg1: i32, %arg2: memref<10240x128xf32, #tpu.memory_space<hbm>>, %arg3: memref<2560x128xi32, #tpu.memory_space<hbm>>, %arg4: memref<2560x128xi32, #tpu.memory_space<hbm>>, %arg5: memref<640x128xf32, #tpu.memory_space<hbm>>, %arg6: memref<2x10240x128xf32, #tpu.memory_space<hbm>>, %arg7: memref<40x128xi32, #tpu.memory_space<vmem>>, %arg8: memref<40x128xi32, #tpu.memory_space<vmem>>, %arg9: memref<128x128xf32, #tpu.memory_space<vmem>>, %arg10: memref<128x128xf32, #tpu.memory_space<vmem>>, %arg11: memref<10240x128xf32, #tpu.memory_space<vmem_shared>>, %arg12: memref<!tpu.dma_semaphore, #tpu.memory_space<semaphore_mem>>, %arg13: memref<!tpu.dma_semaphore, #tpu.memory_space<semaphore_mem>>) attributes {dimension_semantics = [#tpu.dimension_semantics<core_parallel>, #tpu.dimension_semantics<subcore_parallel>], iteration_bounds = array<i64: 2, 16>, scalar_prefetch = 0 : i64, scratch_operands = 7 : i64, tpu.core_type = #tpu.core_type<sc_vector_subcore>, window_params = [{transform_indices = #map}, {transform_indices = #map}, {transform_indices = #map}, {transform_indices = #map}, {transform_indices = #map1}]} {
    %mul3A = arith.constant 640 : i32
    %mul3A_0 = arith.muli %arg1, %mul3A : i32
    "tpu.region"() ({
      %run_scoped3A = tpu.sem_alloc : memref<!tpu.dma_semaphore, #tpu.memory_space<semaphore_mem>>
      %dma_start3A = arith.constant 0 : i32
      %dma_start3A_25 = tpu.memref_slice %arg11[%mul3A_0, %dma_start3A] : memref<10240x128xf32, #tpu.memory_space<vmem_shared>> -> memref<640x128xf32, #tpu.memory_space<vmem_shared>>
      tpu.enqueue_dma source(%arg5 : memref<640x128xf32, #tpu.memory_space<hbm>>) target(%dma_start3A_25 : memref<640x128xf32, #tpu.memory_space<vmem_shared>>) target_semaphore(%run_scoped3A : memref<!tpu.dma_semaphore, #tpu.memory_space<semaphore_mem>>)
      %dma_wait3A = arith.constant 0 : i32
      %dma_wait3A_26 = tpu.memref_slice %arg11[%mul3A_0, %dma_wait3A] : memref<10240x128xf32, #tpu.memory_space<vmem_shared>> -> memref<640x128xf32, #tpu.memory_space<vmem_shared>>
      tpu.wait_dma2 semaphore(%run_scoped3A : memref<!tpu.dma_semaphore, #tpu.memory_space<semaphore_mem>>) src(%arg5 : memref<640x128xf32, #tpu.memory_space<hbm>>) dst(%dma_wait3A_26 : memref<640x128xf32, #tpu.memory_space<vmem_shared>>)
      tpu.yield
    }) : () -> ()
    %barrier3A = arith.constant 0 : index
    tpu.barrier barrier_id(%barrier3A)
    %eq3A = arith.constant 0 : i32
    %eq3A_1 = arith.cmpi eq, %arg0, %eq3A : i32
    %jit3A = arith.constant 3 : i32
    %jit3A_2 = arith.constant 1 : i32
    %select_n3A = arith.select %eq3A_1, %jit3A, %jit3A_2 : i32
    %eq3A_3 = arith.constant 0 : i32
    %eq3A_4 = arith.cmpi eq, %arg0, %eq3A_3 : i32
    %mul3A_5 = arith.constant 120 : i32
    %mul3A_6 = arith.muli %arg1, %mul3A_5 : i32
    %mul3A_7 = arith.constant 40 : i32
    %mul3A_8 = arith.muli %arg1, %mul3A_7 : i32
    %add3A = arith.constant 1920 : i32
    %add3A_9 = arith.addi %add3A, %mul3A_8 : i32
    %select_n3A_10 = arith.select %eq3A_4, %mul3A_6, %add3A_9 : i32
    %while3A = arith.constant 0 : i32
    %while3A_11 = arith.constant 0 : i32
    %while3A_12 = arith.subi %select_n3A, %while3A_11 : i32
    %while3A_13 = arith.addi %while3A_11, %while3A_12 : i32
    %while3A_14 = arith.constant 1 : i32
    %while3A_15 = arith.divsi %while3A_12, %while3A_14 : i32
    %while3A_16 = arith.muli %while3A_15, %while3A_14 : i32
    %while3A_17 = arith.addi %while3A_11, %while3A_16 : i32
    %while3A_18 = arith.constant 1 : i32
    scf.for %while3A_25 = %while3A_11 to %while3A_17 step %while3A_18  : i32 {
      %mul3A_26 = arith.constant 40 : i32
      %mul3A_27 = arith.muli %while3A_25, %mul3A_26 : i32
      %add3A_28 = arith.addi %select_n3A_10, %mul3A_27 : i32
      %multiple_of3A = tpu.assume_multiple %add3A_28, 8 : i32
      "tpu.region"() ({
        %run_scoped3A = tpu.sem_alloc : memref<!tpu.dma_semaphore, #tpu.memory_space<semaphore_mem>>
        %dma_start3A = arith.constant 0 : i32
        %dma_start3A_34 = tpu.memref_slice %arg3[%multiple_of3A, %dma_start3A] : memref<2560x128xi32, #tpu.memory_space<hbm>> -> memref<40x128xi32, #tpu.memory_space<hbm>>
        %dma_start3A_35 = arith.constant 0 : i32
        %dma_start3A_36 = tpu.memref_slice %arg3[%multiple_of3A, %dma_start3A_35] : memref<2560x128xi32, #tpu.memory_space<hbm>> -> memref<40x128xi32, #tpu.memory_space<hbm>>
        tpu.enqueue_dma source(%dma_start3A_36 : memref<40x128xi32, #tpu.memory_space<hbm>>) target(%arg7 : memref<40x128xi32, #tpu.memory_space<vmem>>) target_semaphore(%run_scoped3A : memref<!tpu.dma_semaphore, #tpu.memory_space<semaphore_mem>>)
        %dma_wait3A = arith.constant 0 : i32
        %dma_wait3A_37 = tpu.memref_slice %arg3[%multiple_of3A, %dma_wait3A] : memref<2560x128xi32, #tpu.memory_space<hbm>> -> memref<40x128xi32, #tpu.memory_space<hbm>>
        %dma_wait3A_38 = arith.constant 0 : i32
        %dma_wait3A_39 = tpu.memref_slice %arg3[%multiple_of3A, %dma_wait3A_38] : memref<2560x128xi32, #tpu.memory_space<hbm>> -> memref<40x128xi32, #tpu.memory_space<hbm>>
        tpu.wait_dma2 semaphore(%run_scoped3A : memref<!tpu.dma_semaphore, #tpu.memory_space<semaphore_mem>>) src(%dma_wait3A_39 : memref<40x128xi32, #tpu.memory_space<hbm>>) dst(%arg7 : memref<40x128xi32, #tpu.memory_space<vmem>>)
        tpu.yield
      }) : () -> ()
      "tpu.region"() ({
        %run_scoped3A = tpu.sem_alloc : memref<!tpu.dma_semaphore, #tpu.memory_space<semaphore_mem>>
        %dma_start3A = arith.constant 0 : i32
        %dma_start3A_34 = tpu.memref_slice %arg4[%multiple_of3A, %dma_start3A] : memref<2560x128xi32, #tpu.memory_space<hbm>> -> memref<40x128xi32, #tpu.memory_space<hbm>>
        %dma_start3A_35 = arith.constant 0 : i32
        %dma_start3A_36 = tpu.memref_slice %arg4[%multiple_of3A, %dma_start3A_35] : memref<2560x128xi32, #tpu.memory_space<hbm>> -> memref<40x128xi32, #tpu.memory_space<hbm>>
        tpu.enqueue_dma source(%dma_start3A_36 : memref<40x128xi32, #tpu.memory_space<hbm>>) target(%arg8 : memref<40x128xi32, #tpu.memory_space<vmem>>) target_semaphore(%run_scoped3A : memref<!tpu.dma_semaphore, #tpu.memory_space<semaphore_mem>>)
        %dma_wait3A = arith.constant 0 : i32
        %dma_wait3A_37 = tpu.memref_slice %arg4[%multiple_of3A, %dma_wait3A] : memref<2560x128xi32, #tpu.memory_space<hbm>> -> memref<40x128xi32, #tpu.memory_space<hbm>>
        %dma_wait3A_38 = arith.constant 0 : i32
        %dma_wait3A_39 = tpu.memref_slice %arg4[%multiple_of3A, %dma_wait3A_38] : memref<2560x128xi32, #tpu.memory_space<hbm>> -> memref<40x128xi32, #tpu.memory_space<hbm>>
        tpu.wait_dma2 semaphore(%run_scoped3A : memref<!tpu.dma_semaphore, #tpu.memory_space<semaphore_mem>>) src(%dma_wait3A_39 : memref<40x128xi32, #tpu.memory_space<hbm>>) dst(%arg8 : memref<40x128xi32, #tpu.memory_space<vmem>>)
        tpu.yield
      }) : () -> ()
      %scan3A = arith.constant 0 : i32
      %scan3A_29 = arith.constant 0 : i32
      %scan3A_30 = arith.constant 20 : i32
      %scan3A_31 = arith.addi %scan3A_29, %scan3A_30 : i32
      %scan3A_32 = arith.constant 1 : i32
      scf.for %scan3A_34 = %scan3A_29 to %scan3A_31 step %scan3A_32  : i32 {
        %mul3A_35 = arith.constant 2 : i32
        %mul3A_36 = arith.muli %scan3A_34, %mul3A_35 : i32
        %add3A_37 = arith.constant 0 : i32
        %add3A_38 = arith.addi %mul3A_36, %add3A_37 : i32
        %dma_start3A = arith.constant 0 : i32
        %dma_start3A_39 = tpu.memref_slice %arg7[%add3A_38, %dma_start3A] : memref<40x128xi32, #tpu.memory_space<vmem>> -> memref<1x128xi32, #tpu.memory_space<vmem>>
        %dma_start3A_40 = tpu.memref_squeeze %dma_start3A_39 : memref<1x128xi32, #tpu.memory_space<vmem>> -> memref<128xi32, #tpu.memory_space<vmem>>
        %dma_start3A_41 = arith.constant 0 : i32
        %dma_start3A_42 = arith.constant 0 : i32
        %dma_start3A_43 = tpu.memref_slice %arg2[%dma_start3A_41, %dma_start3A_42] : memref<10240x128xf32, #tpu.memory_space<hbm>> -> memref<10240x128xf32, #tpu.memory_space<hbm>>
        tpu.enqueue_indirect_dma source(%dma_start3A_43 : memref<10240x128xf32, #tpu.memory_space<hbm>>) target(%arg9 : memref<128x128xf32, #tpu.memory_space<vmem>>) offsets(%dma_start3A_40 : memref<128xi32, #tpu.memory_space<vmem>>) semaphore(%arg12 : memref<!tpu.dma_semaphore, #tpu.memory_space<semaphore_mem>>)
        %mul3A_44 = arith.constant 2 : i32
        %mul3A_45 = arith.muli %scan3A_34, %mul3A_44 : i32
        %add3A_46 = arith.constant 1 : i32
        %add3A_47 = arith.addi %mul3A_45, %add3A_46 : i32
        %dma_start3A_48 = arith.constant 0 : i32
        %dma_start3A_49 = tpu.memref_slice %arg7[%add3A_47, %dma_start3A_48] : memref<40x128xi32, #tpu.memory_space<vmem>> -> memref<1x128xi32, #tpu.memory_space<vmem>>
        %dma_start3A_50 = tpu.memref_squeeze %dma_start3A_49 : memref<1x128xi32, #tpu.memory_space<vmem>> -> memref<128xi32, #tpu.memory_space<vmem>>
        %dma_start3A_51 = arith.constant 0 : i32
        %dma_start3A_52 = arith.constant 0 : i32
        %dma_start3A_53 = tpu.memref_slice %arg2[%dma_start3A_51, %dma_start3A_52] : memref<10240x128xf32, #tpu.memory_space<hbm>> -> memref<10240x128xf32, #tpu.memory_space<hbm>>
        tpu.enqueue_indirect_dma source(%dma_start3A_53 : memref<10240x128xf32, #tpu.memory_space<hbm>>) target(%arg10 : memref<128x128xf32, #tpu.memory_space<vmem>>) offsets(%dma_start3A_50 : memref<128xi32, #tpu.memory_space<vmem>>) semaphore(%arg13 : memref<!tpu.dma_semaphore, #tpu.memory_space<semaphore_mem>>)
        %dma_wait3A = arith.constant 0 : i32
        %dma_wait3A_54 = arith.constant 0 : i32
        %dma_wait3A_55 = tpu.memref_slice %arg2[%dma_wait3A, %dma_wait3A_54] : memref<10240x128xf32, #tpu.memory_space<hbm>> -> memref<128x128xf32, #tpu.memory_space<hbm>>
        %dma_wait3A_56 = arith.constant 0 : i32
        %dma_wait3A_57 = arith.constant 0 : i32
        %dma_wait3A_58 = tpu.memref_slice %arg2[%dma_wait3A_56, %dma_wait3A_57] : memref<10240x128xf32, #tpu.memory_space<hbm>> -> memref<128x128xf32, #tpu.memory_space<hbm>>
        tpu.wait_dma2 semaphore(%arg12 : memref<!tpu.dma_semaphore, #tpu.memory_space<semaphore_mem>>) src(%dma_wait3A_58 : memref<128x128xf32, #tpu.memory_space<hbm>>) dst(%arg9 : memref<128x128xf32, #tpu.memory_space<vmem>>)
        %mul3A_59 = arith.constant 2 : i32
        %mul3A_60 = arith.muli %scan3A_34, %mul3A_59 : i32
        %add3A_61 = arith.constant 0 : i32
        %add3A_62 = arith.addi %mul3A_60, %add3A_61 : i32
        "tpu.region"() ({
          %run_scoped3A = tpu.sem_alloc : memref<!tpu.dma_semaphore, #tpu.memory_space<semaphore_mem>>
          %dma_start3A_73 = arith.constant 0 : i32
          %dma_start3A_74 = tpu.memref_slice %arg8[%add3A_62, %dma_start3A_73] : memref<40x128xi32, #tpu.memory_space<vmem>> -> memref<1x128xi32, #tpu.memory_space<vmem>>
          %dma_start3A_75 = tpu.memref_squeeze %dma_start3A_74 : memref<1x128xi32, #tpu.memory_space<vmem>> -> memref<128xi32, #tpu.memory_space<vmem>>
          %dma_start3A_76 = arith.constant 0 : i32
          %dma_start3A_77 = arith.constant 0 : i32
          %dma_start3A_78 = tpu.memref_slice %arg11[%dma_start3A_76, %dma_start3A_77] : memref<10240x128xf32, #tpu.memory_space<vmem_shared>> -> memref<10240x128xf32, #tpu.memory_space<vmem_shared>>
          tpu.enqueue_indirect_dma source(%arg9 : memref<128x128xf32, #tpu.memory_space<vmem>>) target(%dma_start3A_78 : memref<10240x128xf32, #tpu.memory_space<vmem_shared>>) offsets(%dma_start3A_75 : memref<128xi32, #tpu.memory_space<vmem>>) semaphore(%run_scoped3A : memref<!tpu.dma_semaphore, #tpu.memory_space<semaphore_mem>>) {add = true}
          %dma_wait3A_79 = arith.constant 0 : i32
          %dma_wait3A_80 = tpu.memref_slice %arg8[%add3A_62, %dma_wait3A_79] : memref<40x128xi32, #tpu.memory_space<vmem>> -> memref<1x128xi32, #tpu.memory_space<vmem>>
          %dma_wait3A_81 = tpu.memref_squeeze %dma_wait3A_80 : memref<1x128xi32, #tpu.memory_space<vmem>> -> memref<128xi32, #tpu.memory_space<vmem>>
          %dma_wait3A_82 = arith.constant 0 : i32
          %dma_wait3A_83 = arith.constant 0 : i32
          %dma_wait3A_84 = tpu.memref_slice %arg11[%dma_wait3A_82, %dma_wait3A_83] : memref<10240x128xf32, #tpu.memory_space<vmem_shared>> -> memref<10240x128xf32, #tpu.memory_space<vmem_shared>>
          tpu.wait_indirect_dma semaphore(%run_scoped3A : memref<!tpu.dma_semaphore, #tpu.memory_space<semaphore_mem>>) src(%arg9 : memref<128x128xf32, #tpu.memory_space<vmem>>) dst(%dma_wait3A_84 : memref<10240x128xf32, #tpu.memory_space<vmem_shared>>)
          tpu.yield
        }) : () -> ()
        %dma_wait3A_63 = arith.constant 0 : i32
        %dma_wait3A_64 = arith.constant 0 : i32
        %dma_wait3A_65 = tpu.memref_slice %arg2[%dma_wait3A_63, %dma_wait3A_64] : memref<10240x128xf32, #tpu.memory_space<hbm>> -> memref<128x128xf32, #tpu.memory_space<hbm>>
        %dma_wait3A_66 = arith.constant 0 : i32
        %dma_wait3A_67 = arith.constant 0 : i32
        %dma_wait3A_68 = tpu.memref_slice %arg2[%dma_wait3A_66, %dma_wait3A_67] : memref<10240x128xf32, #tpu.memory_space<hbm>> -> memref<128x128xf32, #tpu.memory_space<hbm>>
        tpu.wait_dma2 semaphore(%arg13 : memref<!tpu.dma_semaphore, #tpu.memory_space<semaphore_mem>>) src(%dma_wait3A_68 : memref<128x128xf32, #tpu.memory_space<hbm>>) dst(%arg10 : memref<128x128xf32, #tpu.memory_space<vmem>>)
        %mul3A_69 = arith.constant 2 : i32
        %mul3A_70 = arith.muli %scan3A_34, %mul3A_69 : i32
        %add3A_71 = arith.constant 1 : i32
        %add3A_72 = arith.addi %mul3A_70, %add3A_71 : i32
        "tpu.region"() ({
          %run_scoped3A = tpu.sem_alloc : memref<!tpu.dma_semaphore, #tpu.memory_space<semaphore_mem>>
          %dma_start3A_73 = arith.constant 0 : i32
          %dma_start3A_74 = tpu.memref_slice %arg8[%add3A_72, %dma_start3A_73] : memref<40x128xi32, #tpu.memory_space<vmem>> -> memref<1x128xi32, #tpu.memory_space<vmem>>
          %dma_start3A_75 = tpu.memref_squeeze %dma_start3A_74 : memref<1x128xi32, #tpu.memory_space<vmem>> -> memref<128xi32, #tpu.memory_space<vmem>>
          %dma_start3A_76 = arith.constant 0 : i32
          %dma_start3A_77 = arith.constant 0 : i32
          %dma_start3A_78 = tpu.memref_slice %arg11[%dma_start3A_76, %dma_start3A_77] : memref<10240x128xf32, #tpu.memory_space<vmem_shared>> -> memref<10240x128xf32, #tpu.memory_space<vmem_shared>>
          tpu.enqueue_indirect_dma source(%arg10 : memref<128x128xf32, #tpu.memory_space<vmem>>) target(%dma_start3A_78 : memref<10240x128xf32, #tpu.memory_space<vmem_shared>>) offsets(%dma_start3A_75 : memref<128xi32, #tpu.memory_space<vmem>>) semaphore(%run_scoped3A : memref<!tpu.dma_semaphore, #tpu.memory_space<semaphore_mem>>) {add = true}
          %dma_wait3A_79 = arith.constant 0 : i32
          %dma_wait3A_80 = tpu.memref_slice %arg8[%add3A_72, %dma_wait3A_79] : memref<40x128xi32, #tpu.memory_space<vmem>> -> memref<1x128xi32, #tpu.memory_space<vmem>>
          %dma_wait3A_81 = tpu.memref_squeeze %dma_wait3A_80 : memref<1x128xi32, #tpu.memory_space<vmem>> -> memref<128xi32, #tpu.memory_space<vmem>>
          %dma_wait3A_82 = arith.constant 0 : i32
          %dma_wait3A_83 = arith.constant 0 : i32
          %dma_wait3A_84 = tpu.memref_slice %arg11[%dma_wait3A_82, %dma_wait3A_83] : memref<10240x128xf32, #tpu.memory_space<vmem_shared>> -> memref<10240x128xf32, #tpu.memory_space<vmem_shared>>
          tpu.wait_indirect_dma semaphore(%run_scoped3A : memref<!tpu.dma_semaphore, #tpu.memory_space<semaphore_mem>>) src(%arg10 : memref<128x128xf32, #tpu.memory_space<vmem>>) dst(%dma_wait3A_84 : memref<10240x128xf32, #tpu.memory_space<vmem_shared>>)
          tpu.yield
        }) : () -> ()
      }
      %scan3A_33 = arith.constant 20 : i32
    }
    %while3A_19 = arith.constant 1 : i32
    scf.for %while3A_25 = %while3A_17 to %while3A_13 step %while3A_19  : i32 {
      %mul3A_26 = arith.constant 40 : i32
      %mul3A_27 = arith.muli %while3A_25, %mul3A_26 : i32
      %add3A_28 = arith.addi %select_n3A_10, %mul3A_27 : i32
      %multiple_of3A = tpu.assume_multiple %add3A_28, 8 : i32
      "tpu.region"() ({
        %run_scoped3A = tpu.sem_alloc : memref<!tpu.dma_semaphore, #tpu.memory_space<semaphore_mem>>
        %dma_start3A = arith.constant 0 : i32
        %dma_start3A_34 = tpu.memref_slice %arg3[%multiple_of3A, %dma_start3A] : memref<2560x128xi32, #tpu.memory_space<hbm>> -> memref<40x128xi32, #tpu.memory_space<hbm>>
        %dma_start3A_35 = arith.constant 0 : i32
        %dma_start3A_36 = tpu.memref_slice %arg3[%multiple_of3A, %dma_start3A_35] : memref<2560x128xi32, #tpu.memory_space<hbm>> -> memref<40x128xi32, #tpu.memory_space<hbm>>
        tpu.enqueue_dma source(%dma_start3A_36 : memref<40x128xi32, #tpu.memory_space<hbm>>) target(%arg7 : memref<40x128xi32, #tpu.memory_space<vmem>>) target_semaphore(%run_scoped3A : memref<!tpu.dma_semaphore, #tpu.memory_space<semaphore_mem>>)
        %dma_wait3A = arith.constant 0 : i32
        %dma_wait3A_37 = tpu.memref_slice %arg3[%multiple_of3A, %dma_wait3A] : memref<2560x128xi32, #tpu.memory_space<hbm>> -> memref<40x128xi32, #tpu.memory_space<hbm>>
        %dma_wait3A_38 = arith.constant 0 : i32
        %dma_wait3A_39 = tpu.memref_slice %arg3[%multiple_of3A, %dma_wait3A_38] : memref<2560x128xi32, #tpu.memory_space<hbm>> -> memref<40x128xi32, #tpu.memory_space<hbm>>
        tpu.wait_dma2 semaphore(%run_scoped3A : memref<!tpu.dma_semaphore, #tpu.memory_space<semaphore_mem>>) src(%dma_wait3A_39 : memref<40x128xi32, #tpu.memory_space<hbm>>) dst(%arg7 : memref<40x128xi32, #tpu.memory_space<vmem>>)
        tpu.yield
      }) : () -> ()
      "tpu.region"() ({
        %run_scoped3A = tpu.sem_alloc : memref<!tpu.dma_semaphore, #tpu.memory_space<semaphore_mem>>
        %dma_start3A = arith.constant 0 : i32
        %dma_start3A_34 = tpu.memref_slice %arg4[%multiple_of3A, %dma_start3A] : memref<2560x128xi32, #tpu.memory_space<hbm>> -> memref<40x128xi32, #tpu.memory_space<hbm>>
        %dma_start3A_35 = arith.constant 0 : i32
        %dma_start3A_36 = tpu.memref_slice %arg4[%multiple_of3A, %dma_start3A_35] : memref<2560x128xi32, #tpu.memory_space<hbm>> -> memref<40x128xi32, #tpu.memory_space<hbm>>
        tpu.enqueue_dma source(%dma_start3A_36 : memref<40x128xi32, #tpu.memory_space<hbm>>) target(%arg8 : memref<40x128xi32, #tpu.memory_space<vmem>>) target_semaphore(%run_scoped3A : memref<!tpu.dma_semaphore, #tpu.memory_space<semaphore_mem>>)
        %dma_wait3A = arith.constant 0 : i32
        %dma_wait3A_37 = tpu.memref_slice %arg4[%multiple_of3A, %dma_wait3A] : memref<2560x128xi32, #tpu.memory_space<hbm>> -> memref<40x128xi32, #tpu.memory_space<hbm>>
        %dma_wait3A_38 = arith.constant 0 : i32
        %dma_wait3A_39 = tpu.memref_slice %arg4[%multiple_of3A, %dma_wait3A_38] : memref<2560x128xi32, #tpu.memory_space<hbm>> -> memref<40x128xi32, #tpu.memory_space<hbm>>
        tpu.wait_dma2 semaphore(%run_scoped3A : memref<!tpu.dma_semaphore, #tpu.memory_space<semaphore_mem>>) src(%dma_wait3A_39 : memref<40x128xi32, #tpu.memory_space<hbm>>) dst(%arg8 : memref<40x128xi32, #tpu.memory_space<vmem>>)
        tpu.yield
      }) : () -> ()
      %scan3A = arith.constant 0 : i32
      %scan3A_29 = arith.constant 0 : i32
      %scan3A_30 = arith.constant 20 : i32
      %scan3A_31 = arith.addi %scan3A_29, %scan3A_30 : i32
      %scan3A_32 = arith.constant 1 : i32
      scf.for %scan3A_34 = %scan3A_29 to %scan3A_31 step %scan3A_32  : i32 {
        %mul3A_35 = arith.constant 2 : i32
        %mul3A_36 = arith.muli %scan3A_34, %mul3A_35 : i32
        %add3A_37 = arith.constant 0 : i32
        %add3A_38 = arith.addi %mul3A_36, %add3A_37 : i32
        %dma_start3A = arith.constant 0 : i32
        %dma_start3A_39 = tpu.memref_slice %arg7[%add3A_38, %dma_start3A] : memref<40x128xi32, #tpu.memory_space<vmem>> -> memref<1x128xi32, #tpu.memory_space<vmem>>
        %dma_start3A_40 = tpu.memref_squeeze %dma_start3A_39 : memref<1x128xi32, #tpu.memory_space<vmem>> -> memref<128xi32, #tpu.memory_space<vmem>>
        %dma_start3A_41 = arith.constant 0 : i32
        %dma_start3A_42 = arith.constant 0 : i32
        %dma_start3A_43 = tpu.memref_slice %arg2[%dma_start3A_41, %dma_start3A_42] : memref<10240x128xf32, #tpu.memory_space<hbm>> -> memref<10240x128xf32, #tpu.memory_space<hbm>>
        tpu.enqueue_indirect_dma source(%dma_start3A_43 : memref<10240x128xf32, #tpu.memory_space<hbm>>) target(%arg9 : memref<128x128xf32, #tpu.memory_space<vmem>>) offsets(%dma_start3A_40 : memref<128xi32, #tpu.memory_space<vmem>>) semaphore(%arg12 : memref<!tpu.dma_semaphore, #tpu.memory_space<semaphore_mem>>)
        %mul3A_44 = arith.constant 2 : i32
        %mul3A_45 = arith.muli %scan3A_34, %mul3A_44 : i32
        %add3A_46 = arith.constant 1 : i32
        %add3A_47 = arith.addi %mul3A_45, %add3A_46 : i32
        %dma_start3A_48 = arith.constant 0 : i32
        %dma_start3A_49 = tpu.memref_slice %arg7[%add3A_47, %dma_start3A_48] : memref<40x128xi32, #tpu.memory_space<vmem>> -> memref<1x128xi32, #tpu.memory_space<vmem>>
        %dma_start3A_50 = tpu.memref_squeeze %dma_start3A_49 : memref<1x128xi32, #tpu.memory_space<vmem>> -> memref<128xi32, #tpu.memory_space<vmem>>
        %dma_start3A_51 = arith.constant 0 : i32
        %dma_start3A_52 = arith.constant 0 : i32
        %dma_start3A_53 = tpu.memref_slice %arg2[%dma_start3A_51, %dma_start3A_52] : memref<10240x128xf32, #tpu.memory_space<hbm>> -> memref<10240x128xf32, #tpu.memory_space<hbm>>
        tpu.enqueue_indirect_dma source(%dma_start3A_53 : memref<10240x128xf32, #tpu.memory_space<hbm>>) target(%arg10 : memref<128x128xf32, #tpu.memory_space<vmem>>) offsets(%dma_start3A_50 : memref<128xi32, #tpu.memory_space<vmem>>) semaphore(%arg13 : memref<!tpu.dma_semaphore, #tpu.memory_space<semaphore_mem>>)
        %dma_wait3A = arith.constant 0 : i32
        %dma_wait3A_54 = arith.constant 0 : i32
        %dma_wait3A_55 = tpu.memref_slice %arg2[%dma_wait3A, %dma_wait3A_54] : memref<10240x128xf32, #tpu.memory_space<hbm>> -> memref<128x128xf32, #tpu.memory_space<hbm>>
        %dma_wait3A_56 = arith.constant 0 : i32
        %dma_wait3A_57 = arith.constant 0 : i32
        %dma_wait3A_58 = tpu.memref_slice %arg2[%dma_wait3A_56, %dma_wait3A_57] : memref<10240x128xf32, #tpu.memory_space<hbm>> -> memref<128x128xf32, #tpu.memory_space<hbm>>
        tpu.wait_dma2 semaphore(%arg12 : memref<!tpu.dma_semaphore, #tpu.memory_space<semaphore_mem>>) src(%dma_wait3A_58 : memref<128x128xf32, #tpu.memory_space<hbm>>) dst(%arg9 : memref<128x128xf32, #tpu.memory_space<vmem>>)
        %mul3A_59 = arith.constant 2 : i32
        %mul3A_60 = arith.muli %scan3A_34, %mul3A_59 : i32
        %add3A_61 = arith.constant 0 : i32
        %add3A_62 = arith.addi %mul3A_60, %add3A_61 : i32
        "tpu.region"() ({
          %run_scoped3A = tpu.sem_alloc : memref<!tpu.dma_semaphore, #tpu.memory_space<semaphore_mem>>
          %dma_start3A_73 = arith.constant 0 : i32
          %dma_start3A_74 = tpu.memref_slice %arg8[%add3A_62, %dma_start3A_73] : memref<40x128xi32, #tpu.memory_space<vmem>> -> memref<1x128xi32, #tpu.memory_space<vmem>>
          %dma_start3A_75 = tpu.memref_squeeze %dma_start3A_74 : memref<1x128xi32, #tpu.memory_space<vmem>> -> memref<128xi32, #tpu.memory_space<vmem>>
          %dma_start3A_76 = arith.constant 0 : i32
          %dma_start3A_77 = arith.constant 0 : i32
          %dma_start3A_78 = tpu.memref_slice %arg11[%dma_start3A_76, %dma_start3A_77] : memref<10240x128xf32, #tpu.memory_space<vmem_shared>> -> memref<10240x128xf32, #tpu.memory_space<vmem_shared>>
          tpu.enqueue_indirect_dma source(%arg9 : memref<128x128xf32, #tpu.memory_space<vmem>>) target(%dma_start3A_78 : memref<10240x128xf32, #tpu.memory_space<vmem_shared>>) offsets(%dma_start3A_75 : memref<128xi32, #tpu.memory_space<vmem>>) semaphore(%run_scoped3A : memref<!tpu.dma_semaphore, #tpu.memory_space<semaphore_mem>>) {add = true}
          %dma_wait3A_79 = arith.constant 0 : i32
          %dma_wait3A_80 = tpu.memref_slice %arg8[%add3A_62, %dma_wait3A_79] : memref<40x128xi32, #tpu.memory_space<vmem>> -> memref<1x128xi32, #tpu.memory_space<vmem>>
          %dma_wait3A_81 = tpu.memref_squeeze %dma_wait3A_80 : memref<1x128xi32, #tpu.memory_space<vmem>> -> memref<128xi32, #tpu.memory_space<vmem>>
          %dma_wait3A_82 = arith.constant 0 : i32
          %dma_wait3A_83 = arith.constant 0 : i32
          %dma_wait3A_84 = tpu.memref_slice %arg11[%dma_wait3A_82, %dma_wait3A_83] : memref<10240x128xf32, #tpu.memory_space<vmem_shared>> -> memref<10240x128xf32, #tpu.memory_space<vmem_shared>>
          tpu.wait_indirect_dma semaphore(%run_scoped3A : memref<!tpu.dma_semaphore, #tpu.memory_space<semaphore_mem>>) src(%arg9 : memref<128x128xf32, #tpu.memory_space<vmem>>) dst(%dma_wait3A_84 : memref<10240x128xf32, #tpu.memory_space<vmem_shared>>)
          tpu.yield
        }) : () -> ()
        %dma_wait3A_63 = arith.constant 0 : i32
        %dma_wait3A_64 = arith.constant 0 : i32
        %dma_wait3A_65 = tpu.memref_slice %arg2[%dma_wait3A_63, %dma_wait3A_64] : memref<10240x128xf32, #tpu.memory_space<hbm>> -> memref<128x128xf32, #tpu.memory_space<hbm>>
        %dma_wait3A_66 = arith.constant 0 : i32
        %dma_wait3A_67 = arith.constant 0 : i32
        %dma_wait3A_68 = tpu.memref_slice %arg2[%dma_wait3A_66, %dma_wait3A_67] : memref<10240x128xf32, #tpu.memory_space<hbm>> -> memref<128x128xf32, #tpu.memory_space<hbm>>
        tpu.wait_dma2 semaphore(%arg13 : memref<!tpu.dma_semaphore, #tpu.memory_space<semaphore_mem>>) src(%dma_wait3A_68 : memref<128x128xf32, #tpu.memory_space<hbm>>) dst(%arg10 : memref<128x128xf32, #tpu.memory_space<vmem>>)
        %mul3A_69 = arith.constant 2 : i32
        %mul3A_70 = arith.muli %scan3A_34, %mul3A_69 : i32
        %add3A_71 = arith.constant 1 : i32
        %add3A_72 = arith.addi %mul3A_70, %add3A_71 : i32
        "tpu.region"() ({
          %run_scoped3A = tpu.sem_alloc : memref<!tpu.dma_semaphore, #tpu.memory_space<semaphore_mem>>
          %dma_start3A_73 = arith.constant 0 : i32
          %dma_start3A_74 = tpu.memref_slice %arg8[%add3A_72, %dma_start3A_73] : memref<40x128xi32, #tpu.memory_space<vmem>> -> memref<1x128xi32, #tpu.memory_space<vmem>>
          %dma_start3A_75 = tpu.memref_squeeze %dma_start3A_74 : memref<1x128xi32, #tpu.memory_space<vmem>> -> memref<128xi32, #tpu.memory_space<vmem>>
          %dma_start3A_76 = arith.constant 0 : i32
          %dma_start3A_77 = arith.constant 0 : i32
          %dma_start3A_78 = tpu.memref_slice %arg11[%dma_start3A_76, %dma_start3A_77] : memref<10240x128xf32, #tpu.memory_space<vmem_shared>> -> memref<10240x128xf32, #tpu.memory_space<vmem_shared>>
          tpu.enqueue_indirect_dma source(%arg10 : memref<128x128xf32, #tpu.memory_space<vmem>>) target(%dma_start3A_78 : memref<10240x128xf32, #tpu.memory_space<vmem_shared>>) offsets(%dma_start3A_75 : memref<128xi32, #tpu.memory_space<vmem>>) semaphore(%run_scoped3A : memref<!tpu.dma_semaphore, #tpu.memory_space<semaphore_mem>>) {add = true}
          %dma_wait3A_79 = arith.constant 0 : i32
          %dma_wait3A_80 = tpu.memref_slice %arg8[%add3A_72, %dma_wait3A_79] : memref<40x128xi32, #tpu.memory_space<vmem>> -> memref<1x128xi32, #tpu.memory_space<vmem>>
          %dma_wait3A_81 = tpu.memref_squeeze %dma_wait3A_80 : memref<1x128xi32, #tpu.memory_space<vmem>> -> memref<128xi32, #tpu.memory_space<vmem>>
          %dma_wait3A_82 = arith.constant 0 : i32
          %dma_wait3A_83 = arith.constant 0 : i32
          %dma_wait3A_84 = tpu.memref_slice %arg11[%dma_wait3A_82, %dma_wait3A_83] : memref<10240x128xf32, #tpu.memory_space<vmem_shared>> -> memref<10240x128xf32, #tpu.memory_space<vmem_shared>>
          tpu.wait_indirect_dma semaphore(%run_scoped3A : memref<!tpu.dma_semaphore, #tpu.memory_space<semaphore_mem>>) src(%arg10 : memref<128x128xf32, #tpu.memory_space<vmem>>) dst(%dma_wait3A_84 : memref<10240x128xf32, #tpu.memory_space<vmem_shared>>)
          tpu.yield
        }) : () -> ()
      }
      %scan3A_33 = arith.constant 20 : i32
    }
    %barrier3A_20 = arith.constant 0 : index
    tpu.barrier barrier_id(%barrier3A_20)
    %mul3A_21 = arith.constant 640 : i32
    %mul3A_22 = arith.muli %arg1, %mul3A_21 : i32
    %mul3A_23 = arith.constant 640 : i32
    %mul3A_24 = arith.muli %arg1, %mul3A_23 : i32
    "tpu.region"() ({
      %run_scoped3A = tpu.sem_alloc : memref<!tpu.dma_semaphore, #tpu.memory_space<semaphore_mem>>
      %dma_start3A = arith.constant 0 : i32
      %dma_start3A_25 = arith.constant 0 : i32
      %dma_start3A_26 = tpu.memref_slice %arg6[%arg0, %dma_start3A, %dma_start3A_25] : memref<2x10240x128xf32, #tpu.memory_space<hbm>> -> memref<1x10240x128xf32, #tpu.memory_space<hbm>>
      %dma_start3A_27 = tpu.memref_squeeze %dma_start3A_26 : memref<1x10240x128xf32, #tpu.memory_space<hbm>> -> memref<10240x128xf32, #tpu.memory_space<hbm>>
      %dma_start3A_28 = arith.constant 0 : i32
      %dma_start3A_29 = tpu.memref_slice %dma_start3A_27[%mul3A_24, %dma_start3A_28] : memref<10240x128xf32, #tpu.memory_space<hbm>> -> memref<640x128xf32, #tpu.memory_space<hbm>>
      %dma_start3A_30 = arith.constant 0 : i32
      %dma_start3A_31 = tpu.memref_slice %arg11[%mul3A_22, %dma_start3A_30] : memref<10240x128xf32, #tpu.memory_space<vmem_shared>> -> memref<640x128xf32, #tpu.memory_space<vmem_shared>>
      tpu.enqueue_dma source(%dma_start3A_31 : memref<640x128xf32, #tpu.memory_space<vmem_shared>>) target(%dma_start3A_29 : memref<640x128xf32, #tpu.memory_space<hbm>>) target_semaphore(%run_scoped3A : memref<!tpu.dma_semaphore, #tpu.memory_space<semaphore_mem>>)
      %dma_wait3A = arith.constant 0 : i32
      %dma_wait3A_32 = arith.constant 0 : i32
      %dma_wait3A_33 = tpu.memref_slice %arg6[%arg0, %dma_wait3A, %dma_wait3A_32] : memref<2x10240x128xf32, #tpu.memory_space<hbm>> -> memref<1x10240x128xf32, #tpu.memory_space<hbm>>
      %dma_wait3A_34 = tpu.memref_squeeze %dma_wait3A_33 : memref<1x10240x128xf32, #tpu.memory_space<hbm>> -> memref<10240x128xf32, #tpu.memory_space<hbm>>
      %dma_wait3A_35 = arith.constant 0 : i32
      %dma_wait3A_36 = tpu.memref_slice %dma_wait3A_34[%mul3A_24, %dma_wait3A_35] : memref<10240x128xf32, #tpu.memory_space<hbm>> -> memref<640x128xf32, #tpu.memory_space<hbm>>
      %dma_wait3A_37 = arith.constant 0 : i32
      %dma_wait3A_38 = tpu.memref_slice %arg11[%mul3A_22, %dma_wait3A_37] : memref<10240x128xf32, #tpu.memory_space<vmem_shared>> -> memref<640x128xf32, #tpu.memory_space<vmem_shared>>
      tpu.wait_dma2 semaphore(%run_scoped3A : memref<!tpu.dma_semaphore, #tpu.memory_space<semaphore_mem>>) src(%dma_wait3A_38 : memref<640x128xf32, #tpu.memory_space<vmem_shared>>) dst(%dma_wait3A_36 : memref<640x128xf32, #tpu.memory_space<hbm>>)
      tpu.yield
    }) : () -> ()
    return
  }
}

module attributes {stable_mosaic.version = 14 : i64} {
  func.func @_tc_first_body(%arg0: i32, %arg1: memref<2x512x128xf32, #tpu.memory_space<vmem>>, %arg2: memref<512x128xf32, #tpu.memory_space<vmem>>, %arg3: memref<128x128xf32, #tpu.memory_space<vmem>>, %arg4: memref<512x128xf32, #tpu.memory_space<vmem>>, %arg5: memref<512x1xf32, #tpu.memory_space<vmem>>) attributes {dimension_semantics = [#tpu.dimension_semantics<arbitrary>], iteration_bounds = array<i64: 20>, scalar_prefetch = 0 : i64, scratch_operands = 0 : i64, tpu.core_type = #tpu.core_type<tc>, window_params = [{transform_indices = @transform_0, window_bounds = array<i64: 2, 512, 128>}, {transform_indices = @transform_1, window_bounds = array<i64: 512, 128>}, {pipeline_mode = #tpu.pipeline_mode<synchronous>, transform_indices = @transform_2, window_bounds = array<i64: 128, 128>}, {transform_indices = @transform_3, window_bounds = array<i64: 512, 128>}, {transform_indices = @transform_4, window_bounds = array<i64: 512, 1>}]} {
    %get3A = arith.constant 0 : index
    %get3A_0 = arith.constant 0 : index
    %get3A_1 = arith.constant 0 : index
    %get3A_2 = vector.load %arg1[%get3A, %get3A_0, %get3A_1] : memref<2x512x128xf32, #tpu.memory_space<vmem>>, vector<1x512x1xf32>
    %get3A_3 = vector.shape_cast %get3A_2 : vector<1x512x1xf32> to vector<512x1xf32>
    %get3A_4 = arith.constant 1 : index
    %get3A_5 = arith.constant 0 : index
    %get3A_6 = arith.constant 0 : index
    %get3A_7 = vector.load %arg1[%get3A_4, %get3A_5, %get3A_6] : memref<2x512x128xf32, #tpu.memory_space<vmem>>, vector<1x512x1xf32>
    %get3A_8 = vector.shape_cast %get3A_7 : vector<1x512x1xf32> to vector<512x1xf32>
    %add3A = arith.addf %get3A_3, %get3A_8 : vector<512x1xf32>
    %add3A_9 = arith.constant 1.000000e+00 : f32
    %add3A_10 = vector.broadcast %add3A_9 : f32 to vector<512x1xf32>
    %add3A_11 = arith.addf %add3A, %add3A_10 : vector<512x1xf32>
    %mul3A = arith.constant 512 : i32
    %mul3A_12 = arith.muli %arg0, %mul3A : i32
    %iota3A = tpu.iota {dimensions = array<i32: 0>} : vector<512x1xi32>
    %add3A_13 = vector.broadcast %mul3A_12 : i32 to vector<512x1xi32>
    %add3A_14 = arith.addi %add3A_13, %iota3A : vector<512x1xi32>
    %lt3A = arith.constant 10000 : i32
    %lt3A_15 = vector.broadcast %lt3A : i32 to vector<512x1xi32>
    %lt3A_16 = arith.cmpi slt, %add3A_14, %lt3A_15 : vector<512x1xi32>
    %rsqrt3A = math.rsqrt %add3A_11 : vector<512x1xf32>
    %jit3A = arith.constant 0.000000e+00 : f32
    %broadcast_in_dim3A = vector.broadcast %jit3A : f32 to vector<512x1xf32>
    %select_n3A = arith.select %lt3A_16, %rsqrt3A, %broadcast_in_dim3A : vector<512x1xi1>, vector<512x1xf32>
    %get3A_17 = arith.constant 0 : index
    %get3A_18 = arith.constant 0 : index
    %get3A_19 = vector.load %arg2[%get3A_17, %get3A_18] : memref<512x128xf32, #tpu.memory_space<vmem>>, vector<512x128xf32>
    %get3A_20 = arith.constant 0 : index
    %get3A_21 = arith.constant 0 : index
    %get3A_22 = vector.load %arg3[%get3A_20, %get3A_21] : memref<128x128xf32, #tpu.memory_space<vmem>>, vector<128x128xf32>
    %dot_general3A = arith.constant dense<0.000000e+00> : vector<512x128xf32>
    %dot_general3A_23 = tpu.matmul %get3A_19, %get3A_22, %dot_general3A {dimension_numbers = #tpu.dot_dimension_numbers<[1], [0], [0], [1], [0, 0, 1, 1], [], []>, precision = #tpu.contract_precision<fp32>, transpose_lhs_hint = false} : vector<512x128xf32>, vector<128x128xf32>, vector<512x128xf32> -> vector<512x128xf32>
    %mul3A_24 = vector.broadcast %select_n3A : vector<512x1xf32> to vector<512x128xf32>
    %mul3A_25 = arith.mulf %mul3A_24, %dot_general3A_23 : vector<512x128xf32>
    %swap3A = arith.constant 0 : index
    %swap3A_26 = arith.constant 0 : index
    %swap3A_27 = vector.load %arg4[%swap3A, %swap3A_26] : memref<512x128xf32, #tpu.memory_space<vmem>>, vector<512x128xf32>
    tpu.vector_store %arg4[%swap3A, %swap3A_26], %mul3A_25 {strides = array<i32>} : memref<512x128xf32, #tpu.memory_space<vmem>>, vector<512x128xf32>,
    %swap3A_28 = arith.constant 0 : index
    %swap3A_29 = arith.constant 0 : index
    %swap3A_30 = vector.load %arg5[%swap3A_28, %swap3A_29] : memref<512x1xf32, #tpu.memory_space<vmem>>, vector<512x1xf32>
    tpu.vector_store %arg5[%swap3A_28, %swap3A_29], %select_n3A {strides = array<i32>} : memref<512x1xf32, #tpu.memory_space<vmem>>, vector<512x1xf32>,
    return
  }
  func.func @transform_0(%arg0: i32) -> (i32, i32, i32) {
    %c0_i32 = arith.constant 0 : i32
    %c0_i32_0 = arith.constant 0 : i32
    %c0_i32_1 = arith.constant 0 : i32
    return %c0_i32, %arg0, %c0_i32_0 : i32, i32, i32
  }
  func.func @transform_1(%arg0: i32) -> (i32, i32) {
    %c0_i32 = arith.constant 0 : i32
    %c0_i32_0 = arith.constant 0 : i32
    return %arg0, %c0_i32 : i32, i32
  }
  func.func @transform_2(%arg0: i32) -> (i32, i32) {
    %c0_i32 = arith.constant 0 : i32
    %c0_i32_0 = arith.constant 0 : i32
    %c0_i32_1 = arith.constant 0 : i32
    return %c0_i32, %c0_i32_0 : i32, i32
  }
  func.func @transform_3(%arg0: i32) -> (i32, i32) {
    %c0_i32 = arith.constant 0 : i32
    %c0_i32_0 = arith.constant 0 : i32
    return %arg0, %c0_i32 : i32, i32
  }
  func.func @transform_4(%arg0: i32) -> (i32, i32) {
    %c0_i32 = arith.constant 0 : i32
    %c0_i32_0 = arith.constant 0 : i32
    return %arg0, %c0_i32 : i32, i32
  }
}

module attributes {stable_mosaic.version = 14 : i64} {
  func.func @_tc_mid_body(%arg0: i32, %arg1: memref<2x512x128xf32, #tpu.memory_space<vmem>>, %arg2: memref<512x128xf32, #tpu.memory_space<vmem>>, %arg3: memref<512x1xf32, #tpu.memory_space<vmem>>, %arg4: memref<1x128xf32, #tpu.memory_space<vmem>>, %arg5: memref<128x128xf32, #tpu.memory_space<vmem>>, %arg6: memref<512x128xf32, #tpu.memory_space<vmem>>, %arg7: memref<512x128xf32, #tpu.memory_space<vmem>>) attributes {dimension_semantics = [#tpu.dimension_semantics<arbitrary>], iteration_bounds = array<i64: 20>, scalar_prefetch = 0 : i64, scratch_operands = 0 : i64, tpu.core_type = #tpu.core_type<tc>, window_params = [{transform_indices = @transform_0, window_bounds = array<i64: 2, 512, 128>}, {transform_indices = @transform_1, window_bounds = array<i64: 512, 128>}, {transform_indices = @transform_2, window_bounds = array<i64: 512, 1>}, {pipeline_mode = #tpu.pipeline_mode<synchronous>, transform_indices = @transform_3, window_bounds = array<i64: 1, 128>}, {pipeline_mode = #tpu.pipeline_mode<synchronous>, transform_indices = @transform_4, window_bounds = array<i64: 128, 128>}, {transform_indices = @transform_5, window_bounds = array<i64: 512, 128>}, {transform_indices = @transform_6, window_bounds = array<i64: 512, 128>}]} {
    %get3A = arith.constant 0 : index
    %get3A_0 = arith.constant 0 : index
    %get3A_1 = vector.load %arg3[%get3A, %get3A_0] : memref<512x1xf32, #tpu.memory_space<vmem>>, vector<512x1xf32>
    %get3A_2 = arith.constant 0 : index
    %get3A_3 = arith.constant 0 : index
    %get3A_4 = arith.constant 0 : index
    %get3A_5 = vector.load %arg1[%get3A_2, %get3A_3, %get3A_4] : memref<2x512x128xf32, #tpu.memory_space<vmem>>, vector<1x512x128xf32>
    %get3A_6 = vector.shape_cast %get3A_5 : vector<1x512x128xf32> to vector<512x128xf32>
    %get3A_7 = arith.constant 1 : index
    %get3A_8 = arith.constant 0 : index
    %get3A_9 = arith.constant 0 : index
    %get3A_10 = vector.load %arg1[%get3A_7, %get3A_8, %get3A_9] : memref<2x512x128xf32, #tpu.memory_space<vmem>>, vector<1x512x128xf32>
    %get3A_11 = vector.shape_cast %get3A_10 : vector<1x512x128xf32> to vector<512x128xf32>
    %add3A = arith.addf %get3A_6, %get3A_11 : vector<512x128xf32>
    %get3A_12 = arith.constant 0 : index
    %get3A_13 = arith.constant 0 : index
    %get3A_14 = vector.load %arg2[%get3A_12, %get3A_13] : memref<512x128xf32, #tpu.memory_space<vmem>>, vector<512x128xf32>
    %add3A_15 = arith.addf %add3A, %get3A_14 : vector<512x128xf32>
    %mul3A = vector.broadcast %get3A_1 : vector<512x1xf32> to vector<512x128xf32>
    %mul3A_16 = arith.mulf %mul3A, %add3A_15 : vector<512x128xf32>
    %get3A_17 = arith.constant 0 : index
    %get3A_18 = arith.constant 0 : index
    %get3A_19 = vector.load %arg4[%get3A_17, %get3A_18] : memref<1x128xf32, #tpu.memory_space<vmem>>, vector<1x128xf32>
    %add3A_20 = vector.broadcast %get3A_19 : vector<1x128xf32> to vector<512x128xf32>
    %add3A_21 = arith.addf %mul3A_16, %add3A_20 : vector<512x128xf32>
    %max3A = arith.constant 0.000000e+00 : f32
    %max3A_22 = vector.broadcast %max3A : f32 to vector<512x128xf32>
    %max3A_23 = arith.maximumf %add3A_21, %max3A_22 : vector<512x128xf32>
    %swap3A = arith.constant 0 : index
    %swap3A_24 = arith.constant 0 : index
    %swap3A_25 = vector.load %arg6[%swap3A, %swap3A_24] : memref<512x128xf32, #tpu.memory_space<vmem>>, vector<512x128xf32>
    tpu.vector_store %arg6[%swap3A, %swap3A_24], %max3A_23 {strides = array<i32>} : memref<512x128xf32, #tpu.memory_space<vmem>>, vector<512x128xf32>,
    %get3A_26 = arith.constant 0 : index
    %get3A_27 = arith.constant 0 : index
    %get3A_28 = vector.load %arg5[%get3A_26, %get3A_27] : memref<128x128xf32, #tpu.memory_space<vmem>>, vector<128x128xf32>
    %dot_general3A = arith.constant dense<0.000000e+00> : vector<512x128xf32>
    %dot_general3A_29 = tpu.matmul %max3A_23, %get3A_28, %dot_general3A {dimension_numbers = #tpu.dot_dimension_numbers<[1], [0], [0], [1], [0, 0, 1, 1], [], []>, precision = #tpu.contract_precision<fp32>, transpose_lhs_hint = false} : vector<512x128xf32>, vector<128x128xf32>, vector<512x128xf32> -> vector<512x128xf32>
    %mul3A_30 = vector.broadcast %get3A_1 : vector<512x1xf32> to vector<512x128xf32>
    %mul3A_31 = arith.mulf %mul3A_30, %dot_general3A_29 : vector<512x128xf32>
    %swap3A_32 = arith.constant 0 : index
    %swap3A_33 = arith.constant 0 : index
    %swap3A_34 = vector.load %arg7[%swap3A_32, %swap3A_33] : memref<512x128xf32, #tpu.memory_space<vmem>>, vector<512x128xf32>
    tpu.vector_store %arg7[%swap3A_32, %swap3A_33], %mul3A_31 {strides = array<i32>} : memref<512x128xf32, #tpu.memory_space<vmem>>, vector<512x128xf32>,
    return
  }
  func.func @transform_0(%arg0: i32) -> (i32, i32, i32) {
    %c0_i32 = arith.constant 0 : i32
    %c0_i32_0 = arith.constant 0 : i32
    %c0_i32_1 = arith.constant 0 : i32
    return %c0_i32, %arg0, %c0_i32_0 : i32, i32, i32
  }
  func.func @transform_1(%arg0: i32) -> (i32, i32) {
    %c0_i32 = arith.constant 0 : i32
    %c0_i32_0 = arith.constant 0 : i32
    return %arg0, %c0_i32 : i32, i32
  }
  func.func @transform_2(%arg0: i32) -> (i32, i32) {
    %c0_i32 = arith.constant 0 : i32
    %c0_i32_0 = arith.constant 0 : i32
    return %arg0, %c0_i32 : i32, i32
  }
  func.func @transform_3(%arg0: i32) -> (i32, i32) {
    %c0_i32 = arith.constant 0 : i32
    %c0_i32_0 = arith.constant 0 : i32
    %c0_i32_1 = arith.constant 0 : i32
    return %c0_i32, %c0_i32_0 : i32, i32
  }
  func.func @transform_4(%arg0: i32) -> (i32, i32) {
    %c0_i32 = arith.constant 0 : i32
    %c0_i32_0 = arith.constant 0 : i32
    %c0_i32_1 = arith.constant 0 : i32
    return %c0_i32, %c0_i32_0 : i32, i32
  }
  func.func @transform_5(%arg0: i32) -> (i32, i32) {
    %c0_i32 = arith.constant 0 : i32
    %c0_i32_0 = arith.constant 0 : i32
    return %arg0, %c0_i32 : i32, i32
  }
  func.func @transform_6(%arg0: i32) -> (i32, i32) {
    %c0_i32 = arith.constant 0 : i32
    %c0_i32_0 = arith.constant 0 : i32
    return %arg0, %c0_i32 : i32, i32
  }
}

module attributes {stable_mosaic.version = 14 : i64} {
  func.func @_tc_last_body(%arg0: i32, %arg1: memref<2x512x128xf32, #tpu.memory_space<vmem>>, %arg2: memref<512x128xf32, #tpu.memory_space<vmem>>, %arg3: memref<512x1xf32, #tpu.memory_space<vmem>>, %arg4: memref<1x128xf32, #tpu.memory_space<vmem>>, %arg5: memref<512x128xf32, #tpu.memory_space<vmem>>) attributes {dimension_semantics = [#tpu.dimension_semantics<arbitrary>], iteration_bounds = array<i64: 20>, scalar_prefetch = 0 : i64, scratch_operands = 0 : i64, tpu.core_type = #tpu.core_type<tc>, window_params = [{transform_indices = @transform_0, window_bounds = array<i64: 2, 512, 128>}, {transform_indices = @transform_1, window_bounds = array<i64: 512, 128>}, {transform_indices = @transform_2, window_bounds = array<i64: 512, 1>}, {pipeline_mode = #tpu.pipeline_mode<synchronous>, transform_indices = @transform_3, window_bounds = array<i64: 1, 128>}, {transform_indices = @transform_4, window_bounds = array<i64: 512, 128>}]} {
    %get3A = arith.constant 0 : index
    %get3A_0 = arith.constant 0 : index
    %get3A_1 = vector.load %arg3[%get3A, %get3A_0] : memref<512x1xf32, #tpu.memory_space<vmem>>, vector<512x1xf32>
    %get3A_2 = arith.constant 0 : index
    %get3A_3 = arith.constant 0 : index
    %get3A_4 = arith.constant 0 : index
    %get3A_5 = vector.load %arg1[%get3A_2, %get3A_3, %get3A_4] : memref<2x512x128xf32, #tpu.memory_space<vmem>>, vector<1x512x128xf32>
    %get3A_6 = vector.shape_cast %get3A_5 : vector<1x512x128xf32> to vector<512x128xf32>
    %get3A_7 = arith.constant 1 : index
    %get3A_8 = arith.constant 0 : index
    %get3A_9 = arith.constant 0 : index
    %get3A_10 = vector.load %arg1[%get3A_7, %get3A_8, %get3A_9] : memref<2x512x128xf32, #tpu.memory_space<vmem>>, vector<1x512x128xf32>
    %get3A_11 = vector.shape_cast %get3A_10 : vector<1x512x128xf32> to vector<512x128xf32>
    %add3A = arith.addf %get3A_6, %get3A_11 : vector<512x128xf32>
    %get3A_12 = arith.constant 0 : index
    %get3A_13 = arith.constant 0 : index
    %get3A_14 = vector.load %arg2[%get3A_12, %get3A_13] : memref<512x128xf32, #tpu.memory_space<vmem>>, vector<512x128xf32>
    %add3A_15 = arith.addf %add3A, %get3A_14 : vector<512x128xf32>
    %mul3A = vector.broadcast %get3A_1 : vector<512x1xf32> to vector<512x128xf32>
    %mul3A_16 = arith.mulf %mul3A, %add3A_15 : vector<512x128xf32>
    %get3A_17 = arith.constant 0 : index
    %get3A_18 = arith.constant 0 : index
    %get3A_19 = vector.load %arg4[%get3A_17, %get3A_18] : memref<1x128xf32, #tpu.memory_space<vmem>>, vector<1x128xf32>
    %add3A_20 = vector.broadcast %get3A_19 : vector<1x128xf32> to vector<512x128xf32>
    %add3A_21 = arith.addf %mul3A_16, %add3A_20 : vector<512x128xf32>
    %max3A = arith.constant 0.000000e+00 : f32
    %max3A_22 = vector.broadcast %max3A : f32 to vector<512x128xf32>
    %max3A_23 = arith.maximumf %add3A_21, %max3A_22 : vector<512x128xf32>
    %swap3A = arith.constant 0 : index
    %swap3A_24 = arith.constant 0 : index
    %swap3A_25 = vector.load %arg5[%swap3A, %swap3A_24] : memref<512x128xf32, #tpu.memory_space<vmem>>, vector<512x128xf32>
    tpu.vector_store %arg5[%swap3A, %swap3A_24], %max3A_23 {strides = array<i32>} : memref<512x128xf32, #tpu.memory_space<vmem>>, vector<512x128xf32>,
    return
  }
  func.func @transform_0(%arg0: i32) -> (i32, i32, i32) {
    %c0_i32 = arith.constant 0 : i32
    %c0_i32_0 = arith.constant 0 : i32
    %c0_i32_1 = arith.constant 0 : i32
    return %c0_i32, %arg0, %c0_i32_0 : i32, i32, i32
  }
  func.func @transform_1(%arg0: i32) -> (i32, i32) {
    %c0_i32 = arith.constant 0 : i32
    %c0_i32_0 = arith.constant 0 : i32
    return %arg0, %c0_i32 : i32, i32
  }
  func.func @transform_2(%arg0: i32) -> (i32, i32) {
    %c0_i32 = arith.constant 0 : i32
    %c0_i32_0 = arith.constant 0 : i32
    return %arg0, %c0_i32 : i32, i32
  }
  func.func @transform_3(%arg0: i32) -> (i32, i32) {
    %c0_i32 = arith.constant 0 : i32
    %c0_i32_0 = arith.constant 0 : i32
    %c0_i32_1 = arith.constant 0 : i32
    return %c0_i32, %c0_i32_0 : i32, i32
  }
  func.func @transform_4(%arg0: i32) -> (i32, i32) {
    %c0_i32 = arith.constant 0 : i32
    %c0_i32_0 = arith.constant 0 : i32
    return %arg0, %c0_i32 : i32, i32
  }
}

module attributes {stable_mosaic.version = 14 : i64} {
  func.func @_tc_final_body(%arg0: i32, %arg1: memref<512x128xf32, #tpu.memory_space<vmem>>, %arg2: memref<512x128xf32, #tpu.memory_space<vmem>>, %arg3: memref<512x128xf32, #tpu.memory_space<vmem>>, %arg4: memref<512x128xf32, #tpu.memory_space<vmem>>, %arg5: memref<512x128xf32, #tpu.memory_space<vmem>>, %arg6: memref<1x128xf32, #tpu.memory_space<vmem>>, %arg7: memref<512x128xf32, #tpu.memory_space<vmem>>) attributes {dimension_semantics = [#tpu.dimension_semantics<arbitrary>], iteration_bounds = array<i64: 20>, scalar_prefetch = 0 : i64, scratch_operands = 0 : i64, tpu.core_type = #tpu.core_type<tc>, window_params = [{transform_indices = @transform_0, window_bounds = array<i64: 512, 128>}, {transform_indices = @transform_1, window_bounds = array<i64: 512, 128>}, {transform_indices = @transform_2, window_bounds = array<i64: 512, 128>}, {transform_indices = @transform_3, window_bounds = array<i64: 512, 128>}, {pipeline_mode = #tpu.pipeline_mode<synchronous>, transform_indices = @transform_4, window_bounds = array<i64: 512, 128>}, {pipeline_mode = #tpu.pipeline_mode<synchronous>, transform_indices = @transform_5, window_bounds = array<i64: 1, 128>}, {transform_indices = @transform_6, window_bounds = array<i64: 512, 128>}]} {
    %get3A = arith.constant 0 : index
    %get3A_0 = arith.constant 0 : index
    %get3A_1 = vector.load %arg6[%get3A, %get3A_0] : memref<1x128xf32, #tpu.memory_space<vmem>>, vector<1x128xf32>
    %get3A_2 = arith.constant 0 : index
    %get3A_3 = arith.constant 0 : index
    %get3A_4 = vector.load %arg1[%get3A_2, %get3A_3] : memref<512x128xf32, #tpu.memory_space<vmem>>, vector<512x128xf32>
    %get3A_5 = arith.constant 0 : index
    %get3A_6 = arith.constant 0 : index
    %get3A_7 = vector.load %arg5[%get3A_5, %get3A_6] : memref<512x128xf32, #tpu.memory_space<vmem>>, vector<128x128xf32>
    %dot_general3A = arith.constant dense<0.000000e+00> : vector<512x128xf32>
    %dot_general3A_8 = tpu.matmul %get3A_4, %get3A_7, %dot_general3A {dimension_numbers = #tpu.dot_dimension_numbers<[1], [0], [0], [1], [0, 0, 1, 1], [], []>, precision = #tpu.contract_precision<fp32>, transpose_lhs_hint = false} : vector<512x128xf32>, vector<128x128xf32>, vector<512x128xf32> -> vector<512x128xf32>
    %add3A = vector.broadcast %get3A_1 : vector<1x128xf32> to vector<512x128xf32>
    %add3A_9 = arith.addf %add3A, %dot_general3A_8 : vector<512x128xf32>
    %get3A_10 = arith.constant 0 : index
    %get3A_11 = arith.constant 0 : index
    %get3A_12 = vector.load %arg2[%get3A_10, %get3A_11] : memref<512x128xf32, #tpu.memory_space<vmem>>, vector<512x128xf32>
    %get3A_13 = arith.constant 128 : index
    %get3A_14 = arith.constant 0 : index
    %get3A_15 = vector.load %arg5[%get3A_13, %get3A_14] : memref<512x128xf32, #tpu.memory_space<vmem>>, vector<128x128xf32>
    %dot_general3A_16 = arith.constant dense<0.000000e+00> : vector<512x128xf32>
    %dot_general3A_17 = tpu.matmul %get3A_12, %get3A_15, %dot_general3A_16 {dimension_numbers = #tpu.dot_dimension_numbers<[1], [0], [0], [1], [0, 0, 1, 1], [], []>, precision = #tpu.contract_precision<fp32>, transpose_lhs_hint = false} : vector<512x128xf32>, vector<128x128xf32>, vector<512x128xf32> -> vector<512x128xf32>
    %add3A_18 = arith.addf %add3A_9, %dot_general3A_17 : vector<512x128xf32>
    %get3A_19 = arith.constant 0 : index
    %get3A_20 = arith.constant 0 : index
    %get3A_21 = vector.load %arg3[%get3A_19, %get3A_20] : memref<512x128xf32, #tpu.memory_space<vmem>>, vector<512x128xf32>
    %get3A_22 = arith.constant 256 : index
    %get3A_23 = arith.constant 0 : index
    %get3A_24 = vector.load %arg5[%get3A_22, %get3A_23] : memref<512x128xf32, #tpu.memory_space<vmem>>, vector<128x128xf32>
    %dot_general3A_25 = arith.constant dense<0.000000e+00> : vector<512x128xf32>
    %dot_general3A_26 = tpu.matmul %get3A_21, %get3A_24, %dot_general3A_25 {dimension_numbers = #tpu.dot_dimension_numbers<[1], [0], [0], [1], [0, 0, 1, 1], [], []>, precision = #tpu.contract_precision<fp32>, transpose_lhs_hint = false} : vector<512x128xf32>, vector<128x128xf32>, vector<512x128xf32> -> vector<512x128xf32>
    %add3A_27 = arith.addf %add3A_18, %dot_general3A_26 : vector<512x128xf32>
    %get3A_28 = arith.constant 0 : index
    %get3A_29 = arith.constant 0 : index
    %get3A_30 = vector.load %arg4[%get3A_28, %get3A_29] : memref<512x128xf32, #tpu.memory_space<vmem>>, vector<512x128xf32>
    %get3A_31 = arith.constant 384 : index
    %get3A_32 = arith.constant 0 : index
    %get3A_33 = vector.load %arg5[%get3A_31, %get3A_32] : memref<512x128xf32, #tpu.memory_space<vmem>>, vector<128x128xf32>
    %dot_general3A_34 = arith.constant dense<0.000000e+00> : vector<512x128xf32>
    %dot_general3A_35 = tpu.matmul %get3A_30, %get3A_33, %dot_general3A_34 {dimension_numbers = #tpu.dot_dimension_numbers<[1], [0], [0], [1], [0, 0, 1, 1], [], []>, precision = #tpu.contract_precision<fp32>, transpose_lhs_hint = false} : vector<512x128xf32>, vector<128x128xf32>, vector<512x128xf32> -> vector<512x128xf32>
    %add3A_36 = arith.addf %add3A_27, %dot_general3A_35 : vector<512x128xf32>
    %reduce_max3A = arith.constant dense<0xFF800000> : vector<512xf32>
    %reduce_max3A_37 = vector.multi_reduction <maximumf>, %add3A_36, %reduce_max3A [1] : vector<512x128xf32> to vector<512xf32>
    %broadcast_in_dim3A = vector.shape_cast %reduce_max3A_37 : vector<512xf32> to vector<512x1xf32>
    %sub3A = vector.broadcast %broadcast_in_dim3A : vector<512x1xf32> to vector<512x128xf32>
    %sub3A_38 = arith.subf %add3A_36, %sub3A : vector<512x128xf32>
    %exp3A = math.exp %sub3A_38 : vector<512x128xf32>
    %reduce_sum3A = arith.constant dense<0.000000e+00> : vector<512xf32>
    %reduce_sum3A_39 = vector.multi_reduction <add>, %exp3A, %reduce_sum3A [1] : vector<512x128xf32> to vector<512xf32>
    %broadcast_in_dim3A_40 = vector.shape_cast %reduce_sum3A_39 : vector<512xf32> to vector<512x1xf32>
    %log3A = math.log %broadcast_in_dim3A_40 : vector<512x1xf32>
    %sub3A_41 = vector.broadcast %log3A : vector<512x1xf32> to vector<512x128xf32>
    %sub3A_42 = arith.subf %sub3A_38, %sub3A_41 : vector<512x128xf32>
    %swap3A = arith.constant 0 : index
    %swap3A_43 = arith.constant 0 : index
    %swap3A_44 = vector.load %arg7[%swap3A, %swap3A_43] : memref<512x128xf32, #tpu.memory_space<vmem>>, vector<512x128xf32>
    tpu.vector_store %arg7[%swap3A, %swap3A_43], %sub3A_42 {strides = array<i32>} : memref<512x128xf32, #tpu.memory_space<vmem>>, vector<512x128xf32>,
    return
  }
  func.func @transform_0(%arg0: i32) -> (i32, i32) {
    %c0_i32 = arith.constant 0 : i32
    %c0_i32_0 = arith.constant 0 : i32
    return %arg0, %c0_i32 : i32, i32
  }
  func.func @transform_1(%arg0: i32) -> (i32, i32) {
    %c0_i32 = arith.constant 0 : i32
    %c0_i32_0 = arith.constant 0 : i32
    return %arg0, %c0_i32 : i32, i32
  }
  func.func @transform_2(%arg0: i32) -> (i32, i32) {
    %c0_i32 = arith.constant 0 : i32
    %c0_i32_0 = arith.constant 0 : i32
    return %arg0, %c0_i32 : i32, i32
  }
  func.func @transform_3(%arg0: i32) -> (i32, i32) {
    %c0_i32 = arith.constant 0 : i32
    %c0_i32_0 = arith.constant 0 : i32
    return %arg0, %c0_i32 : i32, i32
  }
  func.func @transform_4(%arg0: i32) -> (i32, i32) {
    %c0_i32 = arith.constant 0 : i32
    %c0_i32_0 = arith.constant 0 : i32
    %c0_i32_1 = arith.constant 0 : i32
    return %c0_i32, %c0_i32_0 : i32, i32
  }
  func.func @transform_5(%arg0: i32) -> (i32, i32) {
    %c0_i32 = arith.constant 0 : i32
    %c0_i32_0 = arith.constant 0 : i32
    %c0_i32_1 = arith.constant 0 : i32
    return %c0_i32, %c0_i32_0 : i32, i32
  }
  func.func @transform_6(%arg0: i32) -> (i32, i32) {
    %c0_i32 = arith.constant 0 : i32
    %c0_i32_0 = arith.constant 0 : i32
    return %arg0, %c0_i32 : i32, i32
  }
}

</mosaic_0001>

<sc_bundles>
// kernel: kernel.13.cloned.1.call-start
scs
__scs_entry_jumppad:
0x0: {  	(pc) =	sbr.rel $0x88, $3  }
0x1: {  	(tag) =	ssettag $0x0;
	lr =	simm.s32 $0x1  }
0x2: {  	[smem:$0x3F95] =	sst lr;
	_ =	strace $0xD0000000  }
0x3: {  	_ = 	snop  }
0x4: {  	_ = 	snop  }
0x5: {  	_ = 	snop  }
0x6: {  	_ = 	snop  }
0x7: {  	_ = 	snop  }
__scs_overlays_trampoline_lowered:
0x8: {  	[smem:$0x3FA4] =	sst s0  }
0x9: {  	[smem:$0x3FA5] =	sst s1  }
0xa: {  	[smem:$0x3FA6] =	sst s2  }
0xb: {  	[smem:$0x3FA7] =	sst s3  }
0xc: {  	[smem:$0x3FA8] =	sst s4  }
0xd: {  	[smem:$0x3FA9] =	sst s5  }
0xe: {  	[smem:$0x3FAA] =	sst s6  }
0xf: {  	[smem:$0x3FAB] =	sst s7  }
0x10: {  	[smem:$0x3FAC] =	sst s8  }
0x11: {  	[smem:$0x3FAD] =	sst s9;
	s0 =	simm.s32 @!p0 $0x0  }
0x12: {  	s1 =	sld [smem:$0x3F93];
	s0 =	simm.s32 @p0 $0x1  }
0x13: {  	[smem:$0x3FAE] =	sst s0;
	s0 =	simm.s32 @!p1 $0x0  }
0x14: {  	s2 =	sld [smem:$0x3F92];
	s0 =	simm.s32 @p1 $0x1  }
0x15: {  	[smem:$0x3FAF] =	sst s0;
	s0 =	simm.s32 @!p2 $0x0  }
0x16: {  	s3 =	sld [smem:$0x3FDB];
	s0 =	simm.s32 @p2 $0x1  }
0x17: {  	s4 =	simm.s32 $0x1BF5;
	[smem:$0x3FB1] =	sst s0  }
0x18: {  	s0 =	sld [smem:$0x3F94];
	_ =	swait.ge [sflag:s4], $0x0  }
0x19: {  	s7 =	sld [smem:$0x3F95]  }
0x1a: {  	s8 =	sadd.s32 $0xFFFFE003, lr  }
0x1b: {  	s9 =	sadd.s32 $0xFFFFFEF7, lr;
	s5 =	simm.s32 $0xFFFFFFFF;
	p2 =	slt.u32 s8, $0xFFFFF086  }
0x1c: {  	p1 =	slt.u32 s9, $0xF7A;
	s5 =	simm.s32 @!p2 $0x0  }
0x1d: {  	s5 =	simm.s32 @p1 $0x1;
	p0 =	seq.s32 s7, s2  }
0x1e: {  	s7 =	smul.u32 @!p0 $0xF7A, s2;
	p2 =	seq.s32 @!p0 s5, $0x0  }
0x1f: {  	s9 =	smul.u32 $0xF7A, s1;
	s8 =	simm.s32 @!p0 $0x1BF5;
	p2 =	por !p2, p0  }
0x20: {  	[sflag:s8] =	ssyncset.s32 @!p0 $0xFFFFF086;
	s6 =	sadd.s32 @!p0 s3, s7;
	s7 =	simm.s32 @!p0 $0x108  }
0x21: {  	s3 =	sadd.s32 s3, s9;
	s6 =	sadd.s32 @!p0 $0x88, s6;
	s7 =	simm.s32 @p2 $0x1082  }
0x22: {  	[simem:s7], [sflag:s8] =	dma.local @!p0 [hbm:s6], $0xF7A  }
0x23: {  	s9 =	sor.u32 $0xD0000000, s2;
	s6 =	simm.s32 $0x108;
	_ =	swait.ge @!p0 [sflag:s8], $0x0  }
0x24: {  	s3 =	sadd.s32 $0x88, s3;
	s6 =	simm.s32 @!p1 $0x1082;
	[sflag:s4] =	ssyncset.s32 $0xFFFFF086  }
0x25: {  	[simem:s6], [sflag:s4] =	dma.local [hbm:s3], $0xF7A  }
0x26: {  	[smem:$0x3F95] =	sst s1;
	(tag) =	ssettag s2;
	_ =	strace s9  }
0x27: {  	s1 =	sld [smem:$0x3FA5]  }
0x28: {  	s2 =	sld [smem:$0x3FA6]  }
0x29: {  	s4 =	sld [smem:$0x3FA8]  }
0x2a: {  	p0 =	seq.s32 s5, $0x0;
	s5 =	sld [smem:$0x3FA9]  }
0x2b: {  	s6 =	sld [smem:$0x3FAA]  }
0x2c: {  	s7 =	sld [smem:$0x3FAB]  }
0x2d: {  	s3 =	simm.s32 $0x108;
	s8 =	sld [smem:$0x3FAC]  }
0x2e: {  	s3 =	simm.s32 @!p0 $0x1082;
	s9 =	sld [smem:$0x3FAD]  }
0x2f: {  	lr =	sadd.s32 s0, s3;
	s0 =	sld [smem:$0x3FA4]  }
0x30: {  	s3 =	sld [smem:$0x3FA7]  }
0x31: {  	[smem:$0x3FB0] =	sst s10  }
0x32: {  	s10 =	sld [smem:$0x3FAE];
	_ =	sdelay $0x3  }
0x33: {  	p0 =	seq.s32 s10, $0x1;
	s10 =	sld [smem:$0x3FB0];
	_ =	sdelay $0x3  }
0x34: {  	[smem:$0x3FB0] =	sst s10  }
0x35: {  	s10 =	sld [smem:$0x3FAF];
	_ =	sdelay $0x3  }
0x36: {  	p1 =	seq.s32 s10, $0x1;
	s10 =	sld [smem:$0x3FB0];
	_ =	sdelay $0x3  }
0x37: {  	[smem:$0x3FB0] =	sst s10  }
0x38: {  	s10 =	sld [smem:$0x3FB1]  }
0x39: {  	_ = 	snop;
	(pc) =	sbr.ind lr, $3  }
0x3a: {  	_ = 	snop  }
0x3b: {  	_ = 	snop  }
0x3c: {  	p2 =	seq.s32 s10, $0x1;
	s10 =	sld [smem:$0x3FB0]  }
0x3d: {  	_ =	shalt  }
0x3e: {  	_ =	shalt  }
0x3f: {  	_ =	shalt  }
0x40: {  	_ =	shalt  }
0x41: {  	_ =	shalt  }
0x42: {  	_ =	shalt  }
0x43: {  	_ =	shalt  }
0x44: {  	_ =	shalt  }
0x45: {  	_ =	shalt  }
0x46: {  	_ =	shalt  }
0x47: {  	_ =	shalt  }
0x48: {  	_ =	shalt  }
0x49: {  	_ =	shalt  }
0x4a: {  	_ =	shalt  }
0x4b: {  	_ =	shalt  }
0x4c: {  	_ =	shalt  }
0x4d: {  	_ =	shalt  }
0x4e: {  	_ =	shalt  }
0x4f: {  	_ =	shalt  }
0x50: {  	_ =	shalt  }
0x51: {  	_ =	shalt  }
0x52: {  	_ =	shalt  }
0x53: {  	_ =	shalt  }
0x54: {  	_ =	shalt  }
0x55: {  	_ =	shalt  }
0x56: {  	_ =	shalt  }
0x57: {  	_ =	shalt  }
0x58: {  	_ =	shalt  }
0x59: {  	_ =	shalt  }
0x5a: {  	_ =	shalt  }
0x5b: {  	_ =	shalt  }
0x5c: {  	_ =	shalt  }
0x5d: {  	_ =	shalt  }
0x5e: {  	_ =	shalt  }
0x5f: {  	_ =	shalt  }
0x60: {  	_ =	shalt  }
0x61: {  	_ =	shalt  }
0x62: {  	_ =	shalt  }
0x63: {  	_ =	shalt  }
0x64: {  	_ =	shalt  }
0x65: {  	_ =	shalt  }
0x66: {  	_ =	shalt  }
0x67: {  	_ =	shalt  }
0x68: {  	_ =	shalt  }
0x69: {  	_ =	shalt  }
0x6a: {  	_ =	shalt  }
0x6b: {  	_ =	shalt  }
0x6c: {  	_ =	shalt  }
0x6d: {  	_ =	shalt  }
0x6e: {  	_ =	shalt  }
0x6f: {  	_ =	shalt  }
0x70: {  	_ =	shalt  }
0x71: {  	_ =	shalt  }
0x72: {  	_ =	shalt  }
0x73: {  	_ =	shalt  }
0x74: {  	_ =	shalt  }
0x75: {  	_ =	shalt  }
0x76: {  	_ =	shalt  }
0x77: {  	_ =	shalt  }
0x78: {  	_ =	shalt  }
0x79: {  	_ =	shalt  }
0x7a: {  	_ =	shalt  }
0x7b: {  	_ =	shalt  }
0x7c: {  	_ =	shalt  }
0x7d: {  	_ =	shalt  }
0x7e: {  	_ =	shalt  }
0x7f: {  	_ =	shalt  }
0x80: {  	_ =	shalt  }
0x81: {  	_ =	shalt  }
0x82: {  	_ =	shalt  }
0x83: {  	_ =	shalt  }
0x84: {  	_ =	shalt  }
0x85: {  	_ =	shalt  }
0x86: {  	_ =	shalt  }
0x87: {  	_ =	shalt  }
.Lfunc_end0:
.L_simem_size_0:
called_computation_lowered:
.L_overlay_start_0:
0x88: {  	s2 =	sld [smem:$0x3FD9]  }
0x89: {  	s3 =	sld [smem:$0x3FFE];
	_ =	sdelay $0x1  }
0x8a: {  	s1 =	srdreg.scid  }
0x8b: {  	s0 =	sand.u32 $0x1, s1  }
0x8c: {  	s16 =	sshll.u32 s0, $0xA;
	s2 =	sadd.s32 s3, s2  }
0x8d: {  	s2 =	sadd.s32 s2, s16  }
0x8e: {  	[smem:$0x3FBC] =	sst s2  }
0x8f: {  	_ = 	snop  }
0x90: {  	(tm) =	ssettm $0x1  }
0x91: {  	s17 =	sld [smem:$0x3FFB];
	_ =	sdelay $0x3  }
0x92: {  	_ =	strace s17  }
0x93: {  	s2 =	sld [smem:$0x3FFC];
	_ =	sdelay $0x3  }
0x94: {  	_ =	strace s2  }
0x95: {  	s2 =	sld [smem:$0x3FFD];
	_ =	sdelay $0x3  }
0x96: {  	_ =	strace s2  }
0x97: {  	_ =	strace $0x8FFFFFFF  }
0x98: {  	s18 =	sld [smem:$0x3FDB];
	_ =	sdelay $0x1  }
0x99: {  	s19 =	simm.s32 $_scs_section_size  }
0x9a: {  	s4 =	simm.s32 $_size__tile_overlayer_lowered;
	s5 =	simm.s32 $_tile_overlayer_lowered  }
0x9b: {  	s22 =	simm.s32 $0x1BFF;
	s21 =	sshll.u32 s5, $0x1;
	s2 =	sadd.s32 s19, s18  }
0x9c: {  	s6 =	simm.s32 $0x0;
	s20 =	sshll.u32 s4, $0x1;
	s4 =	sadd.s32 s21, s2  }
0x9d: {  	[timem:s6], [sflag:s22] =	dma.local [hbm:s4], s20  }
0x9e: {  	_ =	swait.ge [sflag:s22], s20  }
0x9f: {  	s3 =	ssub.s32 $0x0, s20;
	[sflag:s22] =	ssyncset.done $0x0  }
0xa0: {  	[sflag:s22] =	ssyncadd.s32 s3;
	_ =	sdelay $0x1  }
0xa1: {  	s23 =	simm.s32 $0x1B8B  }
0xa2: {  	_ =	swait.ge [sflag:s23], $0x1  }
0xa3: {  	[sflag:s23] =	ssyncset.done $0x0  }
0xa4: {  	s25 =	simm.s32 $0x1B8E;
	s24 =	sld [smem:$0x3FFE];
	[sflag:s23] =	ssyncadd.s32 $0xFFFFFFFF  }
0xa5: {  	s26 =	simm.s32 $execute0_lowered;
	[smem:$0x3FD2] =	sst s25  }
0xa6: {  	s4 =	sshll.u32 s26, $0x1;
	_ =	strace $0x80000046;
	[dreg:$0x1] =	wrdreg $0xFFFFFFFF  }
0xa7: {  	s28 =	simm.s32 $_size_execute0_lowered;
	s2 =	sadd.s32 s2, s4;
	[dreg:$0x0] =	wrdreg $0x0  }
0xa8: {  	s4 =	sshll.u32 s28, $0x1;
	[dreg:$0x2] =	wrdreg s2  }
0xa9: {  	[dreg:$0x3] =	wrdreg s4  }
0xaa: {  	[dreg:$0x4] =	wrdreg $0xC0  }
0xab: {  	_ =	task [dreg:s6], $0x5FFFF  }
0xac: {  	[dreg:$0x1] =	wrdreg $0xFFFFFFFF  }
0xad: {  	[dreg:$0x0] =	wrdreg $0x60  }
0xae: {  	[dreg:$0x2] =	wrdreg s24  }
0xaf: {  	[dreg:$0x3] =	wrdreg $0x68000  }
0xb0: {  	[dreg:$0x4] =	wrdreg $0x9  }
0xb1: {  	_ =	task.clear_ibuf [dreg:s6], $0x5FFFF;
	_ =	strace $0x90000046  }
0xb2: {  	s29 =	simm.s32 $0x9;
	_ =	strace $0x80000048  }
0xb3: {  	_ =	swait.ge [sflag:s29], $0x1  }
0xb4: {  	[sflag:s29] =	ssyncadd.s32 $0xFFFFFFFF  }
0xb5: {  	_ =	strace $0x90000048  }
0xb6: {  	_ =	sfence  }
0xb7: {  	s30 =	sld [smem:$0x0];
	_ =	sdelay $0x2  }
0xb8: {  	s31 =	sshll.u32 s1, $0xD;
	s1 =	sshrl.u32 s1, $0x2  }
0xb9: {  	s3 =	sand.u32 $0x4000, s31;
	s1 =	sadd.s32 s1, s30  }
0xba: {  	s0 =	sor.u32 s3, s0;
	s1 =	sshll.u32 s1, $0x11  }
0xbb: {  	s0 =	sor.u32 s1, s0  }
0xbc: {  	s0 =	sadd.s32 $0x8F2B, s0  }
0xbd: {  	[sflag:s0] =	ssyncadd.remote.s32 $0x1  }
0xbe: {  	_ =	sfence.sel $0xFFFF  }
0xbf: {  	[dreg:$0x0] =	wrdreg $0xFFFFFFFF;
	(pc) =	sbr.abs _section_cstart, $3  }
0xc0: {  	[dreg:$0x1] =	wrdreg $0xFFFFFFFF  }
0xc1: {  	_ =	task.clear_ibuf [dreg:s6], $0x2FFFF;
	_ =	strace $0x9FFFFFFF  }
0xc2: {  	(tm) =	ssettm $0x7FFFFFFF  }
0xc3: {  	_ =	shalt  }
tec
execute0_lowered:
.L_overlay_start_1:
0x0: {  	(tag) =	ssettag $0x1  }
0x1: {  	s0 =	srdreg.scid;
	s6 =	rddreg [dreg:$0x0]  }
0x2: {  	s2 =	rddreg [dreg:$0x1];
	s3 =	simm.s32 $0x0;
	s12 =	simm.s32 $0x80  }
0x3: {  	s5 =	sand.u32 $0x1, s0;
	s0 =	stileid.u32;
	[smem:$0x7FF] =	sst s3  }
0x4: {  	s1 =	sshll.u32 s5, $0x4;
	s8 =	smul.u32 $0x28000, s5;
	s9 =	ssub.s32 $0x2, s5  }
0x5: {  	s10 =	smul.u32 $0x50000, s0;
	s5 =	sadd.s32 $0xF400, s6;
	s31 =	sshll.u32 s0, $0x6  }
0x6: {  	s14 =	smul.u32 $0x2800, s0;
	s4 =	sor.u32 s0, s1;
	s1 =	rddreg [dreg:$0x2]  }
0x7: {  	_ =	strace $0x80000047;
	s29 =	sshrl.u32 s9, $0x1;
	s4 =	smul.u32 $0x500, s4  }
0x8: {  	s8 =	sadd.s32 s8, s6;
	s9 =	ssub.s32 s9, s29;
	s30 =	sshrl.u32 s10, $0x2  }
0x9: {  	s10 =	simm.s32 $0x1;
	s11 =	sadd.s32 s30, s2;
	s13 =	sadd.s32 $0x11C00, s8  }
0xa: {  	s8 =	smax.u32 s9, $0x1;
	s7 =	sadd.s32 s4, s6;
	s4 =	sadd.s32 $0xEC00, s6  }
0xb: {  	s6 =	sor.u32 $0x1C01, s31;
	s9 =	sshrl.u32 s11, $0x3;
	s11 =	simm.s32 $0x2800  }
0xc: {  	s13 =	sadd.s32 s14, s13;
	s14 =	simm.s32 $0x0;
	s7 =	sadd.s32 $0x4C00, s7  }
.LBB2_1:
0xd: {  	[spmem:s9], [sflag:s6] =	dma.local [hbm:s5], $0x2800  }
0xe: {  	_ =	swait.ge [sflag:s10], $0x2800  }
0xf: {  	[sflag:s10] =	ssyncset.done $0x0  }
0x10: {  	[sflag:s10] =	ssyncadd.s32 $0xFFFFD800  }
0x11: {  	[bflag:$0x0] =	sbarrier.arrive $0xFFFF  }
0x12: {  	[tilespmem:s3], [sflag:$0x1] =	stream.linear.gather [hbm4b:s7+s3], $0x2800, $0x38;
	[tilespmem:$0x1A800] =	vst v63  }
0x13: {  	_ =	swait.ge [sflag:s10], $0x2800  }
0x14: {  	[sflag:s10] =	ssyncset.done $0x0  }
0x15: {  	[sflag:s10] =	ssyncadd.s32 $0xFFFFD800  }
0x16: {  	[tilespmem:s11], [sflag:$0x1] =	stream.linear.gather [hbm4b:s4+s3], $0x4000, $0x38;
	[tilespmem:$0x1A800] =	vst v63  }
0x17: {  	_ =	swait.ge [sflag:s10], $0x4000  }
0x18: {  	[sflag:s10] =	ssyncset.done $0x0  }
0x19: {  	s15 =	simm.s32 $0x0;
	[sflag:s10] =	ssyncadd.s32 $0xFFFFC000  }
0x1a: {  	[spmem:s2] =	stream.indirect.scatter.add.f32 [tilespmem:s11], [sflag:$0x1], $0x80, s15, s12, $0xb8;
	[tilespmem:$0x1A800] =	vst v63  }
0x1b: {  	_ =	swait.ge [sflag:s10], $0x4000  }
0x1c: {  	s15 =	simm.s32 $0x200;
	[sflag:s10] =	ssyncset.done $0x0  }
.LBB2_2:
0x1d: {  	s16 =	sshra.s32 s15, $0x2;
	[sflag:s10] =	ssyncadd.s32 $0xFFFFC000;
	p0 =	sne.s32 s15, $0x9E00  }
0x1e: {  	[spmem:s2] =	stream.indirect.scatter.add.f32 [tilespmem:s11], [sflag:$0x1], $0x80, s16, s12, $0xb8;
	[tilespmem:$0x1A800] =	vst v63  }
.Ltmp0:
0x1f: {  	_ = 	snop;
	(pc) =	sbr.rel @p0 .LBB2_2-.Ltmp0, $4  }
0x20: {  	_ = 	snop  }
0x21: {  	s15 =	sadd.s32 $0x200, s15  }
0x22: {  	_ =	swait.ge [sflag:s10], $0x4000  }
0x23: {  	[sflag:s10] =	ssyncset.done $0x0  }
0x24: {  	s14 =	sadd.s32 $0x1, s14  }
0x25: {  	[sflag:s10] =	ssyncadd.s32 $0xFFFFC000;
	p0 =	sne.s32 s14, s8  }
.Ltmp1:
0x26: {  	[bflag:$0x0] =	sbarrier.arrive $0xFFFF;
	(pc) =	sbr.rel @p0 .LBB2_1-.Ltmp1, $4  }
0x27: {  	[hbm:s13], [sflag:s6] =	dma.local [spmem:s9], $0x2800  }
0x28: {  	_ =	swait.ge [sflag:s10], $0x2800  }
0x29: {  	[sflag:s10] =	ssyncset.done $0x0  }
0x2a: {  	[sflag:s10] =	ssyncadd.s32 $0xFFFFD800  }
0x2b: {  	_ =	sfence.sel $0x180000  }
0x2c: {  	[bflag:$0x0] =	sbarrier.arrive $0xFFFF  }
0x2d: {  	p0 =	sne.s32 s0, $0x0;
	_ =	strace $0x90000047  }
0x2e: {  	s0 =	sadd.s32 @!p0 $0x100000, s1;
	[bflag:$0x2] =	sbarrier.arrive $0xFFFF  }
0x2f: {  	[sflag:s0] =	ssyncadd.tile.s32 @!p0 $0x1;
	_ =	shalt  }
.Lfunc_end2:
_tile_overlayer_lowered:
.L_overlay_start_2:
0x30: {  	(tag) =	ssettag $0x2  }
0x31: {  	s0 =	rddreg [dreg:$0x0];
	s2 =	stileid.u32  }
0x32: {  	s1 =	rddreg [dreg:$0x1];
	p0 =	sne.s32 s2, $0x0  }
0x33: {  	s3 =	rddreg [dreg:$0x2];
	[bflag:$0x3] =	sbarrier.arrive $0xFFFF;
	s2 =	simm.s32 @!p0 $0x1C01  }
0x34: {  	[timem:s3], [sflag:s2] =	dma.local @!p0 [hbm:s0], s1  }
0x35: {  	s0 =	simm.s32 @!p0 $0x1  }
0x36: {  	_ =	swait.ge @!p0 [sflag:s0], s1  }
0x37: {  	s1 =	ssub.s32 @!p0 $0x0, s1;
	[sflag:s0] =	ssyncset.done @!p0 $0x0  }
0x38: {  	[sflag:s0] =	ssyncadd.s32 @!p0 s1  }
0x39: {  	[bflag:$0x3] =	sbarrier.arrive $0xFFFF  }
0x3a: {  	_ =	shalt  }

// kernel: kernel.16.cloned.1.call-start
scs
__scs_entry_jumppad:
0x0: {  	(pc) =	sbr.rel $0x88, $3  }
0x1: {  	(tag) =	ssettag $0x0;
	lr =	simm.s32 $0x1  }
0x2: {  	[smem:$0x3F95] =	sst lr;
	_ =	strace $0xD0000000  }
0x3: {  	_ = 	snop  }
0x4: {  	_ = 	snop  }
0x5: {  	_ = 	snop  }
0x6: {  	_ = 	snop  }
0x7: {  	_ = 	snop  }
__scs_overlays_trampoline_lowered:
0x8: {  	[smem:$0x3FA4] =	sst s0  }
0x9: {  	[smem:$0x3FA5] =	sst s1  }
0xa: {  	[smem:$0x3FA6] =	sst s2  }
0xb: {  	[smem:$0x3FA7] =	sst s3  }
0xc: {  	[smem:$0x3FA8] =	sst s4  }
0xd: {  	[smem:$0x3FA9] =	sst s5  }
0xe: {  	[smem:$0x3FAA] =	sst s6  }
0xf: {  	[smem:$0x3FAB] =	sst s7  }
0x10: {  	[smem:$0x3FAC] =	sst s8  }
0x11: {  	[smem:$0x3FAD] =	sst s9;
	s0 =	simm.s32 @!p0 $0x0  }
0x12: {  	s1 =	sld [smem:$0x3F93];
	s0 =	simm.s32 @p0 $0x1  }
0x13: {  	[smem:$0x3FAE] =	sst s0;
	s0 =	simm.s32 @!p1 $0x0  }
0x14: {  	s2 =	sld [smem:$0x3F92];
	s0 =	simm.s32 @p1 $0x1  }
0x15: {  	[smem:$0x3FAF] =	sst s0;
	s0 =	simm.s32 @!p2 $0x0  }
0x16: {  	s3 =	sld [smem:$0x3FDB];
	s0 =	simm.s32 @p2 $0x1  }
0x17: {  	s4 =	simm.s32 $0x1BF5;
	[smem:$0x3FB1] =	sst s0  }
0x18: {  	s0 =	sld [smem:$0x3F94];
	_ =	swait.ge [sflag:s4], $0x0  }
0x19: {  	s7 =	sld [smem:$0x3F95]  }
0x1a: {  	s8 =	sadd.s32 $0xFFFFE003, lr  }
0x1b: {  	s9 =	sadd.s32 $0xFFFFFEF7, lr;
	s5 =	simm.s32 $0xFFFFFFFF;
	p2 =	slt.u32 s8, $0xFFFFF086  }
0x1c: {  	p1 =	slt.u32 s9, $0xF7A;
	s5 =	simm.s32 @!p2 $0x0  }
0x1d: {  	s5 =	simm.s32 @p1 $0x1;
	p0 =	seq.s32 s7, s2  }
0x1e: {  	s7 =	smul.u32 @!p0 $0xF7A, s2;
	p2 =	seq.s32 @!p0 s5, $0x0  }
0x1f: {  	s9 =	smul.u32 $0xF7A, s1;
	s8 =	simm.s32 @!p0 $0x1BF5;
	p2 =	por !p2, p0  }
0x20: {  	[sflag:s8] =	ssyncset.s32 @!p0 $0xFFFFF086;
	s6 =	sadd.s32 @!p0 s3, s7;
	s7 =	simm.s32 @!p0 $0x108  }
0x21: {  	s3 =	sadd.s32 s3, s9;
	s6 =	sadd.s32 @!p0 $0x88, s6;
	s7 =	simm.s32 @p2 $0x1082  }
0x22: {  	[simem:s7], [sflag:s8] =	dma.local @!p0 [hbm:s6], $0xF7A  }
0x23: {  	s9 =	sor.u32 $0xD0000000, s2;
	s6 =	simm.s32 $0x108;
	_ =	swait.ge @!p0 [sflag:s8], $0x0  }
0x24: {  	s3 =	sadd.s32 $0x88, s3;
	s6 =	simm.s32 @!p1 $0x1082;
	[sflag:s4] =	ssyncset.s32 $0xFFFFF086  }
0x25: {  	[simem:s6], [sflag:s4] =	dma.local [hbm:s3], $0xF7A  }
0x26: {  	[smem:$0x3F95] =	sst s1;
	(tag) =	ssettag s2;
	_ =	strace s9  }
0x27: {  	s1 =	sld [smem:$0x3FA5]  }
0x28: {  	s2 =	sld [smem:$0x3FA6]  }
0x29: {  	s4 =	sld [smem:$0x3FA8]  }
0x2a: {  	p0 =	seq.s32 s5, $0x0;
	s5 =	sld [smem:$0x3FA9]  }
0x2b: {  	s6 =	sld [smem:$0x3FAA]  }
0x2c: {  	s7 =	sld [smem:$0x3FAB]  }
0x2d: {  	s3 =	simm.s32 $0x108;
	s8 =	sld [smem:$0x3FAC]  }
0x2e: {  	s3 =	simm.s32 @!p0 $0x1082;
	s9 =	sld [smem:$0x3FAD]  }
0x2f: {  	lr =	sadd.s32 s0, s3;
	s0 =	sld [smem:$0x3FA4]  }
0x30: {  	s3 =	sld [smem:$0x3FA7]  }
0x31: {  	[smem:$0x3FB0] =	sst s10  }
0x32: {  	s10 =	sld [smem:$0x3FAE];
	_ =	sdelay $0x3  }
0x33: {  	p0 =	seq.s32 s10, $0x1;
	s10 =	sld [smem:$0x3FB0];
	_ =	sdelay $0x3  }
0x34: {  	[smem:$0x3FB0] =	sst s10  }
0x35: {  	s10 =	sld [smem:$0x3FAF];
	_ =	sdelay $0x3  }
0x36: {  	p1 =	seq.s32 s10, $0x1;
	s10 =	sld [smem:$0x3FB0];
	_ =	sdelay $0x3  }
0x37: {  	[smem:$0x3FB0] =	sst s10  }
0x38: {  	s10 =	sld [smem:$0x3FB1]  }
0x39: {  	_ = 	snop;
	(pc) =	sbr.ind lr, $3  }
0x3a: {  	_ = 	snop  }
0x3b: {  	_ = 	snop  }
0x3c: {  	p2 =	seq.s32 s10, $0x1;
	s10 =	sld [smem:$0x3FB0]  }
0x3d: {  	_ =	shalt  }
0x3e: {  	_ =	shalt  }
0x3f: {  	_ =	shalt  }
0x40: {  	_ =	shalt  }
0x41: {  	_ =	shalt  }
0x42: {  	_ =	shalt  }
0x43: {  	_ =	shalt  }
0x44: {  	_ =	shalt  }
0x45: {  	_ =	shalt  }
0x46: {  	_ =	shalt  }
0x47: {  	_ =	shalt  }
0x48: {  	_ =	shalt  }
0x49: {  	_ =	shalt  }
0x4a: {  	_ =	shalt  }
0x4b: {  	_ =	shalt  }
0x4c: {  	_ =	shalt  }
0x4d: {  	_ =	shalt  }
0x4e: {  	_ =	shalt  }
0x4f: {  	_ =	shalt  }
0x50: {  	_ =	shalt  }
0x51: {  	_ =	shalt  }
0x52: {  	_ =	shalt  }
0x53: {  	_ =	shalt  }
0x54: {  	_ =	shalt  }
0x55: {  	_ =	shalt  }
0x56: {  	_ =	shalt  }
0x57: {  	_ =	shalt  }
0x58: {  	_ =	shalt  }
0x59: {  	_ =	shalt  }
0x5a: {  	_ =	shalt  }
0x5b: {  	_ =	shalt  }
0x5c: {  	_ =	shalt  }
0x5d: {  	_ =	shalt  }
0x5e: {  	_ =	shalt  }
0x5f: {  	_ =	shalt  }
0x60: {  	_ =	shalt  }
0x61: {  	_ =	shalt  }
0x62: {  	_ =	shalt  }
0x63: {  	_ =	shalt  }
0x64: {  	_ =	shalt  }
0x65: {  	_ =	shalt  }
0x66: {  	_ =	shalt  }
0x67: {  	_ =	shalt  }
0x68: {  	_ =	shalt  }
0x69: {  	_ =	shalt  }
0x6a: {  	_ =	shalt  }
0x6b: {  	_ =	shalt  }
0x6c: {  	_ =	shalt  }
0x6d: {  	_ =	shalt  }
0x6e: {  	_ =	shalt  }
0x6f: {  	_ =	shalt  }
0x70: {  	_ =	shalt  }
0x71: {  	_ =	shalt  }
0x72: {  	_ =	shalt  }
0x73: {  	_ =	shalt  }
0x74: {  	_ =	shalt  }
0x75: {  	_ =	shalt  }
0x76: {  	_ =	shalt  }
0x77: {  	_ =	shalt  }
0x78: {  	_ =	shalt  }
0x79: {  	_ =	shalt  }
0x7a: {  	_ =	shalt  }
0x7b: {  	_ =	shalt  }
0x7c: {  	_ =	shalt  }
0x7d: {  	_ =	shalt  }
0x7e: {  	_ =	shalt  }
0x7f: {  	_ =	shalt  }
0x80: {  	_ =	shalt  }
0x81: {  	_ =	shalt  }
0x82: {  	_ =	shalt  }
0x83: {  	_ =	shalt  }
0x84: {  	_ =	shalt  }
0x85: {  	_ =	shalt  }
0x86: {  	_ =	shalt  }
0x87: {  	_ =	shalt  }
.Lfunc_end0:
.L_simem_size_0:
called_computation.1_lowered:
.L_overlay_start_0:
0x88: {  	s2 =	sld [smem:$0x3FD9]  }
0x89: {  	s3 =	sld [smem:$0x3FFE];
	_ =	sdelay $0x1  }
0x8a: {  	s1 =	srdreg.scid  }
0x8b: {  	s0 =	sand.u32 $0x1, s1  }
0x8c: {  	s17 =	sshll.u32 s0, $0xA;
	s2 =	sadd.s32 s3, s2  }
0x8d: {  	s2 =	sadd.s32 s2, s17  }
0x8e: {  	[smem:$0x3FBC] =	sst s2  }
0x8f: {  	_ = 	snop  }
0x90: {  	s2 =	sld [smem:$0x3FD0];
	(tm) =	ssettm $0x1  }
0x91: {  	s18 =	sld [smem:$0x3FFB];
	_ =	sdelay $0x3  }
0x92: {  	_ =	strace s18  }
0x93: {  	s3 =	sld [smem:$0x3FFC];
	_ =	sdelay $0x3  }
0x94: {  	_ =	strace s3  }
0x95: {  	s3 =	sld [smem:$0x3FFD];
	_ =	sdelay $0x3  }
0x96: {  	_ =	strace s3  }
0x97: {  	_ =	strace $0x8FFFFFFF  }
0x98: {  	s19 =	sld [smem:$0x3FDB];
	_ =	sdelay $0x1  }
0x99: {  	s4 =	simm.s32 $_scs_section_size  }
0x9a: {  	s5 =	simm.s32 $_size__tile_overlayer_lowered;
	s6 =	simm.s32 $_tile_overlayer_lowered  }
0x9b: {  	s22 =	simm.s32 $0x1BFF;
	s21 =	sshll.u32 s6, $0x1;
	s3 =	sadd.s32 s4, s19  }
0x9c: {  	s7 =	simm.s32 $0x0;
	s20 =	sshll.u32 s5, $0x1;
	s5 =	sadd.s32 s21, s3  }
0x9d: {  	[timem:s7], [sflag:s22] =	dma.local [hbm:s5], s20  }
0x9e: {  	_ =	swait.ge [sflag:s22], s20  }
0x9f: {  	s4 =	ssub.s32 $0x0, s20;
	[sflag:s22] =	ssyncset.done $0x0  }
0xa0: {  	[sflag:s22] =	ssyncadd.s32 s4;
	_ =	sdelay $0x1  }
0xa1: {  	s23 =	simm.s32 $0x1B8B  }
0xa2: {  	_ =	swait.ge [sflag:s23], $0x1  }
0xa3: {  	[sflag:s23] =	ssyncset.done $0x0  }
0xa4: {  	s25 =	simm.s32 $0x1B8E;
	s24 =	sld [smem:$0x3FFE];
	[sflag:s23] =	ssyncadd.s32 $0xFFFFFFFF  }
0xa5: {  	s26 =	simm.s32 $execute0_lowered;
	[smem:$0x3FD2] =	sst s25  }
0xa6: {  	s5 =	sshll.u32 s26, $0x1;
	_ =	strace $0x80000049;
	[dreg:$0x1] =	wrdreg $0xFFFFFFFF  }
0xa7: {  	s28 =	simm.s32 $_size_execute0_lowered;
	s3 =	sadd.s32 s3, s5;
	[dreg:$0x0] =	wrdreg $0x0  }
0xa8: {  	s5 =	sshll.u32 s28, $0x1;
	[dreg:$0x2] =	wrdreg s3  }
0xa9: {  	[dreg:$0x3] =	wrdreg s5  }
0xaa: {  	[dreg:$0x4] =	wrdreg $0xC0  }
0xab: {  	_ =	task [dreg:s7], $0x5FFFF  }
0xac: {  	[dreg:$0x1] =	wrdreg $0xFFFFFFFF  }
0xad: {  	[dreg:$0x0] =	wrdreg $0x60  }
0xae: {  	[dreg:$0x2] =	wrdreg s24  }
0xaf: {  	[dreg:$0x3] =	wrdreg s2  }
0xb0: {  	[dreg:$0x4] =	wrdreg $0xA8000  }
0xb1: {  	[dreg:$0x5] =	wrdreg $0x9  }
0xb2: {  	_ =	task.clear_ibuf [dreg:s7], $0x6FFFF;
	_ =	strace $0x90000049  }
0xb3: {  	s29 =	simm.s32 $0x9;
	_ =	strace $0x8000004B  }
0xb4: {  	_ =	swait.ge [sflag:s29], $0x1  }
0xb5: {  	[sflag:s29] =	ssyncadd.s32 $0xFFFFFFFF  }
0xb6: {  	_ =	strace $0x9000004B  }
0xb7: {  	_ =	sfence  }
0xb8: {  	s30 =	sld [smem:$0x0];
	_ =	sdelay $0x2  }
0xb9: {  	s31 =	sshll.u32 s1, $0xD;
	s1 =	sshrl.u32 s1, $0x2  }
0xba: {  	s3 =	sand.u32 $0x4000, s31;
	s1 =	sadd.s32 s1, s30  }
0xbb: {  	s0 =	sor.u32 s3, s0;
	s1 =	sshll.u32 s1, $0x11  }
0xbc: {  	s0 =	sor.u32 s1, s0  }
0xbd: {  	s0 =	sadd.s32 $0x8F2B, s0  }
0xbe: {  	[sflag:s0] =	ssyncadd.remote.s32 $0x1  }
0xbf: {  	_ =	sfence.sel $0xFFFF  }
0xc0: {  	[dreg:$0x0] =	wrdreg $0xFFFFFFFF;
	(pc) =	sbr.abs _section_cstart, $3  }
0xc1: {  	[dreg:$0x1] =	wrdreg $0xFFFFFFFF  }
0xc2: {  	_ =	task.clear_ibuf [dreg:s7], $0x2FFFF;
	_ =	strace $0x9FFFFFFF  }
0xc3: {  	(tm) =	ssettm $0x7FFFFFFF  }
tec
execute0_lowered:
.L_overlay_start_1:
0x0: {  	(tag) =	ssettag $0x1  }
0x1: {  	s8 =	rddreg [dreg:$0x0]  }
0x2: {  	s1 =	rddreg [dreg:$0x1]  }
0x3: {  	s2 =	rddreg [dreg:$0x2]  }
0x4: {  	s0 =	rddreg [dreg:$0x3];
	s3 =	simm.s32 $0x0  }
0x5: {  	s4 =	srdreg.scid;
	s15 =	simm.s32 $0x2800;
	s16 =	simm.s32 $0x6800  }
0x6: {  	s17 =	simm.s32 $0x1;
	s18 =	simm.s32 $0x2;
	[smem:$0x7FF] =	sst s3  }
0x7: {  	s19 =	sand.u32 $0x1, s4;
	s4 =	stileid.u32;
	s5 =	sadd.s32 $0x11C00, s8  }
0x8: {  	s6 =	sadd.s32 $0x4C00, s8;
	s7 =	sadd.s32 $0xF400, s8;
	s9 =	smul.u32 $0x28000, s19  }
0x9: {  	_ =	strace $0x8000004A;
	s10 =	smul.u32 $0x50000, s4;
	s29 =	ssub.s32 $0x2, s19  }
0xa: {  	s12 =	smul.u32 $0x28, s4;
	s31 =	sshll.u32 s4, $0x6;
	p0 =	seq.s32 s19, $0x0  }
0xb: {  	s21 =	smul.u32 $0x2800, s4;
	s30 =	sshrl.u32 s29, $0x1;
	s11 =	sadd.s32 s9, s8  }
0xc: {  	s10 =	sshrl.u32 s10, $0x2;
	s13 =	ssub.s32 s29, s30;
	s8 =	sadd.s32 $0x780, s12  }
0xd: {  	s9 =	sor.u32 $0x1C03, s31;
	s14 =	sadd.s32 s10, s2;
	s10 =	smul.u32 $0x78, s4  }
0xe: {  	s12 =	simm.s32 $0x3;
	s20 =	sadd.s32 $0x39C00, s11;
	s11 =	sshrl.u32 s14, $0x3  }
0xf: {  	s14 =	simm.s32 $0x80;
	s8 =	smov.u32 @p0 s10;
	s10 =	smax.u32 s13, $0x1  }
0x10: {  	s13 =	simm.s32 $0x1400;
	p0 =	sne.s32 s19, $0x0;
	s19 =	sadd.s32 s21, s20  }
.LBB2_1:
0x11: {  	[spmem:s11], [sflag:s9] =	dma.local [hbm:s7], $0x2800  }
0x12: {  	_ =	swait.ge [sflag:s12], $0x2800  }
0x13: {  	[sflag:s12] =	ssyncset.done $0x0  }
0x14: {  	[sflag:s12] =	ssyncadd.s32 $0xFFFFD800  }
0x15: {  	s20 =	simm.s32 $0x0;
	[bflag:$0x0] =	sbarrier.arrive $0xFFFF  }
.LBB2_2:
0x16: {  	s21 =	smul.u32 $0x28, s20;
	_ =	sdelay $0x1  }
0x17: {  	s21 =	sadd.s32 s8, s21  }
0x18: {  	s21 =	sshll.u32 s21, $0x4  }
0x19: {  	s23 =	simm.s32 $0x0;
	s22 =	sadd.s32 s1, s21  }
0x1a: {  	[tilespmem:s23], [sflag:$0x3] =	stream.linear.gather [hbm4b:s22+s23], $0x1400, $0x38;
	[tilespmem:$0x1E800] =	vst v63  }
0x1b: {  	_ =	swait.ge [sflag:s12], $0x1400  }
0x1c: {  	[sflag:s12] =	ssyncset.done $0x0  }
0x1d: {  	s21 =	sadd.s32 s6, s21;
	[sflag:s12] =	ssyncadd.s32 $0xFFFFEC00  }
0x1e: {  	[tilespmem:s13], [sflag:$0x3] =	stream.linear.gather [hbm4b:s21+s23], $0x1400, $0x38;
	[tilespmem:$0x1E800] =	vst v63  }
0x1f: {  	_ =	swait.ge [sflag:s12], $0x1400  }
0x20: {  	[sflag:s12] =	ssyncset.done $0x0  }
0x21: {  	s28 =	simm.s32 $0x0;
	[sflag:s12] =	ssyncadd.s32 $0xFFFFEC00  }
0x22: {  	[tilespmem:s15], [sflag:$0x1] =	stream.indirect.gather [hbm4b:s5+s14], $0x80, s28, s14, $0xb8;
	[tilespmem:$0x1E800] =	vst v63  }
0x23: {  	s29 =	simm.s32 $0x80  }
0x24: {  	[tilespmem:s16], [sflag:$0x2] =	stream.indirect.gather [hbm4b:s5+s14], $0x80, s29, s14, $0xb8;
	[tilespmem:$0x1E800] =	vst v63  }
0x25: {  	_ =	swait.ge [sflag:s17], $0x4000  }
0x26: {  	[sflag:s17] =	ssyncset.done $0x0  }
0x27: {  	s30 =	simm.s32 $0x1400;
	[sflag:s17] =	ssyncadd.s32 $0xFFFFC000  }
0x28: {  	[spmem:s2] =	stream.indirect.scatter.add.f32 [tilespmem:s15], [sflag:$0x3], $0x80, s30, s14, $0xb8;
	[tilespmem:$0x1E800] =	vst v63  }
0x29: {  	_ =	swait.ge [sflag:s12], $0x4000  }
0x2a: {  	[sflag:s12] =	ssyncset.done $0x0  }
0x2b: {  	[sflag:s12] =	ssyncadd.s32 $0xFFFFC000  }
0x2c: {  	_ =	swait.ge [sflag:s18], $0x4000  }
0x2d: {  	[sflag:s18] =	ssyncset.done $0x0  }
0x2e: {  	s31 =	simm.s32 $0x1480;
	[sflag:s18] =	ssyncadd.s32 $0xFFFFC000  }
0x2f: {  	[spmem:s2] =	stream.indirect.scatter.add.f32 [tilespmem:s16], [sflag:$0x3], $0x80, s31, s14, $0xb8;
	[tilespmem:$0x1E800] =	vst v63  }
0x30: {  	_ =	swait.ge [sflag:s12], $0x4000  }
0x31: {  	s22 =	simm.s32 $0x800;
	s21 =	simm.s32 $0x400;
	[sflag:s12] =	ssyncset.done $0x0  }
.LBB2_3:
0x32: {  	s23 =	sshra.s32 s21, $0x2  }
0x33: {  	[sflag:s12] =	ssyncadd.s32 $0xFFFFC000;
	s21 =	smov.u32 s22;
	s24 =	sadd.s32 $0x400, s22  }
0x34: {  	[tilespmem:s15], [sflag:$0x1] =	stream.indirect.gather [hbm4b:s5+s14], $0x80, s23, s14, $0xb8;
	[tilespmem:$0x1E800] =	vst v63  }
0x35: {  	p1 =	sne.s32 s22, $0x4C00;
	s22 =	sadd.s32 $0x80, s23  }
0x36: {  	[tilespmem:s16], [sflag:$0x2] =	stream.indirect.gather [hbm4b:s5+s14], $0x80, s22, s14, $0xb8;
	[tilespmem:$0x1E800] =	vst v63  }
0x37: {  	_ =	swait.ge [sflag:s17], $0x4000  }
0x38: {  	[sflag:s17] =	ssyncset.done $0x0  }
0x39: {  	s22 =	sadd.s32 $0x1400, s23;
	[sflag:s17] =	ssyncadd.s32 $0xFFFFC000  }
0x3a: {  	[spmem:s2] =	stream.indirect.scatter.add.f32 [tilespmem:s15], [sflag:$0x3], $0x80, s22, s14, $0xb8;
	[tilespmem:$0x1E800] =	vst v63  }
0x3b: {  	_ =	swait.ge [sflag:s12], $0x4000  }
0x3c: {  	[sflag:s12] =	ssyncset.done $0x0  }
0x3d: {  	[sflag:s12] =	ssyncadd.s32 $0xFFFFC000  }
0x3e: {  	_ =	swait.ge [sflag:s18], $0x4000  }
.Ltmp0:
0x3f: {  	[sflag:s18] =	ssyncset.done $0x0;
	(pc) =	sbr.rel @p1 .LBB2_3-.Ltmp0, $4  }
0x40: {  	s22 =	sadd.s32 $0x1480, s23;
	[sflag:s18] =	ssyncadd.s32 $0xFFFFC000  }
0x41: {  	[spmem:s2] =	stream.indirect.scatter.add.f32 [tilespmem:s16], [sflag:$0x3], $0x80, s22, s14, $0xb8;
	[tilespmem:$0x1E800] =	vst v63  }
0x42: {  	_ =	swait.ge [sflag:s12], $0x4000  }
0x43: {  	s22 =	smov.u32 s24;
	[sflag:s12] =	ssyncset.done $0x0  }
0x44: {  	s21 =	sshra.s32 s21, $0x2;
	[sflag:s12] =	ssyncadd.s32 $0xFFFFC000  }
0x45: {  	[tilespmem:s15], [sflag:$0x1] =	stream.indirect.gather [hbm4b:s5+s14], $0x80, s21, s14, $0xb8;
	[tilespmem:$0x1E800] =	vst v63  }
0x46: {  	s22 =	sadd.s32 $0x80, s21  }
0x47: {  	[tilespmem:s16], [sflag:$0x2] =	stream.indirect.gather [hbm4b:s5+s14], $0x80, s22, s14, $0xb8;
	[tilespmem:$0x1E800] =	vst v63  }
0x48: {  	_ =	swait.ge [sflag:s17], $0x4000  }
0x49: {  	[sflag:s17] =	ssyncset.done $0x0  }
0x4a: {  	s31 =	sadd.s32 $0x1400, s21;
	[sflag:s17] =	ssyncadd.s32 $0xFFFFC000  }
0x4b: {  	[spmem:s2] =	stream.indirect.scatter.add.f32 [tilespmem:s15], [sflag:$0x3], $0x80, s31, s14, $0xb8;
	[tilespmem:$0x1E800] =	vst v63  }
0x4c: {  	_ =	swait.ge [sflag:s12], $0x4000  }
0x4d: {  	[sflag:s12] =	ssyncset.done $0x0  }
0x4e: {  	[sflag:s12] =	ssyncadd.s32 $0xFFFFC000  }
0x4f: {  	p1 =	slt.u32 @!p0 s20, $0x2;
	_ =	swait.ge [sflag:s18], $0x4000  }
0x50: {  	p1 =	por p0, !p1;
	[sflag:s18] =	ssyncset.done $0x0  }
.Ltmp1:
0x51: {  	s21 =	sadd.s32 $0x1480, s21;
	[sflag:s18] =	ssyncadd.s32 $0xFFFFC000;
	(pc) =	sbr.rel @!p1 .LBB2_2-.Ltmp1, $4  }
0x52: {  	[spmem:s2] =	stream.indirect.scatter.add.f32 [tilespmem:s16], [sflag:$0x3], $0x80, s21, s14, $0xb8;
	[tilespmem:$0x1E800] =	vst v63  }
0x53: {  	_ =	swait.ge [sflag:s12], $0x4000  }
0x54: {  	[sflag:s12] =	ssyncset.done $0x0  }
0x55: {  	s20 =	sadd.s32 $0x1, s20;
	[sflag:s12] =	ssyncadd.s32 $0xFFFFC000  }
0x56: {  	s3 =	sadd.s32 $0x1, s3  }
0x57: {  	p1 =	sne.s32 s3, s10  }
.Ltmp2:
0x58: {  	[bflag:$0x0] =	sbarrier.arrive $0xFFFF;
	(pc) =	sbr.rel @p1 .LBB2_1-.Ltmp2, $4  }
0x59: {  	[hbm:s19], [sflag:s9] =	dma.local [spmem:s11], $0x2800  }
0x5a: {  	_ =	swait.ge [sflag:s12], $0x2800  }
0x5b: {  	[sflag:s12] =	ssyncset.done $0x0  }
0x5c: {  	[sflag:s12] =	ssyncadd.s32 $0xFFFFD800  }
0x5d: {  	_ =	sfence.sel $0x180000  }
0x5e: {  	[bflag:$0x0] =	sbarrier.arrive $0xFFFF  }
0x5f: {  	p0 =	sne.s32 s4, $0x0;
	_ =	strace $0x9000004A  }
0x60: {  	s0 =	sadd.s32 @!p0 $0x100000, s0;
	[bflag:$0x2] =	sbarrier.arrive $0xFFFF  }
0x61: {  	[sflag:s0] =	ssyncadd.tile.s32 @!p0 $0x1;
	_ =	shalt  }
.Lfunc_end2:
_tile_overlayer_lowered:
.L_overlay_start_2:
0x62: {  	(tag) =	ssettag $0x2  }
0x63: {  	s0 =	rddreg [dreg:$0x0];
	s2 =	stileid.u32  }
0x64: {  	s1 =	rddreg [dreg:$0x1];
	p0 =	sne.s32 s2, $0x0  }
0x65: {  	s3 =	rddreg [dreg:$0x2];
	[bflag:$0x3] =	sbarrier.arrive $0xFFFF;
	s2 =	simm.s32 @!p0 $0x1C03  }
0x66: {  	[timem:s3], [sflag:s2] =	dma.local @!p0 [hbm:s0], s1  }
0x67: {  	s0 =	simm.s32 @!p0 $0x3  }
0x68: {  	_ =	swait.ge @!p0 [sflag:s0], s1  }
0x69: {  	s1 =	ssub.s32 @!p0 $0x0, s1;
	[sflag:s0] =	ssyncset.done @!p0 $0x0  }
0x6a: {  	[sflag:s0] =	ssyncadd.s32 @!p0 s1  }
0x6b: {  	[bflag:$0x3] =	sbarrier.arrive $0xFFFF  }
0x6c: {  	_ =	shalt  }

// kernel: kernel.19.cloned.1.call-start
scs
__scs_entry_jumppad:
0x0: {  	(pc) =	sbr.rel $0x88, $3  }
0x1: {  	(tag) =	ssettag $0x0;
	lr =	simm.s32 $0x1  }
0x2: {  	[smem:$0x3F95] =	sst lr;
	_ =	strace $0xD0000000  }
0x3: {  	_ = 	snop  }
0x4: {  	_ = 	snop  }
0x5: {  	_ = 	snop  }
0x6: {  	_ = 	snop  }
0x7: {  	_ = 	snop  }
__scs_overlays_trampoline_lowered:
0x8: {  	[smem:$0x3FA4] =	sst s0  }
0x9: {  	[smem:$0x3FA5] =	sst s1  }
0xa: {  	[smem:$0x3FA6] =	sst s2  }
0xb: {  	[smem:$0x3FA7] =	sst s3  }
0xc: {  	[smem:$0x3FA8] =	sst s4  }
0xd: {  	[smem:$0x3FA9] =	sst s5  }
0xe: {  	[smem:$0x3FAA] =	sst s6  }
0xf: {  	[smem:$0x3FAB] =	sst s7  }
0x10: {  	[smem:$0x3FAC] =	sst s8  }
0x11: {  	[smem:$0x3FAD] =	sst s9;
	s0 =	simm.s32 @!p0 $0x0  }
0x12: {  	s1 =	sld [smem:$0x3F93];
	s0 =	simm.s32 @p0 $0x1  }
0x13: {  	[smem:$0x3FAE] =	sst s0;
	s0 =	simm.s32 @!p1 $0x0  }
0x14: {  	s2 =	sld [smem:$0x3F92];
	s0 =	simm.s32 @p1 $0x1  }
0x15: {  	[smem:$0x3FAF] =	sst s0;
	s0 =	simm.s32 @!p2 $0x0  }
0x16: {  	s3 =	sld [smem:$0x3FDB];
	s0 =	simm.s32 @p2 $0x1  }
0x17: {  	s4 =	simm.s32 $0x1BF5;
	[smem:$0x3FB1] =	sst s0  }
0x18: {  	s0 =	sld [smem:$0x3F94];
	_ =	swait.ge [sflag:s4], $0x0  }
0x19: {  	s7 =	sld [smem:$0x3F95]  }
0x1a: {  	s8 =	sadd.s32 $0xFFFFE003, lr  }
0x1b: {  	s9 =	sadd.s32 $0xFFFFFEF7, lr;
	s5 =	simm.s32 $0xFFFFFFFF;
	p2 =	slt.u32 s8, $0xFFFFF086  }
0x1c: {  	p1 =	slt.u32 s9, $0xF7A;
	s5 =	simm.s32 @!p2 $0x0  }
0x1d: {  	s5 =	simm.s32 @p1 $0x1;
	p0 =	seq.s32 s7, s2  }
0x1e: {  	s7 =	smul.u32 @!p0 $0xF7A, s2;
	p2 =	seq.s32 @!p0 s5, $0x0  }
0x1f: {  	s9 =	smul.u32 $0xF7A, s1;
	s8 =	simm.s32 @!p0 $0x1BF5;
	p2 =	por !p2, p0  }
0x20: {  	[sflag:s8] =	ssyncset.s32 @!p0 $0xFFFFF086;
	s6 =	sadd.s32 @!p0 s3, s7;
	s7 =	simm.s32 @!p0 $0x108  }
0x21: {  	s3 =	sadd.s32 s3, s9;
	s6 =	sadd.s32 @!p0 $0x88, s6;
	s7 =	simm.s32 @p2 $0x1082  }
0x22: {  	[simem:s7], [sflag:s8] =	dma.local @!p0 [hbm:s6], $0xF7A  }
0x23: {  	s9 =	sor.u32 $0xD0000000, s2;
	s6 =	simm.s32 $0x108;
	_ =	swait.ge @!p0 [sflag:s8], $0x0  }
0x24: {  	s3 =	sadd.s32 $0x88, s3;
	s6 =	simm.s32 @!p1 $0x1082;
	[sflag:s4] =	ssyncset.s32 $0xFFFFF086  }
0x25: {  	[simem:s6], [sflag:s4] =	dma.local [hbm:s3], $0xF7A  }
0x26: {  	[smem:$0x3F95] =	sst s1;
	(tag) =	ssettag s2;
	_ =	strace s9  }
0x27: {  	s1 =	sld [smem:$0x3FA5]  }
0x28: {  	s2 =	sld [smem:$0x3FA6]  }
0x29: {  	s4 =	sld [smem:$0x3FA8]  }
0x2a: {  	p0 =	seq.s32 s5, $0x0;
	s5 =	sld [smem:$0x3FA9]  }
0x2b: {  	s6 =	sld [smem:$0x3FAA]  }
0x2c: {  	s7 =	sld [smem:$0x3FAB]  }
0x2d: {  	s3 =	simm.s32 $0x108;
	s8 =	sld [smem:$0x3FAC]  }
0x2e: {  	s3 =	simm.s32 @!p0 $0x1082;
	s9 =	sld [smem:$0x3FAD]  }
0x2f: {  	lr =	sadd.s32 s0, s3;
	s0 =	sld [smem:$0x3FA4]  }
0x30: {  	s3 =	sld [smem:$0x3FA7]  }
0x31: {  	[smem:$0x3FB0] =	sst s10  }
0x32: {  	s10 =	sld [smem:$0x3FAE];
	_ =	sdelay $0x3  }
0x33: {  	p0 =	seq.s32 s10, $0x1;
	s10 =	sld [smem:$0x3FB0];
	_ =	sdelay $0x3  }
0x34: {  	[smem:$0x3FB0] =	sst s10  }
0x35: {  	s10 =	sld [smem:$0x3FAF];
	_ =	sdelay $0x3  }
0x36: {  	p1 =	seq.s32 s10, $0x1;
	s10 =	sld [smem:$0x3FB0];
	_ =	sdelay $0x3  }
0x37: {  	[smem:$0x3FB0] =	sst s10  }
0x38: {  	s10 =	sld [smem:$0x3FB1]  }
0x39: {  	_ = 	snop;
	(pc) =	sbr.ind lr, $3  }
0x3a: {  	_ = 	snop  }
0x3b: {  	_ = 	snop  }
0x3c: {  	p2 =	seq.s32 s10, $0x1;
	s10 =	sld [smem:$0x3FB0]  }
0x3d: {  	_ =	shalt  }
0x3e: {  	_ =	shalt  }
0x3f: {  	_ =	shalt  }
0x40: {  	_ =	shalt  }
0x41: {  	_ =	shalt  }
0x42: {  	_ =	shalt  }
0x43: {  	_ =	shalt  }
0x44: {  	_ =	shalt  }
0x45: {  	_ =	shalt  }
0x46: {  	_ =	shalt  }
0x47: {  	_ =	shalt  }
0x48: {  	_ =	shalt  }
0x49: {  	_ =	shalt  }
0x4a: {  	_ =	shalt  }
0x4b: {  	_ =	shalt  }
0x4c: {  	_ =	shalt  }
0x4d: {  	_ =	shalt  }
0x4e: {  	_ =	shalt  }
0x4f: {  	_ =	shalt  }
0x50: {  	_ =	shalt  }
0x51: {  	_ =	shalt  }
0x52: {  	_ =	shalt  }
0x53: {  	_ =	shalt  }
0x54: {  	_ =	shalt  }
0x55: {  	_ =	shalt  }
0x56: {  	_ =	shalt  }
0x57: {  	_ =	shalt  }
0x58: {  	_ =	shalt  }
0x59: {  	_ =	shalt  }
0x5a: {  	_ =	shalt  }
0x5b: {  	_ =	shalt  }
0x5c: {  	_ =	shalt  }
0x5d: {  	_ =	shalt  }
0x5e: {  	_ =	shalt  }
0x5f: {  	_ =	shalt  }
0x60: {  	_ =	shalt  }
0x61: {  	_ =	shalt  }
0x62: {  	_ =	shalt  }
0x63: {  	_ =	shalt  }
0x64: {  	_ =	shalt  }
0x65: {  	_ =	shalt  }
0x66: {  	_ =	shalt  }
0x67: {  	_ =	shalt  }
0x68: {  	_ =	shalt  }
0x69: {  	_ =	shalt  }
0x6a: {  	_ =	shalt  }
0x6b: {  	_ =	shalt  }
0x6c: {  	_ =	shalt  }
0x6d: {  	_ =	shalt  }
0x6e: {  	_ =	shalt  }
0x6f: {  	_ =	shalt  }
0x70: {  	_ =	shalt  }
0x71: {  	_ =	shalt  }
0x72: {  	_ =	shalt  }
0x73: {  	_ =	shalt  }
0x74: {  	_ =	shalt  }
0x75: {  	_ =	shalt  }
0x76: {  	_ =	shalt  }
0x77: {  	_ =	shalt  }
0x78: {  	_ =	shalt  }
0x79: {  	_ =	shalt  }
0x7a: {  	_ =	shalt  }
0x7b: {  	_ =	shalt  }
0x7c: {  	_ =	shalt  }
0x7d: {  	_ =	shalt  }
0x7e: {  	_ =	shalt  }
0x7f: {  	_ =	shalt  }
0x80: {  	_ =	shalt  }
0x81: {  	_ =	shalt  }
0x82: {  	_ =	shalt  }
0x83: {  	_ =	shalt  }
0x84: {  	_ =	shalt  }
0x85: {  	_ =	shalt  }
0x86: {  	_ =	shalt  }
0x87: {  	_ =	shalt  }
.Lfunc_end0:
.L_simem_size_0:
called_computation.2_lowered:
.L_overlay_start_0:
0x88: {  	s2 =	sld [smem:$0x3FD9]  }
0x89: {  	s3 =	sld [smem:$0x3FFE];
	_ =	sdelay $0x1  }
0x8a: {  	s1 =	srdreg.scid  }
0x8b: {  	s0 =	sand.u32 $0x1, s1  }
0x8c: {  	s17 =	sshll.u32 s0, $0xA;
	s2 =	sadd.s32 s3, s2  }
0x8d: {  	s2 =	sadd.s32 s2, s17  }
0x8e: {  	[smem:$0x3FBC] =	sst s2  }
0x8f: {  	_ = 	snop  }
0x90: {  	s2 =	sld [smem:$0x3FD0];
	(tm) =	ssettm $0x1  }
0x91: {  	s18 =	sld [smem:$0x3FFB];
	_ =	sdelay $0x3  }
0x92: {  	_ =	strace s18  }
0x93: {  	s3 =	sld [smem:$0x3FFC];
	_ =	sdelay $0x3  }
0x94: {  	_ =	strace s3  }
0x95: {  	s3 =	sld [smem:$0x3FFD];
	_ =	sdelay $0x3  }
0x96: {  	_ =	strace s3  }
0x97: {  	_ =	strace $0x8FFFFFFF  }
0x98: {  	s19 =	sld [smem:$0x3FDB];
	_ =	sdelay $0x1  }
0x99: {  	s4 =	simm.s32 $_scs_section_size  }
0x9a: {  	s5 =	simm.s32 $_size__tile_overlayer_lowered;
	s6 =	simm.s32 $_tile_overlayer_lowered  }
0x9b: {  	s22 =	simm.s32 $0x1BFF;
	s21 =	sshll.u32 s6, $0x1;
	s3 =	sadd.s32 s4, s19  }
0x9c: {  	s7 =	simm.s32 $0x0;
	s20 =	sshll.u32 s5, $0x1;
	s5 =	sadd.s32 s21, s3  }
0x9d: {  	[timem:s7], [sflag:s22] =	dma.local [hbm:s5], s20  }
0x9e: {  	_ =	swait.ge [sflag:s22], s20  }
0x9f: {  	s4 =	ssub.s32 $0x0, s20;
	[sflag:s22] =	ssyncset.done $0x0  }
0xa0: {  	[sflag:s22] =	ssyncadd.s32 s4;
	_ =	sdelay $0x1  }
0xa1: {  	s23 =	simm.s32 $0x1B8B  }
0xa2: {  	_ =	swait.ge [sflag:s23], $0x1  }
0xa3: {  	[sflag:s23] =	ssyncset.done $0x0  }
0xa4: {  	s25 =	simm.s32 $0x1B8E;
	s24 =	sld [smem:$0x3FFE];
	[sflag:s23] =	ssyncadd.s32 $0xFFFFFFFF  }
0xa5: {  	s26 =	simm.s32 $execute0_lowered;
	[smem:$0x3FD2] =	sst s25  }
0xa6: {  	s5 =	sshll.u32 s26, $0x1;
	_ =	strace $0x8000004C;
	[dreg:$0x1] =	wrdreg $0xFFFFFFFF  }
0xa7: {  	s28 =	simm.s32 $_size_execute0_lowered;
	s3 =	sadd.s32 s3, s5;
	[dreg:$0x0] =	wrdreg $0x0  }
0xa8: {  	s5 =	sshll.u32 s28, $0x1;
	[dreg:$0x2] =	wrdreg s3  }
0xa9: {  	[dreg:$0x3] =	wrdreg s5  }
0xaa: {  	[dreg:$0x4] =	wrdreg $0xC0  }
0xab: {  	_ =	task [dreg:s7], $0x5FFFF  }
0xac: {  	[dreg:$0x1] =	wrdreg $0xFFFFFFFF  }
0xad: {  	[dreg:$0x0] =	wrdreg $0x60  }
0xae: {  	[dreg:$0x2] =	wrdreg s24  }
0xaf: {  	[dreg:$0x3] =	wrdreg s2  }
0xb0: {  	[dreg:$0x4] =	wrdreg $0xA8000  }
0xb1: {  	[dreg:$0x5] =	wrdreg $0x9  }
0xb2: {  	_ =	task.clear_ibuf [dreg:s7], $0x6FFFF;
	_ =	strace $0x9000004C  }
0xb3: {  	s29 =	simm.s32 $0x9;
	_ =	strace $0x8000004E  }
0xb4: {  	_ =	swait.ge [sflag:s29], $0x1  }
0xb5: {  	[sflag:s29] =	ssyncadd.s32 $0xFFFFFFFF  }
0xb6: {  	_ =	strace $0x9000004E  }
0xb7: {  	_ =	sfence  }
0xb8: {  	s30 =	sld [smem:$0x0];
	_ =	sdelay $0x2  }
0xb9: {  	s31 =	sshll.u32 s1, $0xD;
	s1 =	sshrl.u32 s1, $0x2  }
0xba: {  	s3 =	sand.u32 $0x4000, s31;
	s1 =	sadd.s32 s1, s30  }
0xbb: {  	s0 =	sor.u32 s3, s0;
	s1 =	sshll.u32 s1, $0x11  }
0xbc: {  	s0 =	sor.u32 s1, s0  }
0xbd: {  	s0 =	sadd.s32 $0x8F2B, s0  }
0xbe: {  	[sflag:s0] =	ssyncadd.remote.s32 $0x1  }
0xbf: {  	_ =	sfence.sel $0xFFFF  }
0xc0: {  	[dreg:$0x0] =	wrdreg $0xFFFFFFFF;
	(pc) =	sbr.abs _section_cstart, $3  }
0xc1: {  	[dreg:$0x1] =	wrdreg $0xFFFFFFFF  }
0xc2: {  	_ =	task.clear_ibuf [dreg:s7], $0x2FFFF;
	_ =	strace $0x9FFFFFFF  }
0xc3: {  	(tm) =	ssettm $0x7FFFFFFF  }
tec
execute0_lowered:
.L_overlay_start_1:
0x0: {  	(tag) =	ssettag $0x1  }
0x1: {  	s8 =	rddreg [dreg:$0x0]  }
0x2: {  	s1 =	rddreg [dreg:$0x1]  }
0x3: {  	s2 =	rddreg [dreg:$0x2]  }
0x4: {  	s0 =	rddreg [dreg:$0x3];
	s3 =	simm.s32 $0x0  }
0x5: {  	s4 =	srdreg.scid;
	s15 =	simm.s32 $0x2800;
	s16 =	simm.s32 $0x6800  }
0x6: {  	s17 =	simm.s32 $0x1;
	s18 =	simm.s32 $0x2;
	[smem:$0x7FF] =	sst s3  }
0x7: {  	s19 =	sand.u32 $0x1, s4;
	s4 =	stileid.u32;
	s5 =	sadd.s32 $0x11C00, s8  }
0x8: {  	s6 =	sadd.s32 $0x4C00, s8;
	s7 =	sadd.s32 $0xF400, s8;
	s9 =	smul.u32 $0x28000, s19  }
0x9: {  	_ =	strace $0x8000004D;
	s10 =	smul.u32 $0x50000, s4;
	s29 =	ssub.s32 $0x2, s19  }
0xa: {  	s12 =	smul.u32 $0x28, s4;
	s31 =	sshll.u32 s4, $0x6;
	p0 =	seq.s32 s19, $0x0  }
0xb: {  	s21 =	smul.u32 $0x2800, s4;
	s30 =	sshrl.u32 s29, $0x1;
	s11 =	sadd.s32 s9, s8  }
0xc: {  	s10 =	sshrl.u32 s10, $0x2;
	s13 =	ssub.s32 s29, s30;
	s8 =	sadd.s32 $0x780, s12  }
0xd: {  	s9 =	sor.u32 $0x1C03, s31;
	s14 =	sadd.s32 s10, s2;
	s10 =	smul.u32 $0x78, s4  }
0xe: {  	s12 =	simm.s32 $0x3;
	s20 =	sadd.s32 $0x39C00, s11;
	s11 =	sshrl.u32 s14, $0x3  }
0xf: {  	s14 =	simm.s32 $0x80;
	s8 =	smov.u32 @p0 s10;
	s10 =	smax.u32 s13, $0x1  }
0x10: {  	s13 =	simm.s32 $0x1400;
	p0 =	sne.s32 s19, $0x0;
	s19 =	sadd.s32 s21, s20  }
.LBB2_1:
0x11: {  	[spmem:s11], [sflag:s9] =	dma.local [hbm:s7], $0x2800  }
0x12: {  	_ =	swait.ge [sflag:s12], $0x2800  }
0x13: {  	[sflag:s12] =	ssyncset.done $0x0  }
0x14: {  	[sflag:s12] =	ssyncadd.s32 $0xFFFFD800  }
0x15: {  	s20 =	simm.s32 $0x0;
	[bflag:$0x0] =	sbarrier.arrive $0xFFFF  }
.LBB2_2:
0x16: {  	s21 =	smul.u32 $0x28, s20;
	_ =	sdelay $0x1  }
0x17: {  	s21 =	sadd.s32 s8, s21  }
0x18: {  	s21 =	sshll.u32 s21, $0x4  }
0x19: {  	s23 =	simm.s32 $0x0;
	s22 =	sadd.s32 s1, s21  }
0x1a: {  	[tilespmem:s23], [sflag:$0x3] =	stream.linear.gather [hbm4b:s22+s23], $0x1400, $0x38;
	[tilespmem:$0x1E800] =	vst v63  }
0x1b: {  	_ =	swait.ge [sflag:s12], $0x1400  }
0x1c: {  	[sflag:s12] =	ssyncset.done $0x0  }
0x1d: {  	s21 =	sadd.s32 s6, s21;
	[sflag:s12] =	ssyncadd.s32 $0xFFFFEC00  }
0x1e: {  	[tilespmem:s13], [sflag:$0x3] =	stream.linear.gather [hbm4b:s21+s23], $0x1400, $0x38;
	[tilespmem:$0x1E800] =	vst v63  }
0x1f: {  	_ =	swait.ge [sflag:s12], $0x1400  }
0x20: {  	[sflag:s12] =	ssyncset.done $0x0  }
0x21: {  	s28 =	simm.s32 $0x0;
	[sflag:s12] =	ssyncadd.s32 $0xFFFFEC00  }
0x22: {  	[tilespmem:s15], [sflag:$0x1] =	stream.indirect.gather [hbm4b:s5+s14], $0x80, s28, s14, $0xb8;
	[tilespmem:$0x1E800] =	vst v63  }
0x23: {  	s29 =	simm.s32 $0x80  }
0x24: {  	[tilespmem:s16], [sflag:$0x2] =	stream.indirect.gather [hbm4b:s5+s14], $0x80, s29, s14, $0xb8;
	[tilespmem:$0x1E800] =	vst v63  }
0x25: {  	_ =	swait.ge [sflag:s17], $0x4000  }
0x26: {  	[sflag:s17] =	ssyncset.done $0x0  }
0x27: {  	s30 =	simm.s32 $0x1400;
	[sflag:s17] =	ssyncadd.s32 $0xFFFFC000  }
0x28: {  	[spmem:s2] =	stream.indirect.scatter.add.f32 [tilespmem:s15], [sflag:$0x3], $0x80, s30, s14, $0xb8;
	[tilespmem:$0x1E800] =	vst v63  }
0x29: {  	_ =	swait.ge [sflag:s12], $0x4000  }
0x2a: {  	[sflag:s12] =	ssyncset.done $0x0  }
0x2b: {  	[sflag:s12] =	ssyncadd.s32 $0xFFFFC000  }
0x2c: {  	_ =	swait.ge [sflag:s18], $0x4000  }
0x2d: {  	[sflag:s18] =	ssyncset.done $0x0  }
0x2e: {  	s31 =	simm.s32 $0x1480;
	[sflag:s18] =	ssyncadd.s32 $0xFFFFC000  }
0x2f: {  	[spmem:s2] =	stream.indirect.scatter.add.f32 [tilespmem:s16], [sflag:$0x3], $0x80, s31, s14, $0xb8;
	[tilespmem:$0x1E800] =	vst v63  }
0x30: {  	_ =	swait.ge [sflag:s12], $0x4000  }
0x31: {  	s22 =	simm.s32 $0x800;
	s21 =	simm.s32 $0x400;
	[sflag:s12] =	ssyncset.done $0x0  }
.LBB2_3:
0x32: {  	s23 =	sshra.s32 s21, $0x2  }
0x33: {  	[sflag:s12] =	ssyncadd.s32 $0xFFFFC000;
	s21 =	smov.u32 s22;
	s24 =	sadd.s32 $0x400, s22  }
0x34: {  	[tilespmem:s15], [sflag:$0x1] =	stream.indirect.gather [hbm4b:s5+s14], $0x80, s23, s14, $0xb8;
	[tilespmem:$0x1E800] =	vst v63  }
0x35: {  	p1 =	sne.s32 s22, $0x4C00;
	s22 =	sadd.s32 $0x80, s23  }
0x36: {  	[tilespmem:s16], [sflag:$0x2] =	stream.indirect.gather [hbm4b:s5+s14], $0x80, s22, s14, $0xb8;
	[tilespmem:$0x1E800] =	vst v63  }
0x37: {  	_ =	swait.ge [sflag:s17], $0x4000  }
0x38: {  	[sflag:s17] =	ssyncset.done $0x0  }
0x39: {  	s22 =	sadd.s32 $0x1400, s23;
	[sflag:s17] =	ssyncadd.s32 $0xFFFFC000  }
0x3a: {  	[spmem:s2] =	stream.indirect.scatter.add.f32 [tilespmem:s15], [sflag:$0x3], $0x80, s22, s14, $0xb8;
	[tilespmem:$0x1E800] =	vst v63  }
0x3b: {  	_ =	swait.ge [sflag:s12], $0x4000  }
0x3c: {  	[sflag:s12] =	ssyncset.done $0x0  }
0x3d: {  	[sflag:s12] =	ssyncadd.s32 $0xFFFFC000  }
0x3e: {  	_ =	swait.ge [sflag:s18], $0x4000  }
.Ltmp0:
0x3f: {  	[sflag:s18] =	ssyncset.done $0x0;
	(pc) =	sbr.rel @p1 .LBB2_3-.Ltmp0, $4  }
0x40: {  	s22 =	sadd.s32 $0x1480, s23;
	[sflag:s18] =	ssyncadd.s32 $0xFFFFC000  }
0x41: {  	[spmem:s2] =	stream.indirect.scatter.add.f32 [tilespmem:s16], [sflag:$0x3], $0x80, s22, s14, $0xb8;
	[tilespmem:$0x1E800] =	vst v63  }
0x42: {  	_ =	swait.ge [sflag:s12], $0x4000  }
0x43: {  	s22 =	smov.u32 s24;
	[sflag:s12] =	ssyncset.done $0x0  }
0x44: {  	s21 =	sshra.s32 s21, $0x2;
	[sflag:s12] =	ssyncadd.s32 $0xFFFFC000  }
0x45: {  	[tilespmem:s15], [sflag:$0x1] =	stream.indirect.gather [hbm4b:s5+s14], $0x80, s21, s14, $0xb8;
	[tilespmem:$0x1E800] =	vst v63  }
0x46: {  	s22 =	sadd.s32 $0x80, s21  }
0x47: {  	[tilespmem:s16], [sflag:$0x2] =	stream.indirect.gather [hbm4b:s5+s14], $0x80, s22, s14, $0xb8;
	[tilespmem:$0x1E800] =	vst v63  }
0x48: {  	_ =	swait.ge [sflag:s17], $0x4000  }
0x49: {  	[sflag:s17] =	ssyncset.done $0x0  }
0x4a: {  	s31 =	sadd.s32 $0x1400, s21;
	[sflag:s17] =	ssyncadd.s32 $0xFFFFC000  }
0x4b: {  	[spmem:s2] =	stream.indirect.scatter.add.f32 [tilespmem:s15], [sflag:$0x3], $0x80, s31, s14, $0xb8;
	[tilespmem:$0x1E800] =	vst v63  }
0x4c: {  	_ =	swait.ge [sflag:s12], $0x4000  }
0x4d: {  	[sflag:s12] =	ssyncset.done $0x0  }
0x4e: {  	[sflag:s12] =	ssyncadd.s32 $0xFFFFC000  }
0x4f: {  	p1 =	slt.u32 @!p0 s20, $0x2;
	_ =	swait.ge [sflag:s18], $0x4000  }
0x50: {  	p1 =	por p0, !p1;
	[sflag:s18] =	ssyncset.done $0x0  }
.Ltmp1:
0x51: {  	s21 =	sadd.s32 $0x1480, s21;
	[sflag:s18] =	ssyncadd.s32 $0xFFFFC000;
	(pc) =	sbr.rel @!p1 .LBB2_2-.Ltmp1, $4  }
0x52: {  	[spmem:s2] =	stream.indirect.scatter.add.f32 [tilespmem:s16], [sflag:$0x3], $0x80, s21, s14, $0xb8;
	[tilespmem:$0x1E800] =	vst v63  }
0x53: {  	_ =	swait.ge [sflag:s12], $0x4000  }
0x54: {  	[sflag:s12] =	ssyncset.done $0x0  }
0x55: {  	s20 =	sadd.s32 $0x1, s20;
	[sflag:s12] =	ssyncadd.s32 $0xFFFFC000  }
0x56: {  	s3 =	sadd.s32 $0x1, s3  }
0x57: {  	p1 =	sne.s32 s3, s10  }
.Ltmp2:
0x58: {  	[bflag:$0x0] =	sbarrier.arrive $0xFFFF;
	(pc) =	sbr.rel @p1 .LBB2_1-.Ltmp2, $4  }
0x59: {  	[hbm:s19], [sflag:s9] =	dma.local [spmem:s11], $0x2800  }
0x5a: {  	_ =	swait.ge [sflag:s12], $0x2800  }
0x5b: {  	[sflag:s12] =	ssyncset.done $0x0  }
0x5c: {  	[sflag:s12] =	ssyncadd.s32 $0xFFFFD800  }
0x5d: {  	_ =	sfence.sel $0x180000  }
0x5e: {  	[bflag:$0x0] =	sbarrier.arrive $0xFFFF  }
0x5f: {  	p0 =	sne.s32 s4, $0x0;
	_ =	strace $0x9000004D  }
0x60: {  	s0 =	sadd.s32 @!p0 $0x100000, s0;
	[bflag:$0x2] =	sbarrier.arrive $0xFFFF  }
0x61: {  	[sflag:s0] =	ssyncadd.tile.s32 @!p0 $0x1;
	_ =	shalt  }
.Lfunc_end2:
_tile_overlayer_lowered:
.L_overlay_start_2:
0x62: {  	(tag) =	ssettag $0x2  }
0x63: {  	s0 =	rddreg [dreg:$0x0];
	s2 =	stileid.u32  }
0x64: {  	s1 =	rddreg [dreg:$0x1];
	p0 =	sne.s32 s2, $0x0  }
0x65: {  	s3 =	rddreg [dreg:$0x2];
	[bflag:$0x3] =	sbarrier.arrive $0xFFFF;
	s2 =	simm.s32 @!p0 $0x1C03  }
0x66: {  	[timem:s3], [sflag:s2] =	dma.local @!p0 [hbm:s0], s1  }
0x67: {  	s0 =	simm.s32 @!p0 $0x3  }
0x68: {  	_ =	swait.ge @!p0 [sflag:s0], s1  }
0x69: {  	s1 =	ssub.s32 @!p0 $0x0, s1;
	[sflag:s0] =	ssyncset.done @!p0 $0x0  }
0x6a: {  	[sflag:s0] =	ssyncadd.s32 @!p0 s1  }
0x6b: {  	[bflag:$0x3] =	sbarrier.arrive $0xFFFF  }
0x6c: {  	_ =	shalt  }

// kernel: kernel.22.cloned.1.call-start
scs
__scs_entry_jumppad:
0x0: {  	(pc) =	sbr.rel $0x88, $3  }
0x1: {  	(tag) =	ssettag $0x0;
	lr =	simm.s32 $0x1  }
0x2: {  	[smem:$0x3F95] =	sst lr;
	_ =	strace $0xD0000000  }
0x3: {  	_ = 	snop  }
0x4: {  	_ = 	snop  }
0x5: {  	_ = 	snop  }
0x6: {  	_ = 	snop  }
0x7: {  	_ = 	snop  }
__scs_overlays_trampoline_lowered:
0x8: {  	[smem:$0x3FA4] =	sst s0  }
0x9: {  	[smem:$0x3FA5] =	sst s1  }
0xa: {  	[smem:$0x3FA6] =	sst s2  }
0xb: {  	[smem:$0x3FA7] =	sst s3  }
0xc: {  	[smem:$0x3FA8] =	sst s4  }
0xd: {  	[smem:$0x3FA9] =	sst s5  }
0xe: {  	[smem:$0x3FAA] =	sst s6  }
0xf: {  	[smem:$0x3FAB] =	sst s7  }
0x10: {  	[smem:$0x3FAC] =	sst s8  }
0x11: {  	[smem:$0x3FAD] =	sst s9;
	s0 =	simm.s32 @!p0 $0x0  }
0x12: {  	s1 =	sld [smem:$0x3F93];
	s0 =	simm.s32 @p0 $0x1  }
0x13: {  	[smem:$0x3FAE] =	sst s0;
	s0 =	simm.s32 @!p1 $0x0  }
0x14: {  	s2 =	sld [smem:$0x3F92];
	s0 =	simm.s32 @p1 $0x1  }
0x15: {  	[smem:$0x3FAF] =	sst s0;
	s0 =	simm.s32 @!p2 $0x0  }
0x16: {  	s3 =	sld [smem:$0x3FDB];
	s0 =	simm.s32 @p2 $0x1  }
0x17: {  	s4 =	simm.s32 $0x1BF5;
	[smem:$0x3FB1] =	sst s0  }
0x18: {  	s0 =	sld [smem:$0x3F94];
	_ =	swait.ge [sflag:s4], $0x0  }
0x19: {  	s7 =	sld [smem:$0x3F95]  }
0x1a: {  	s8 =	sadd.s32 $0xFFFFE003, lr  }
0x1b: {  	s9 =	sadd.s32 $0xFFFFFEF7, lr;
	s5 =	simm.s32 $0xFFFFFFFF;
	p2 =	slt.u32 s8, $0xFFFFF086  }
0x1c: {  	p1 =	slt.u32 s9, $0xF7A;
	s5 =	simm.s32 @!p2 $0x0  }
0x1d: {  	s5 =	simm.s32 @p1 $0x1;
	p0 =	seq.s32 s7, s2  }
0x1e: {  	s7 =	smul.u32 @!p0 $0xF7A, s2;
	p2 =	seq.s32 @!p0 s5, $0x0  }
0x1f: {  	s9 =	smul.u32 $0xF7A, s1;
	s8 =	simm.s32 @!p0 $0x1BF5;
	p2 =	por !p2, p0  }
0x20: {  	[sflag:s8] =	ssyncset.s32 @!p0 $0xFFFFF086;
	s6 =	sadd.s32 @!p0 s3, s7;
	s7 =	simm.s32 @!p0 $0x108  }
0x21: {  	s3 =	sadd.s32 s3, s9;
	s6 =	sadd.s32 @!p0 $0x88, s6;
	s7 =	simm.s32 @p2 $0x1082  }
0x22: {  	[simem:s7], [sflag:s8] =	dma.local @!p0 [hbm:s6], $0xF7A  }
0x23: {  	s9 =	sor.u32 $0xD0000000, s2;
	s6 =	simm.s32 $0x108;
	_ =	swait.ge @!p0 [sflag:s8], $0x0  }
0x24: {  	s3 =	sadd.s32 $0x88, s3;
	s6 =	simm.s32 @!p1 $0x1082;
	[sflag:s4] =	ssyncset.s32 $0xFFFFF086  }
0x25: {  	[simem:s6], [sflag:s4] =	dma.local [hbm:s3], $0xF7A  }
0x26: {  	[smem:$0x3F95] =	sst s1;
	(tag) =	ssettag s2;
	_ =	strace s9  }
0x27: {  	s1 =	sld [smem:$0x3FA5]  }
0x28: {  	s2 =	sld [smem:$0x3FA6]  }
0x29: {  	s4 =	sld [smem:$0x3FA8]  }
0x2a: {  	p0 =	seq.s32 s5, $0x0;
	s5 =	sld [smem:$0x3FA9]  }
0x2b: {  	s6 =	sld [smem:$0x3FAA]  }
0x2c: {  	s7 =	sld [smem:$0x3FAB]  }
0x2d: {  	s3 =	simm.s32 $0x108;
	s8 =	sld [smem:$0x3FAC]  }
0x2e: {  	s3 =	simm.s32 @!p0 $0x1082;
	s9 =	sld [smem:$0x3FAD]  }
0x2f: {  	lr =	sadd.s32 s0, s3;
	s0 =	sld [smem:$0x3FA4]  }
0x30: {  	s3 =	sld [smem:$0x3FA7]  }
0x31: {  	[smem:$0x3FB0] =	sst s10  }
0x32: {  	s10 =	sld [smem:$0x3FAE];
	_ =	sdelay $0x3  }
0x33: {  	p0 =	seq.s32 s10, $0x1;
	s10 =	sld [smem:$0x3FB0];
	_ =	sdelay $0x3  }
0x34: {  	[smem:$0x3FB0] =	sst s10  }
0x35: {  	s10 =	sld [smem:$0x3FAF];
	_ =	sdelay $0x3  }
0x36: {  	p1 =	seq.s32 s10, $0x1;
	s10 =	sld [smem:$0x3FB0];
	_ =	sdelay $0x3  }
0x37: {  	[smem:$0x3FB0] =	sst s10  }
0x38: {  	s10 =	sld [smem:$0x3FB1]  }
0x39: {  	_ = 	snop;
	(pc) =	sbr.ind lr, $3  }
0x3a: {  	_ = 	snop  }
0x3b: {  	_ = 	snop  }
0x3c: {  	p2 =	seq.s32 s10, $0x1;
	s10 =	sld [smem:$0x3FB0]  }
0x3d: {  	_ =	shalt  }
0x3e: {  	_ =	shalt  }
0x3f: {  	_ =	shalt  }
0x40: {  	_ =	shalt  }
0x41: {  	_ =	shalt  }
0x42: {  	_ =	shalt  }
0x43: {  	_ =	shalt  }
0x44: {  	_ =	shalt  }
0x45: {  	_ =	shalt  }
0x46: {  	_ =	shalt  }
0x47: {  	_ =	shalt  }
0x48: {  	_ =	shalt  }
0x49: {  	_ =	shalt  }
0x4a: {  	_ =	shalt  }
0x4b: {  	_ =	shalt  }
0x4c: {  	_ =	shalt  }
0x4d: {  	_ =	shalt  }
0x4e: {  	_ =	shalt  }
0x4f: {  	_ =	shalt  }
0x50: {  	_ =	shalt  }
0x51: {  	_ =	shalt  }
0x52: {  	_ =	shalt  }
0x53: {  	_ =	shalt  }
0x54: {  	_ =	shalt  }
0x55: {  	_ =	shalt  }
0x56: {  	_ =	shalt  }
0x57: {  	_ =	shalt  }
0x58: {  	_ =	shalt  }
0x59: {  	_ =	shalt  }
0x5a: {  	_ =	shalt  }
0x5b: {  	_ =	shalt  }
0x5c: {  	_ =	shalt  }
0x5d: {  	_ =	shalt  }
0x5e: {  	_ =	shalt  }
0x5f: {  	_ =	shalt  }
0x60: {  	_ =	shalt  }
0x61: {  	_ =	shalt  }
0x62: {  	_ =	shalt  }
0x63: {  	_ =	shalt  }
0x64: {  	_ =	shalt  }
0x65: {  	_ =	shalt  }
0x66: {  	_ =	shalt  }
0x67: {  	_ =	shalt  }
0x68: {  	_ =	shalt  }
0x69: {  	_ =	shalt  }
0x6a: {  	_ =	shalt  }
0x6b: {  	_ =	shalt  }
0x6c: {  	_ =	shalt  }
0x6d: {  	_ =	shalt  }
0x6e: {  	_ =	shalt  }
0x6f: {  	_ =	shalt  }
0x70: {  	_ =	shalt  }
0x71: {  	_ =	shalt  }
0x72: {  	_ =	shalt  }
0x73: {  	_ =	shalt  }
0x74: {  	_ =	shalt  }
0x75: {  	_ =	shalt  }
0x76: {  	_ =	shalt  }
0x77: {  	_ =	shalt  }
0x78: {  	_ =	shalt  }
0x79: {  	_ =	shalt  }
0x7a: {  	_ =	shalt  }
0x7b: {  	_ =	shalt  }
0x7c: {  	_ =	shalt  }
0x7d: {  	_ =	shalt  }
0x7e: {  	_ =	shalt  }
0x7f: {  	_ =	shalt  }
0x80: {  	_ =	shalt  }
0x81: {  	_ =	shalt  }
0x82: {  	_ =	shalt  }
0x83: {  	_ =	shalt  }
0x84: {  	_ =	shalt  }
0x85: {  	_ =	shalt  }
0x86: {  	_ =	shalt  }
0x87: {  	_ =	shalt  }
.Lfunc_end0:
.L_simem_size_0:
called_computation.3_lowered:
.L_overlay_start_0:
0x88: {  	s2 =	sld [smem:$0x3FD9]  }
0x89: {  	s3 =	sld [smem:$0x3FFE];
	_ =	sdelay $0x1  }
0x8a: {  	s1 =	srdreg.scid  }
0x8b: {  	s0 =	sand.u32 $0x1, s1  }
0x8c: {  	s17 =	sshll.u32 s0, $0xA;
	s2 =	sadd.s32 s3, s2  }
0x8d: {  	s2 =	sadd.s32 s2, s17  }
0x8e: {  	[smem:$0x3FBC] =	sst s2  }
0x8f: {  	_ = 	snop  }
0x90: {  	s2 =	sld [smem:$0x3FD0];
	(tm) =	ssettm $0x1  }
0x91: {  	s18 =	sld [smem:$0x3FFB];
	_ =	sdelay $0x3  }
0x92: {  	_ =	strace s18  }
0x93: {  	s3 =	sld [smem:$0x3FFC];
	_ =	sdelay $0x3  }
0x94: {  	_ =	strace s3  }
0x95: {  	s3 =	sld [smem:$0x3FFD];
	_ =	sdelay $0x3  }
0x96: {  	_ =	strace s3  }
0x97: {  	_ =	strace $0x8FFFFFFF  }
0x98: {  	s19 =	sld [smem:$0x3FDB];
	_ =	sdelay $0x1  }
0x99: {  	s4 =	simm.s32 $_scs_section_size  }
0x9a: {  	s5 =	simm.s32 $_size__tile_overlayer_lowered;
	s6 =	simm.s32 $_tile_overlayer_lowered  }
0x9b: {  	s22 =	simm.s32 $0x1BFF;
	s21 =	sshll.u32 s6, $0x1;
	s3 =	sadd.s32 s4, s19  }
0x9c: {  	s7 =	simm.s32 $0x0;
	s20 =	sshll.u32 s5, $0x1;
	s5 =	sadd.s32 s21, s3  }
0x9d: {  	[timem:s7], [sflag:s22] =	dma.local [hbm:s5], s20  }
0x9e: {  	_ =	swait.ge [sflag:s22], s20  }
0x9f: {  	s4 =	ssub.s32 $0x0, s20;
	[sflag:s22] =	ssyncset.done $0x0  }
0xa0: {  	[sflag:s22] =	ssyncadd.s32 s4;
	_ =	sdelay $0x1  }
0xa1: {  	s23 =	simm.s32 $0x1B8B  }
0xa2: {  	_ =	swait.ge [sflag:s23], $0x1  }
0xa3: {  	[sflag:s23] =	ssyncset.done $0x0  }
0xa4: {  	s25 =	simm.s32 $0x1B8E;
	s24 =	sld [smem:$0x3FFE];
	[sflag:s23] =	ssyncadd.s32 $0xFFFFFFFF  }
0xa5: {  	s26 =	simm.s32 $execute0_lowered;
	[smem:$0x3FD2] =	sst s25  }
0xa6: {  	s5 =	sshll.u32 s26, $0x1;
	_ =	strace $0x8000004F;
	[dreg:$0x1] =	wrdreg $0xFFFFFFFF  }
0xa7: {  	s28 =	simm.s32 $_size_execute0_lowered;
	s3 =	sadd.s32 s3, s5;
	[dreg:$0x0] =	wrdreg $0x0  }
0xa8: {  	s5 =	sshll.u32 s28, $0x1;
	[dreg:$0x2] =	wrdreg s3  }
0xa9: {  	[dreg:$0x3] =	wrdreg s5  }
0xaa: {  	[dreg:$0x4] =	wrdreg $0xC0  }
0xab: {  	_ =	task [dreg:s7], $0x5FFFF  }
0xac: {  	[dreg:$0x1] =	wrdreg $0xFFFFFFFF  }
0xad: {  	[dreg:$0x0] =	wrdreg $0x60  }
0xae: {  	[dreg:$0x2] =	wrdreg s24  }
0xaf: {  	[dreg:$0x3] =	wrdreg s2  }
0xb0: {  	[dreg:$0x4] =	wrdreg $0xA8000  }
0xb1: {  	[dreg:$0x5] =	wrdreg $0x9  }
0xb2: {  	_ =	task.clear_ibuf [dreg:s7], $0x6FFFF;
	_ =	strace $0x9000004F  }
0xb3: {  	s29 =	simm.s32 $0x9;
	_ =	strace $0x80000051  }
0xb4: {  	_ =	swait.ge [sflag:s29], $0x1  }
0xb5: {  	[sflag:s29] =	ssyncadd.s32 $0xFFFFFFFF  }
0xb6: {  	_ =	strace $0x90000051  }
0xb7: {  	_ =	sfence  }
0xb8: {  	s30 =	sld [smem:$0x0];
	_ =	sdelay $0x2  }
0xb9: {  	s31 =	sshll.u32 s1, $0xD;
	s1 =	sshrl.u32 s1, $0x2  }
0xba: {  	s3 =	sand.u32 $0x4000, s31;
	s1 =	sadd.s32 s1, s30  }
0xbb: {  	s0 =	sor.u32 s3, s0;
	s1 =	sshll.u32 s1, $0x11  }
0xbc: {  	s0 =	sor.u32 s1, s0  }
0xbd: {  	s0 =	sadd.s32 $0x8F2B, s0  }
0xbe: {  	[sflag:s0] =	ssyncadd.remote.s32 $0x1  }
0xbf: {  	_ =	sfence.sel $0xFFFF  }
0xc0: {  	[dreg:$0x0] =	wrdreg $0xFFFFFFFF;
	(pc) =	sbr.abs _section_cstart, $3  }
0xc1: {  	[dreg:$0x1] =	wrdreg $0xFFFFFFFF  }
0xc2: {  	_ =	task.clear_ibuf [dreg:s7], $0x2FFFF;
	_ =	strace $0x9FFFFFFF  }
0xc3: {  	(tm) =	ssettm $0x7FFFFFFF  }
tec
execute0_lowered:
.L_overlay_start_1:
0x0: {  	(tag) =	ssettag $0x1  }
0x1: {  	s8 =	rddreg [dreg:$0x0]  }
0x2: {  	s1 =	rddreg [dreg:$0x1]  }
0x3: {  	s2 =	rddreg [dreg:$0x2]  }
0x4: {  	s0 =	rddreg [dreg:$0x3];
	s3 =	simm.s32 $0x0  }
0x5: {  	s4 =	srdreg.scid;
	s15 =	simm.s32 $0x2800;
	s16 =	simm.s32 $0x6800  }
0x6: {  	s17 =	simm.s32 $0x1;
	s18 =	simm.s32 $0x2;
	[smem:$0x7FF] =	sst s3  }
0x7: {  	s19 =	sand.u32 $0x1, s4;
	s4 =	stileid.u32;
	s5 =	sadd.s32 $0x11C00, s8  }
0x8: {  	s6 =	sadd.s32 $0x4C00, s8;
	s7 =	sadd.s32 $0xF400, s8;
	s9 =	smul.u32 $0x28000, s19  }
0x9: {  	_ =	strace $0x80000050;
	s10 =	smul.u32 $0x50000, s4;
	s29 =	ssub.s32 $0x2, s19  }
0xa: {  	s12 =	smul.u32 $0x28, s4;
	s31 =	sshll.u32 s4, $0x6;
	p0 =	seq.s32 s19, $0x0  }
0xb: {  	s21 =	smul.u32 $0x2800, s4;
	s30 =	sshrl.u32 s29, $0x1;
	s11 =	sadd.s32 s9, s8  }
0xc: {  	s10 =	sshrl.u32 s10, $0x2;
	s13 =	ssub.s32 s29, s30;
	s8 =	sadd.s32 $0x780, s12  }
0xd: {  	s9 =	sor.u32 $0x1C03, s31;
	s14 =	sadd.s32 s10, s2;
	s10 =	smul.u32 $0x78, s4  }
0xe: {  	s12 =	simm.s32 $0x3;
	s20 =	sadd.s32 $0x61C00, s11;
	s11 =	sshrl.u32 s14, $0x3  }
0xf: {  	s14 =	simm.s32 $0x80;
	s8 =	smov.u32 @p0 s10;
	s10 =	smax.u32 s13, $0x1  }
0x10: {  	s13 =	simm.s32 $0x1400;
	p0 =	sne.s32 s19, $0x0;
	s19 =	sadd.s32 s21, s20  }
.LBB2_1:
0x11: {  	[spmem:s11], [sflag:s9] =	dma.local [hbm:s7], $0x2800  }
0x12: {  	_ =	swait.ge [sflag:s12], $0x2800  }
0x13: {  	[sflag:s12] =	ssyncset.done $0x0  }
0x14: {  	[sflag:s12] =	ssyncadd.s32 $0xFFFFD800  }
0x15: {  	s20 =	simm.s32 $0x0;
	[bflag:$0x0] =	sbarrier.arrive $0xFFFF  }
.LBB2_2:
0x16: {  	s21 =	smul.u32 $0x28, s20;
	_ =	sdelay $0x1  }
0x17: {  	s21 =	sadd.s32 s8, s21  }
0x18: {  	s21 =	sshll.u32 s21, $0x4  }
0x19: {  	s23 =	simm.s32 $0x0;
	s22 =	sadd.s32 s1, s21  }
0x1a: {  	[tilespmem:s23], [sflag:$0x3] =	stream.linear.gather [hbm4b:s22+s23], $0x1400, $0x38;
	[tilespmem:$0x1E800] =	vst v63  }
0x1b: {  	_ =	swait.ge [sflag:s12], $0x1400  }
0x1c: {  	[sflag:s12] =	ssyncset.done $0x0  }
0x1d: {  	s21 =	sadd.s32 s6, s21;
	[sflag:s12] =	ssyncadd.s32 $0xFFFFEC00  }
0x1e: {  	[tilespmem:s13], [sflag:$0x3] =	stream.linear.gather [hbm4b:s21+s23], $0x1400, $0x38;
	[tilespmem:$0x1E800] =	vst v63  }
0x1f: {  	_ =	swait.ge [sflag:s12], $0x1400  }
0x20: {  	[sflag:s12] =	ssyncset.done $0x0  }
0x21: {  	s28 =	simm.s32 $0x0;
	[sflag:s12] =	ssyncadd.s32 $0xFFFFEC00  }
0x22: {  	[tilespmem:s15], [sflag:$0x1] =	stream.indirect.gather [hbm4b:s5+s14], $0x80, s28, s14, $0xb8;
	[tilespmem:$0x1E800] =	vst v63  }
0x23: {  	s29 =	simm.s32 $0x80  }
0x24: {  	[tilespmem:s16], [sflag:$0x2] =	stream.indirect.gather [hbm4b:s5+s14], $0x80, s29, s14, $0xb8;
	[tilespmem:$0x1E800] =	vst v63  }
0x25: {  	_ =	swait.ge [sflag:s17], $0x4000  }
0x26: {  	[sflag:s17] =	ssyncset.done $0x0  }
0x27: {  	s30 =	simm.s32 $0x1400;
	[sflag:s17] =	ssyncadd.s32 $0xFFFFC000  }
0x28: {  	[spmem:s2] =	stream.indirect.scatter.add.f32 [tilespmem:s15], [sflag:$0x3], $0x80, s30, s14, $0xb8;
	[tilespmem:$0x1E800] =	vst v63  }
0x29: {  	_ =	swait.ge [sflag:s12], $0x4000  }
0x2a: {  	[sflag:s12] =	ssyncset.done $0x0  }
0x2b: {  	[sflag:s12] =	ssyncadd.s32 $0xFFFFC000  }
0x2c: {  	_ =	swait.ge [sflag:s18], $0x4000  }
0x2d: {  	[sflag:s18] =	ssyncset.done $0x0  }
0x2e: {  	s31 =	simm.s32 $0x1480;
	[sflag:s18] =	ssyncadd.s32 $0xFFFFC000  }
0x2f: {  	[spmem:s2] =	stream.indirect.scatter.add.f32 [tilespmem:s16], [sflag:$0x3], $0x80, s31, s14, $0xb8;
	[tilespmem:$0x1E800] =	vst v63  }
0x30: {  	_ =	swait.ge [sflag:s12], $0x4000  }
0x31: {  	s22 =	simm.s32 $0x800;
	s21 =	simm.s32 $0x400;
	[sflag:s12] =	ssyncset.done $0x0  }
.LBB2_3:
0x32: {  	s23 =	sshra.s32 s21, $0x2  }
0x33: {  	[sflag:s12] =	ssyncadd.s32 $0xFFFFC000;
	s21 =	smov.u32 s22;
	s24 =	sadd.s32 $0x400, s22  }
0x34: {  	[tilespmem:s15], [sflag:$0x1] =	stream.indirect.gather [hbm4b:s5+s14], $0x80, s23, s14, $0xb8;
	[tilespmem:$0x1E800] =	vst v63  }
0x35: {  	p1 =	sne.s32 s22, $0x4C00;
	s22 =	sadd.s32 $0x80, s23  }
0x36: {  	[tilespmem:s16], [sflag:$0x2] =	stream.indirect.gather [hbm4b:s5+s14], $0x80, s22, s14, $0xb8;
	[tilespmem:$0x1E800] =	vst v63  }
0x37: {  	_ =	swait.ge [sflag:s17], $0x4000  }
0x38: {  	[sflag:s17] =	ssyncset.done $0x0  }
0x39: {  	s22 =	sadd.s32 $0x1400, s23;
	[sflag:s17] =	ssyncadd.s32 $0xFFFFC000  }
0x3a: {  	[spmem:s2] =	stream.indirect.scatter.add.f32 [tilespmem:s15], [sflag:$0x3], $0x80, s22, s14, $0xb8;
	[tilespmem:$0x1E800] =	vst v63  }
0x3b: {  	_ =	swait.ge [sflag:s12], $0x4000  }
0x3c: {  	[sflag:s12] =	ssyncset.done $0x0  }
0x3d: {  	[sflag:s12] =	ssyncadd.s32 $0xFFFFC000  }
0x3e: {  	_ =	swait.ge [sflag:s18], $0x4000  }
.Ltmp0:
0x3f: {  	[sflag:s18] =	ssyncset.done $0x0;
	(pc) =	sbr.rel @p1 .LBB2_3-.Ltmp0, $4  }
0x40: {  	s22 =	sadd.s32 $0x1480, s23;
	[sflag:s18] =	ssyncadd.s32 $0xFFFFC000  }
0x41: {  	[spmem:s2] =	stream.indirect.scatter.add.f32 [tilespmem:s16], [sflag:$0x3], $0x80, s22, s14, $0xb8;
	[tilespmem:$0x1E800] =	vst v63  }
0x42: {  	_ =	swait.ge [sflag:s12], $0x4000  }
0x43: {  	s22 =	smov.u32 s24;
	[sflag:s12] =	ssyncset.done $0x0  }
0x44: {  	s21 =	sshra.s32 s21, $0x2;
	[sflag:s12] =	ssyncadd.s32 $0xFFFFC000  }
0x45: {  	[tilespmem:s15], [sflag:$0x1] =	stream.indirect.gather [hbm4b:s5+s14], $0x80, s21, s14, $0xb8;
	[tilespmem:$0x1E800] =	vst v63  }
0x46: {  	s22 =	sadd.s32 $0x80, s21  }
0x47: {  	[tilespmem:s16], [sflag:$0x2] =	stream.indirect.gather [hbm4b:s5+s14], $0x80, s22, s14, $0xb8;
	[tilespmem:$0x1E800] =	vst v63  }
0x48: {  	_ =	swait.ge [sflag:s17], $0x4000  }
0x49: {  	[sflag:s17] =	ssyncset.done $0x0  }
0x4a: {  	s31 =	sadd.s32 $0x1400, s21;
	[sflag:s17] =	ssyncadd.s32 $0xFFFFC000  }
0x4b: {  	[spmem:s2] =	stream.indirect.scatter.add.f32 [tilespmem:s15], [sflag:$0x3], $0x80, s31, s14, $0xb8;
	[tilespmem:$0x1E800] =	vst v63  }
0x4c: {  	_ =	swait.ge [sflag:s12], $0x4000  }
0x4d: {  	[sflag:s12] =	ssyncset.done $0x0  }
0x4e: {  	[sflag:s12] =	ssyncadd.s32 $0xFFFFC000  }
0x4f: {  	p1 =	slt.u32 @!p0 s20, $0x2;
	_ =	swait.ge [sflag:s18], $0x4000  }
0x50: {  	p1 =	por p0, !p1;
	[sflag:s18] =	ssyncset.done $0x0  }
.Ltmp1:
0x51: {  	s21 =	sadd.s32 $0x1480, s21;
	[sflag:s18] =	ssyncadd.s32 $0xFFFFC000;
	(pc) =	sbr.rel @!p1 .LBB2_2-.Ltmp1, $4  }
0x52: {  	[spmem:s2] =	stream.indirect.scatter.add.f32 [tilespmem:s16], [sflag:$0x3], $0x80, s21, s14, $0xb8;
	[tilespmem:$0x1E800] =	vst v63  }
0x53: {  	_ =	swait.ge [sflag:s12], $0x4000  }
0x54: {  	[sflag:s12] =	ssyncset.done $0x0  }
0x55: {  	s20 =	sadd.s32 $0x1, s20;
	[sflag:s12] =	ssyncadd.s32 $0xFFFFC000  }
0x56: {  	s3 =	sadd.s32 $0x1, s3  }
0x57: {  	p1 =	sne.s32 s3, s10  }
.Ltmp2:
0x58: {  	[bflag:$0x0] =	sbarrier.arrive $0xFFFF;
	(pc) =	sbr.rel @p1 .LBB2_1-.Ltmp2, $4  }
0x59: {  	[hbm:s19], [sflag:s9] =	dma.local [spmem:s11], $0x2800  }
0x5a: {  	_ =	swait.ge [sflag:s12], $0x2800  }
0x5b: {  	[sflag:s12] =	ssyncset.done $0x0  }
0x5c: {  	[sflag:s12] =	ssyncadd.s32 $0xFFFFD800  }
0x5d: {  	_ =	sfence.sel $0x180000  }
0x5e: {  	[bflag:$0x0] =	sbarrier.arrive $0xFFFF  }
0x5f: {  	p0 =	sne.s32 s4, $0x0;
	_ =	strace $0x90000050  }
0x60: {  	s0 =	sadd.s32 @!p0 $0x100000, s0;
	[bflag:$0x2] =	sbarrier.arrive $0xFFFF  }
0x61: {  	[sflag:s0] =	ssyncadd.tile.s32 @!p0 $0x1;
	_ =	shalt  }
.Lfunc_end2:
_tile_overlayer_lowered:
.L_overlay_start_2:
0x62: {  	(tag) =	ssettag $0x2  }
0x63: {  	s0 =	rddreg [dreg:$0x0];
	s2 =	stileid.u32  }
0x64: {  	s1 =	rddreg [dreg:$0x1];
	p0 =	sne.s32 s2, $0x0  }
0x65: {  	s3 =	rddreg [dreg:$0x2];
	[bflag:$0x3] =	sbarrier.arrive $0xFFFF;
	s2 =	simm.s32 @!p0 $0x1C03  }
0x66: {  	[timem:s3], [sflag:s2] =	dma.local @!p0 [hbm:s0], s1  }
0x67: {  	s0 =	simm.s32 @!p0 $0x3  }
0x68: {  	_ =	swait.ge @!p0 [sflag:s0], s1  }
0x69: {  	s1 =	ssub.s32 @!p0 $0x0, s1;
	[sflag:s0] =	ssyncset.done @!p0 $0x0  }
0x6a: {  	[sflag:s0] =	ssyncadd.s32 @!p0 s1  }
0x6b: {  	[bflag:$0x3] =	sbarrier.arrive $0xFFFF  }
0x6c: {  	_ =	shalt  }

// kernel: kernel.25.cloned.1.call-start
scs
__scs_entry_jumppad:
0x0: {  	(pc) =	sbr.rel $0x88, $3  }
0x1: {  	(tag) =	ssettag $0x0;
	lr =	simm.s32 $0x1  }
0x2: {  	[smem:$0x3F95] =	sst lr;
	_ =	strace $0xD0000000  }
0x3: {  	_ = 	snop  }
0x4: {  	_ = 	snop  }
0x5: {  	_ = 	snop  }
0x6: {  	_ = 	snop  }
0x7: {  	_ = 	snop  }
__scs_overlays_trampoline_lowered:
0x8: {  	[smem:$0x3FA4] =	sst s0  }
0x9: {  	[smem:$0x3FA5] =	sst s1  }
0xa: {  	[smem:$0x3FA6] =	sst s2  }
0xb: {  	[smem:$0x3FA7] =	sst s3  }
0xc: {  	[smem:$0x3FA8] =	sst s4  }
0xd: {  	[smem:$0x3FA9] =	sst s5  }
0xe: {  	[smem:$0x3FAA] =	sst s6  }
0xf: {  	[smem:$0x3FAB] =	sst s7  }
0x10: {  	[smem:$0x3FAC] =	sst s8  }
0x11: {  	[smem:$0x3FAD] =	sst s9;
	s0 =	simm.s32 @!p0 $0x0  }
0x12: {  	s1 =	sld [smem:$0x3F93];
	s0 =	simm.s32 @p0 $0x1  }
0x13: {  	[smem:$0x3FAE] =	sst s0;
	s0 =	simm.s32 @!p1 $0x0  }
0x14: {  	s2 =	sld [smem:$0x3F92];
	s0 =	simm.s32 @p1 $0x1  }
0x15: {  	[smem:$0x3FAF] =	sst s0;
	s0 =	simm.s32 @!p2 $0x0  }
0x16: {  	s3 =	sld [smem:$0x3FDB];
	s0 =	simm.s32 @p2 $0x1  }
0x17: {  	s4 =	simm.s32 $0x1BF5;
	[smem:$0x3FB1] =	sst s0  }
0x18: {  	s0 =	sld [smem:$0x3F94];
	_ =	swait.ge [sflag:s4], $0x0  }
0x19: {  	s7 =	sld [smem:$0x3F95]  }
0x1a: {  	s8 =	sadd.s32 $0xFFFFE003, lr  }
0x1b: {  	s9 =	sadd.s32 $0xFFFFFEF7, lr;
	s5 =	simm.s32 $0xFFFFFFFF;
	p2 =	slt.u32 s8, $0xFFFFF086  }
0x1c: {  	p1 =	slt.u32 s9, $0xF7A;
	s5 =	simm.s32 @!p2 $0x0  }
0x1d: {  	s5 =	simm.s32 @p1 $0x1;
	p0 =	seq.s32 s7, s2  }
0x1e: {  	s7 =	smul.u32 @!p0 $0xF7A, s2;
	p2 =	seq.s32 @!p0 s5, $0x0  }
0x1f: {  	s9 =	smul.u32 $0xF7A, s1;
	s8 =	simm.s32 @!p0 $0x1BF5;
	p2 =	por !p2, p0  }
0x20: {  	[sflag:s8] =	ssyncset.s32 @!p0 $0xFFFFF086;
	s6 =	sadd.s32 @!p0 s3, s7;
	s7 =	simm.s32 @!p0 $0x108  }
0x21: {  	s3 =	sadd.s32 s3, s9;
	s6 =	sadd.s32 @!p0 $0x88, s6;
	s7 =	simm.s32 @p2 $0x1082  }
0x22: {  	[simem:s7], [sflag:s8] =	dma.local @!p0 [hbm:s6], $0xF7A  }
0x23: {  	s9 =	sor.u32 $0xD0000000, s2;
	s6 =	simm.s32 $0x108;
	_ =	swait.ge @!p0 [sflag:s8], $0x0  }
0x24: {  	s3 =	sadd.s32 $0x88, s3;
	s6 =	simm.s32 @!p1 $0x1082;
	[sflag:s4] =	ssyncset.s32 $0xFFFFF086  }
0x25: {  	[simem:s6], [sflag:s4] =	dma.local [hbm:s3], $0xF7A  }
0x26: {  	[smem:$0x3F95] =	sst s1;
	(tag) =	ssettag s2;
	_ =	strace s9  }
0x27: {  	s1 =	sld [smem:$0x3FA5]  }
0x28: {  	s2 =	sld [smem:$0x3FA6]  }
0x29: {  	s4 =	sld [smem:$0x3FA8]  }
0x2a: {  	p0 =	seq.s32 s5, $0x0;
	s5 =	sld [smem:$0x3FA9]  }
0x2b: {  	s6 =	sld [smem:$0x3FAA]  }
0x2c: {  	s7 =	sld [smem:$0x3FAB]  }
0x2d: {  	s3 =	simm.s32 $0x108;
	s8 =	sld [smem:$0x3FAC]  }
0x2e: {  	s3 =	simm.s32 @!p0 $0x1082;
	s9 =	sld [smem:$0x3FAD]  }
0x2f: {  	lr =	sadd.s32 s0, s3;
	s0 =	sld [smem:$0x3FA4]  }
0x30: {  	s3 =	sld [smem:$0x3FA7]  }
0x31: {  	[smem:$0x3FB0] =	sst s10  }
0x32: {  	s10 =	sld [smem:$0x3FAE];
	_ =	sdelay $0x3  }
0x33: {  	p0 =	seq.s32 s10, $0x1;
	s10 =	sld [smem:$0x3FB0];
	_ =	sdelay $0x3  }
0x34: {  	[smem:$0x3FB0] =	sst s10  }
0x35: {  	s10 =	sld [smem:$0x3FAF];
	_ =	sdelay $0x3  }
0x36: {  	p1 =	seq.s32 s10, $0x1;
	s10 =	sld [smem:$0x3FB0];
	_ =	sdelay $0x3  }
0x37: {  	[smem:$0x3FB0] =	sst s10  }
0x38: {  	s10 =	sld [smem:$0x3FB1]  }
0x39: {  	_ = 	snop;
	(pc) =	sbr.ind lr, $3  }
0x3a: {  	_ = 	snop  }
0x3b: {  	_ = 	snop  }
0x3c: {  	p2 =	seq.s32 s10, $0x1;
	s10 =	sld [smem:$0x3FB0]  }
0x3d: {  	_ =	shalt  }
0x3e: {  	_ =	shalt  }
0x3f: {  	_ =	shalt  }
0x40: {  	_ =	shalt  }
0x41: {  	_ =	shalt  }
0x42: {  	_ =	shalt  }
0x43: {  	_ =	shalt  }
0x44: {  	_ =	shalt  }
0x45: {  	_ =	shalt  }
0x46: {  	_ =	shalt  }
0x47: {  	_ =	shalt  }
0x48: {  	_ =	shalt  }
0x49: {  	_ =	shalt  }
0x4a: {  	_ =	shalt  }
0x4b: {  	_ =	shalt  }
0x4c: {  	_ =	shalt  }
0x4d: {  	_ =	shalt  }
0x4e: {  	_ =	shalt  }
0x4f: {  	_ =	shalt  }
0x50: {  	_ =	shalt  }
0x51: {  	_ =	shalt  }
0x52: {  	_ =	shalt  }
0x53: {  	_ =	shalt  }
0x54: {  	_ =	shalt  }
0x55: {  	_ =	shalt  }
0x56: {  	_ =	shalt  }
0x57: {  	_ =	shalt  }
0x58: {  	_ =	shalt  }
0x59: {  	_ =	shalt  }
0x5a: {  	_ =	shalt  }
0x5b: {  	_ =	shalt  }
0x5c: {  	_ =	shalt  }
0x5d: {  	_ =	shalt  }
0x5e: {  	_ =	shalt  }
0x5f: {  	_ =	shalt  }
0x60: {  	_ =	shalt  }
0x61: {  	_ =	shalt  }
0x62: {  	_ =	shalt  }
0x63: {  	_ =	shalt  }
0x64: {  	_ =	shalt  }
0x65: {  	_ =	shalt  }
0x66: {  	_ =	shalt  }
0x67: {  	_ =	shalt  }
0x68: {  	_ =	shalt  }
0x69: {  	_ =	shalt  }
0x6a: {  	_ =	shalt  }
0x6b: {  	_ =	shalt  }
0x6c: {  	_ =	shalt  }
0x6d: {  	_ =	shalt  }
0x6e: {  	_ =	shalt  }
0x6f: {  	_ =	shalt  }
0x70: {  	_ =	shalt  }
0x71: {  	_ =	shalt  }
0x72: {  	_ =	shalt  }
0x73: {  	_ =	shalt  }
0x74: {  	_ =	shalt  }
0x75: {  	_ =	shalt  }
0x76: {  	_ =	shalt  }
0x77: {  	_ =	shalt  }
0x78: {  	_ =	shalt  }
0x79: {  	_ =	shalt  }
0x7a: {  	_ =	shalt  }
0x7b: {  	_ =	shalt  }
0x7c: {  	_ =	shalt  }
0x7d: {  	_ =	shalt  }
0x7e: {  	_ =	shalt  }
0x7f: {  	_ =	shalt  }
0x80: {  	_ =	shalt  }
0x81: {  	_ =	shalt  }
0x82: {  	_ =	shalt  }
0x83: {  	_ =	shalt  }
0x84: {  	_ =	shalt  }
0x85: {  	_ =	shalt  }
0x86: {  	_ =	shalt  }
0x87: {  	_ =	shalt  }
.Lfunc_end0:
.L_simem_size_0:
called_computation.4_lowered:
.L_overlay_start_0:
0x88: {  	s2 =	sld [smem:$0x3FD9]  }
0x89: {  	s3 =	sld [smem:$0x3FFE];
	_ =	sdelay $0x1  }
0x8a: {  	s1 =	srdreg.scid  }
0x8b: {  	s0 =	sand.u32 $0x1, s1  }
0x8c: {  	s17 =	sshll.u32 s0, $0xA;
	s2 =	sadd.s32 s3, s2  }
0x8d: {  	s2 =	sadd.s32 s2, s17  }
0x8e: {  	[smem:$0x3FBC] =	sst s2  }
0x8f: {  	_ = 	snop  }
0x90: {  	s2 =	sld [smem:$0x3FD0];
	(tm) =	ssettm $0x1  }
0x91: {  	s18 =	sld [smem:$0x3FFB];
	_ =	sdelay $0x3  }
0x92: {  	_ =	strace s18  }
0x93: {  	s3 =	sld [smem:$0x3FFC];
	_ =	sdelay $0x3  }
0x94: {  	_ =	strace s3  }
0x95: {  	s3 =	sld [smem:$0x3FFD];
	_ =	sdelay $0x3  }
0x96: {  	_ =	strace s3  }
0x97: {  	_ =	strace $0x8FFFFFFF  }
0x98: {  	s19 =	sld [smem:$0x3FDB];
	_ =	sdelay $0x1  }
0x99: {  	s4 =	simm.s32 $_scs_section_size  }
0x9a: {  	s5 =	simm.s32 $_size__tile_overlayer_lowered;
	s6 =	simm.s32 $_tile_overlayer_lowered  }
0x9b: {  	s22 =	simm.s32 $0x1BFF;
	s21 =	sshll.u32 s6, $0x1;
	s3 =	sadd.s32 s4, s19  }
0x9c: {  	s7 =	simm.s32 $0x0;
	s20 =	sshll.u32 s5, $0x1;
	s5 =	sadd.s32 s21, s3  }
0x9d: {  	[timem:s7], [sflag:s22] =	dma.local [hbm:s5], s20  }
0x9e: {  	_ =	swait.ge [sflag:s22], s20  }
0x9f: {  	s4 =	ssub.s32 $0x0, s20;
	[sflag:s22] =	ssyncset.done $0x0  }
0xa0: {  	[sflag:s22] =	ssyncadd.s32 s4;
	_ =	sdelay $0x1  }
0xa1: {  	s23 =	simm.s32 $0x1B8B  }
0xa2: {  	_ =	swait.ge [sflag:s23], $0x1  }
0xa3: {  	[sflag:s23] =	ssyncset.done $0x0  }
0xa4: {  	s25 =	simm.s32 $0x1B8E;
	s24 =	sld [smem:$0x3FFE];
	[sflag:s23] =	ssyncadd.s32 $0xFFFFFFFF  }
0xa5: {  	s26 =	simm.s32 $execute0_lowered;
	[smem:$0x3FD2] =	sst s25  }
0xa6: {  	s5 =	sshll.u32 s26, $0x1;
	_ =	strace $0x80000052;
	[dreg:$0x1] =	wrdreg $0xFFFFFFFF  }
0xa7: {  	s28 =	simm.s32 $_size_execute0_lowered;
	s3 =	sadd.s32 s3, s5;
	[dreg:$0x0] =	wrdreg $0x0  }
0xa8: {  	s5 =	sshll.u32 s28, $0x1;
	[dreg:$0x2] =	wrdreg s3  }
0xa9: {  	[dreg:$0x3] =	wrdreg s5  }
0xaa: {  	[dreg:$0x4] =	wrdreg $0xC0  }
0xab: {  	_ =	task [dreg:s7], $0x5FFFF  }
0xac: {  	[dreg:$0x1] =	wrdreg $0xFFFFFFFF  }
0xad: {  	[dreg:$0x0] =	wrdreg $0x60  }
0xae: {  	[dreg:$0x2] =	wrdreg s24  }
0xaf: {  	[dreg:$0x3] =	wrdreg s2  }
0xb0: {  	[dreg:$0x4] =	wrdreg $0xA8000  }
0xb1: {  	[dreg:$0x5] =	wrdreg $0x9  }
0xb2: {  	_ =	task.clear_ibuf [dreg:s7], $0x6FFFF;
	_ =	strace $0x90000052  }
0xb3: {  	s29 =	simm.s32 $0x9;
	_ =	strace $0x80000054  }
0xb4: {  	_ =	swait.ge [sflag:s29], $0x1  }
0xb5: {  	[sflag:s29] =	ssyncadd.s32 $0xFFFFFFFF  }
0xb6: {  	_ =	strace $0x90000054  }
0xb7: {  	_ =	sfence  }
0xb8: {  	s30 =	sld [smem:$0x0];
	_ =	sdelay $0x2  }
0xb9: {  	s31 =	sshll.u32 s1, $0xD;
	s1 =	sshrl.u32 s1, $0x2  }
0xba: {  	s3 =	sand.u32 $0x4000, s31;
	s1 =	sadd.s32 s1, s30  }
0xbb: {  	s0 =	sor.u32 s3, s0;
	s1 =	sshll.u32 s1, $0x11  }
0xbc: {  	s0 =	sor.u32 s1, s0  }
0xbd: {  	s0 =	sadd.s32 $0x8F2B, s0  }
0xbe: {  	[sflag:s0] =	ssyncadd.remote.s32 $0x1  }
0xbf: {  	_ =	sfence.sel $0xFFFF  }
0xc0: {  	[dreg:$0x0] =	wrdreg $0xFFFFFFFF;
	(pc) =	sbr.abs _section_cstart, $3  }
0xc1: {  	[dreg:$0x1] =	wrdreg $0xFFFFFFFF  }
0xc2: {  	_ =	task.clear_ibuf [dreg:s7], $0x2FFFF;
	_ =	strace $0x9FFFFFFF  }
0xc3: {  	(tm) =	ssettm $0x7FFFFFFF  }
tec
execute0_lowered:
.L_overlay_start_1:
0x0: {  	(tag) =	ssettag $0x1  }
0x1: {  	s8 =	rddreg [dreg:$0x0]  }
0x2: {  	s1 =	rddreg [dreg:$0x1]  }
0x3: {  	s2 =	rddreg [dreg:$0x2]  }
0x4: {  	s0 =	rddreg [dreg:$0x3];
	s3 =	simm.s32 $0x0  }
0x5: {  	s4 =	srdreg.scid;
	s15 =	simm.s32 $0x2800;
	s16 =	simm.s32 $0x6800  }
0x6: {  	s17 =	simm.s32 $0x1;
	s18 =	simm.s32 $0x2;
	[smem:$0x7FF] =	sst s3  }
0x7: {  	s19 =	sand.u32 $0x1, s4;
	s4 =	stileid.u32;
	s5 =	sadd.s32 $0x11C00, s8  }
0x8: {  	s6 =	sadd.s32 $0x4C00, s8;
	s7 =	sadd.s32 $0xF400, s8;
	s9 =	smul.u32 $0x28000, s19  }
0x9: {  	_ =	strace $0x80000053;
	s10 =	smul.u32 $0x50000, s4;
	s29 =	ssub.s32 $0x2, s19  }
0xa: {  	s12 =	smul.u32 $0x28, s4;
	s31 =	sshll.u32 s4, $0x6;
	p0 =	seq.s32 s19, $0x0  }
0xb: {  	s21 =	smul.u32 $0x2800, s4;
	s30 =	sshrl.u32 s29, $0x1;
	s11 =	sadd.s32 s9, s8  }
0xc: {  	s10 =	sshrl.u32 s10, $0x2;
	s13 =	ssub.s32 s29, s30;
	s8 =	sadd.s32 $0x780, s12  }
0xd: {  	s9 =	sor.u32 $0x1C03, s31;
	s14 =	sadd.s32 s10, s2;
	s10 =	smul.u32 $0x78, s4  }
0xe: {  	s12 =	simm.s32 $0x3;
	s20 =	sadd.s32 $0x89C00, s11;
	s11 =	sshrl.u32 s14, $0x3  }
0xf: {  	s14 =	simm.s32 $0x80;
	s8 =	smov.u32 @p0 s10;
	s10 =	smax.u32 s13, $0x1  }
0x10: {  	s13 =	simm.s32 $0x1400;
	p0 =	sne.s32 s19, $0x0;
	s19 =	sadd.s32 s21, s20  }
.LBB2_1:
0x11: {  	[spmem:s11], [sflag:s9] =	dma.local [hbm:s7], $0x2800  }
0x12: {  	_ =	swait.ge [sflag:s12], $0x2800  }
0x13: {  	[sflag:s12] =	ssyncset.done $0x0  }
0x14: {  	[sflag:s12] =	ssyncadd.s32 $0xFFFFD800  }
0x15: {  	s20 =	simm.s32 $0x0;
	[bflag:$0x0] =	sbarrier.arrive $0xFFFF  }
.LBB2_2:
0x16: {  	s21 =	smul.u32 $0x28, s20;
	_ =	sdelay $0x1  }
0x17: {  	s21 =	sadd.s32 s8, s21  }
0x18: {  	s21 =	sshll.u32 s21, $0x4  }
0x19: {  	s23 =	simm.s32 $0x0;
	s22 =	sadd.s32 s1, s21  }
0x1a: {  	[tilespmem:s23], [sflag:$0x3] =	stream.linear.gather [hbm4b:s22+s23], $0x1400, $0x38;
	[tilespmem:$0x1E800] =	vst v63  }
0x1b: {  	_ =	swait.ge [sflag:s12], $0x1400  }
0x1c: {  	[sflag:s12] =	ssyncset.done $0x0  }
0x1d: {  	s21 =	sadd.s32 s6, s21;
	[sflag:s12] =	ssyncadd.s32 $0xFFFFEC00  }
0x1e: {  	[tilespmem:s13], [sflag:$0x3] =	stream.linear.gather [hbm4b:s21+s23], $0x1400, $0x38;
	[tilespmem:$0x1E800] =	vst v63  }
0x1f: {  	_ =	swait.ge [sflag:s12], $0x1400  }
0x20: {  	[sflag:s12] =	ssyncset.done $0x0  }
0x21: {  	s28 =	simm.s32 $0x0;
	[sflag:s12] =	ssyncadd.s32 $0xFFFFEC00  }
0x22: {  	[tilespmem:s15], [sflag:$0x1] =	stream.indirect.gather [hbm4b:s5+s14], $0x80, s28, s14, $0xb8;
	[tilespmem:$0x1E800] =	vst v63  }
0x23: {  	s29 =	simm.s32 $0x80  }
0x24: {  	[tilespmem:s16], [sflag:$0x2] =	stream.indirect.gather [hbm4b:s5+s14], $0x80, s29, s14, $0xb8;
	[tilespmem:$0x1E800] =	vst v63  }
0x25: {  	_ =	swait.ge [sflag:s17], $0x4000  }
0x26: {  	[sflag:s17] =	ssyncset.done $0x0  }
0x27: {  	s30 =	simm.s32 $0x1400;
	[sflag:s17] =	ssyncadd.s32 $0xFFFFC000  }
0x28: {  	[spmem:s2] =	stream.indirect.scatter.add.f32 [tilespmem:s15], [sflag:$0x3], $0x80, s30, s14, $0xb8;
	[tilespmem:$0x1E800] =	vst v63  }
0x29: {  	_ =	swait.ge [sflag:s12], $0x4000  }
0x2a: {  	[sflag:s12] =	ssyncset.done $0x0  }
0x2b: {  	[sflag:s12] =	ssyncadd.s32 $0xFFFFC000  }
0x2c: {  	_ =	swait.ge [sflag:s18], $0x4000  }
0x2d: {  	[sflag:s18] =	ssyncset.done $0x0  }
0x2e: {  	s31 =	simm.s32 $0x1480;
	[sflag:s18] =	ssyncadd.s32 $0xFFFFC000  }
0x2f: {  	[spmem:s2] =	stream.indirect.scatter.add.f32 [tilespmem:s16], [sflag:$0x3], $0x80, s31, s14, $0xb8;
	[tilespmem:$0x1E800] =	vst v63  }
0x30: {  	_ =	swait.ge [sflag:s12], $0x4000  }
0x31: {  	s22 =	simm.s32 $0x800;
	s21 =	simm.s32 $0x400;
	[sflag:s12] =	ssyncset.done $0x0  }
.LBB2_3:
0x32: {  	s23 =	sshra.s32 s21, $0x2  }
0x33: {  	[sflag:s12] =	ssyncadd.s32 $0xFFFFC000;
	s21 =	smov.u32 s22;
	s24 =	sadd.s32 $0x400, s22  }
0x34: {  	[tilespmem:s15], [sflag:$0x1] =	stream.indirect.gather [hbm4b:s5+s14], $0x80, s23, s14, $0xb8;
	[tilespmem:$0x1E800] =	vst v63  }
0x35: {  	p1 =	sne.s32 s22, $0x4C00;
	s22 =	sadd.s32 $0x80, s23  }
0x36: {  	[tilespmem:s16], [sflag:$0x2] =	stream.indirect.gather [hbm4b:s5+s14], $0x80, s22, s14, $0xb8;
	[tilespmem:$0x1E800] =	vst v63  }
0x37: {  	_ =	swait.ge [sflag:s17], $0x4000  }
0x38: {  	[sflag:s17] =	ssyncset.done $0x0  }
0x39: {  	s22 =	sadd.s32 $0x1400, s23;
	[sflag:s17] =	ssyncadd.s32 $0xFFFFC000  }
0x3a: {  	[spmem:s2] =	stream.indirect.scatter.add.f32 [tilespmem:s15], [sflag:$0x3], $0x80, s22, s14, $0xb8;
	[tilespmem:$0x1E800] =	vst v63  }
0x3b: {  	_ =	swait.ge [sflag:s12], $0x4000  }
0x3c: {  	[sflag:s12] =	ssyncset.done $0x0  }
0x3d: {  	[sflag:s12] =	ssyncadd.s32 $0xFFFFC000  }
0x3e: {  	_ =	swait.ge [sflag:s18], $0x4000  }
.Ltmp0:
0x3f: {  	[sflag:s18] =	ssyncset.done $0x0;
	(pc) =	sbr.rel @p1 .LBB2_3-.Ltmp0, $4  }
0x40: {  	s22 =	sadd.s32 $0x1480, s23;
	[sflag:s18] =	ssyncadd.s32 $0xFFFFC000  }
0x41: {  	[spmem:s2] =	stream.indirect.scatter.add.f32 [tilespmem:s16], [sflag:$0x3], $0x80, s22, s14, $0xb8;
	[tilespmem:$0x1E800] =	vst v63  }
0x42: {  	_ =	swait.ge [sflag:s12], $0x4000  }
0x43: {  	s22 =	smov.u32 s24;
	[sflag:s12] =	ssyncset.done $0x0  }
0x44: {  	s21 =	sshra.s32 s21, $0x2;
	[sflag:s12] =	ssyncadd.s32 $0xFFFFC000  }
0x45: {  	[tilespmem:s15], [sflag:$0x1] =	stream.indirect.gather [hbm4b:s5+s14], $0x80, s21, s14, $0xb8;
	[tilespmem:$0x1E800] =	vst v63  }
0x46: {  	s22 =	sadd.s32 $0x80, s21  }
0x47: {  	[tilespmem:s16], [sflag:$0x2] =	stream.indirect.gather [hbm4b:s5+s14], $0x80, s22, s14, $0xb8;
	[tilespmem:$0x1E800] =	vst v63  }
0x48: {  	_ =	swait.ge [sflag:s17], $0x4000  }
0x49: {  	[sflag:s17] =	ssyncset.done $0x0  }
0x4a: {  	s31 =	sadd.s32 $0x1400, s21;
	[sflag:s17] =	ssyncadd.s32 $0xFFFFC000  }
0x4b: {  	[spmem:s2] =	stream.indirect.scatter.add.f32 [tilespmem:s15], [sflag:$0x3], $0x80, s31, s14, $0xb8;
	[tilespmem:$0x1E800] =	vst v63  }
0x4c: {  	_ =	swait.ge [sflag:s12], $0x4000  }
0x4d: {  	[sflag:s12] =	ssyncset.done $0x0  }
0x4e: {  	[sflag:s12] =	ssyncadd.s32 $0xFFFFC000  }
0x4f: {  	p1 =	slt.u32 @!p0 s20, $0x2;
	_ =	swait.ge [sflag:s18], $0x4000  }
0x50: {  	p1 =	por p0, !p1;
	[sflag:s18] =	ssyncset.done $0x0  }
.Ltmp1:
0x51: {  	s21 =	sadd.s32 $0x1480, s21;
	[sflag:s18] =	ssyncadd.s32 $0xFFFFC000;
	(pc) =	sbr.rel @!p1 .LBB2_2-.Ltmp1, $4  }
0x52: {  	[spmem:s2] =	stream.indirect.scatter.add.f32 [tilespmem:s16], [sflag:$0x3], $0x80, s21, s14, $0xb8;
	[tilespmem:$0x1E800] =	vst v63  }
0x53: {  	_ =	swait.ge [sflag:s12], $0x4000  }
0x54: {  	[sflag:s12] =	ssyncset.done $0x0  }
0x55: {  	s20 =	sadd.s32 $0x1, s20;
	[sflag:s12] =	ssyncadd.s32 $0xFFFFC000  }
0x56: {  	s3 =	sadd.s32 $0x1, s3  }
0x57: {  	p1 =	sne.s32 s3, s10  }
.Ltmp2:
0x58: {  	[bflag:$0x0] =	sbarrier.arrive $0xFFFF;
	(pc) =	sbr.rel @p1 .LBB2_1-.Ltmp2, $4  }
0x59: {  	[hbm:s19], [sflag:s9] =	dma.local [spmem:s11], $0x2800  }
0x5a: {  	_ =	swait.ge [sflag:s12], $0x2800  }
0x5b: {  	[sflag:s12] =	ssyncset.done $0x0  }
0x5c: {  	[sflag:s12] =	ssyncadd.s32 $0xFFFFD800  }
0x5d: {  	_ =	sfence.sel $0x180000  }
0x5e: {  	[bflag:$0x0] =	sbarrier.arrive $0xFFFF  }
0x5f: {  	p0 =	sne.s32 s4, $0x0;
	_ =	strace $0x90000053  }
0x60: {  	s0 =	sadd.s32 @!p0 $0x100000, s0;
	[bflag:$0x2] =	sbarrier.arrive $0xFFFF  }
0x61: {  	[sflag:s0] =	ssyncadd.tile.s32 @!p0 $0x1;
	_ =	shalt  }
.Lfunc_end2:
_tile_overlayer_lowered:
.L_overlay_start_2:
0x62: {  	(tag) =	ssettag $0x2  }
0x63: {  	s0 =	rddreg [dreg:$0x0];
	s2 =	stileid.u32  }
0x64: {  	s1 =	rddreg [dreg:$0x1];
	p0 =	sne.s32 s2, $0x0  }
0x65: {  	s3 =	rddreg [dreg:$0x2];
	[bflag:$0x3] =	sbarrier.arrive $0xFFFF;
	s2 =	simm.s32 @!p0 $0x1C03  }
0x66: {  	[timem:s3], [sflag:s2] =	dma.local @!p0 [hbm:s0], s1  }
0x67: {  	s0 =	simm.s32 @!p0 $0x3  }
0x68: {  	_ =	swait.ge @!p0 [sflag:s0], s1  }
0x69: {  	s1 =	ssub.s32 @!p0 $0x0, s1;
	[sflag:s0] =	ssyncset.done @!p0 $0x0  }
0x6a: {  	[sflag:s0] =	ssyncadd.s32 @!p0 s1  }
0x6b: {  	[bflag:$0x3] =	sbarrier.arrive $0xFFFF  }
0x6c: {  	_ =	shalt  }

</sc_bundles>
